<compile_context>
chip_gen: v7x
topology: tpu7x:2x2x1
jax: 0.10.2.dev20260603
libtpu: 0.0.44.dev20260713+nightly
codegen_flags: <defaults>
</compile_context>

<pallas_src>
import jax
import jax.numpy as jnp
from jax import lax
from jax.experimental import pallas as pl
from jax.experimental.pallas import tpu as pltpu
from jax.experimental.pallas import tpu_sc as plsc

N, E, D, DE, DG, H = 10000, 160000, 256, 16, 128, 512

NC, NS = 2, 16
NW = NC * NS
EPA = 81920
EHB = E - EPA
EPB = 81920
DP = D // 2
DH = D // 2

G_IDX = 128
TLOAD = 624
TLAST = N - (NS - 1) * TLOAD

S_IDX = 128
TRASH = 8
ACC_R = N + TRASH
ZR = 632
ZR_LAST = ACC_R - 15 * ZR
WR = 624
WR_TAIL = N - NS * WR

RB_EA = 4096
RB_EB = 4880
RB_N = 2000


def _make_gather(ep):
  g_per_w = ep // NW
  g_nch = g_per_w // G_IDX

  def _sc_gather_body(idx_hbm, table_hbm, out_hbm, idx_v, buf0, buf1, tbl, sem):
    c = lax.axis_index("c")
    s = lax.axis_index("s")
    w = s * NC + c
    base = w * g_per_w

    @pl.when(s < NS - 1)
    def _load_main():
        pltpu.sync_copy(table_hbm.at[pl.ds(s * TLOAD, TLOAD), :],
                        tbl.at[pl.ds(s * TLOAD, TLOAD), :])

    @pl.when(s == NS - 1)
    def _load_last():
        pltpu.sync_copy(table_hbm.at[pl.ds((NS - 1) * TLOAD, TLAST), :],
                        tbl.at[pl.ds((NS - 1) * TLOAD, TLAST), :])

    pltpu.sync_copy(idx_hbm.at[w], idx_v)
    plsc.subcore_barrier()

    pltpu.async_copy(tbl.at[idx_v.at[0]], buf0, sem)

    def pair(p, _):
        i0 = 2 * p
        pltpu.make_async_copy(tbl.at[idx_v.at[i0]], buf0, sem).wait()
        pltpu.async_copy(tbl.at[idx_v.at[i0 + 1]], buf1, sem)
        pltpu.sync_copy(buf0, out_hbm.at[pl.ds(base + i0 * G_IDX, G_IDX), :])
        pltpu.make_async_copy(tbl.at[idx_v.at[i0 + 1]], buf1, sem).wait()

        @pl.when(p < g_nch // 2 - 1)
        def _prefetch():
            pltpu.async_copy(tbl.at[idx_v.at[i0 + 2]], buf0, sem)

        pltpu.sync_copy(buf1, out_hbm.at[pl.ds(base + (i0 + 1) * G_IDX, G_IDX), :])
        return 0

    lax.fori_loop(0, g_nch // 2, pair, 0)

  return pl.kernel(
      _sc_gather_body,
      out_type=jax.ShapeDtypeStruct((ep, DP), jnp.int32),
      mesh=plsc.VectorSubcoreMesh(core_axis_name="c", subcore_axis_name="s"),
      scratch_types=[
          pltpu.VMEM((g_nch, G_IDX), jnp.int32),
          pltpu.VMEM((G_IDX, DP), jnp.int32),
          pltpu.VMEM((G_IDX, DP), jnp.int32),
          pltpu.VMEM_SHARED((N, DP), jnp.int32),
          pltpu.SemaphoreType.DMA,
      ],
  )


def _make_scatter(ep):
  s_per_t = ep // NS
  s_nch = s_per_t // S_IDX

  def _sc_scatter_body(ridx_hbm, e_hbm, out_hbm, idx_v, buf0, buf1, acc, sem):
    c = lax.axis_index("c")
    s = lax.axis_index("s")
    zero16 = jnp.zeros((16,), jnp.float32)

    def zrow(r, _):
        for k in range(DH // 16):
            buf0[r, pl.ds(k * 16, 16)] = zero16
        return 0

    lax.fori_loop(0, S_IDX, zrow, 0)

    @pl.when(s < NS - 1)
    def _zero_main():
        zb = s * ZR
        for t in range(ZR // S_IDX):
            pltpu.sync_copy(buf0, acc.at[pl.ds(zb + t * S_IDX, S_IDX), :])
        zrem = ZR % S_IDX
        pltpu.sync_copy(buf0.at[pl.ds(0, zrem), :],
                        acc.at[pl.ds(zb + ZR - zrem, zrem), :])

    @pl.when(s == NS - 1)
    def _zero_last():
        zb = (NS - 1) * ZR
        for t in range(ZR_LAST // S_IDX):
            pltpu.sync_copy(buf0, acc.at[pl.ds(zb + t * S_IDX, S_IDX), :])
        zrem = ZR_LAST % S_IDX
        pltpu.sync_copy(buf0.at[pl.ds(0, zrem), :],
                        acc.at[pl.ds(zb + ZR_LAST - zrem, zrem), :])

    pltpu.sync_copy(ridx_hbm.at[s], idx_v)
    plsc.subcore_barrier()

    row0 = s * s_per_t
    col = c * DH
    pltpu.async_copy(e_hbm.at[pl.ds(row0, S_IDX), pl.ds(col, DH)], buf0, sem)

    def pair(p, _):
        i0 = 2 * p
        pltpu.make_async_copy(e_hbm.at[pl.ds(row0 + i0 * S_IDX, S_IDX),
                                       pl.ds(col, DH)], buf0, sem).wait()
        pltpu.async_copy(e_hbm.at[pl.ds(row0 + (i0 + 1) * S_IDX, S_IDX),
                                  pl.ds(col, DH)], buf1, sem)
        pltpu.sync_copy(buf0, acc.at[idx_v.at[i0]], add=True)
        pltpu.make_async_copy(e_hbm.at[pl.ds(row0 + (i0 + 1) * S_IDX, S_IDX),
                                       pl.ds(col, DH)], buf1, sem).wait()

        @pl.when(p < s_nch // 2 - 1)
        def _prefetch():
            pltpu.async_copy(e_hbm.at[pl.ds(row0 + (i0 + 2) * S_IDX, S_IDX),
                                      pl.ds(col, DH)], buf0, sem)

        pltpu.sync_copy(buf1, acc.at[idx_v.at[i0 + 1]], add=True)
        return 0

    lax.fori_loop(0, s_nch // 2, pair, 0)
    plsc.subcore_barrier()

    pltpu.sync_copy(acc.at[pl.ds(s * WR, WR), :],
                    out_hbm.at[pl.ds(s * WR, WR), pl.ds(col, DH)])

    @pl.when(s == NS - 1)
    def _write_tail():
        pltpu.sync_copy(acc.at[pl.ds(NS * WR, WR_TAIL), :],
                        out_hbm.at[pl.ds(NS * WR, WR_TAIL), pl.ds(col, DH)])

  return pl.kernel(
      _sc_scatter_body,
      out_type=jax.ShapeDtypeStruct((N, D), jnp.float32),
      mesh=plsc.VectorSubcoreMesh(core_axis_name="c", subcore_axis_name="s"),
      scratch_types=[
          pltpu.VMEM((s_nch, S_IDX), jnp.int32),
          pltpu.VMEM((S_IDX, DH), jnp.float32),
          pltpu.VMEM((S_IDX, DH), jnp.float32),
          pltpu.VMEM_SHARED((ACC_R, DH), jnp.float32),
          pltpu.SemaphoreType.DMA,
      ],
  )


_gather_a = _make_gather(EPA)
_gather_b = _make_gather(EPB)
_scatter_a = _make_scatter(EPA)
_scatter_b = _make_scatter(EPB)


def _edge_tc(sent_ref, edges_ref, we_ref, be_ref, out_ref):
    z = jnp.dot(edges_ref[...], we_ref[...], preferred_element_type=jnp.float32)
    packed = sent_ref[...]
    lo = jax.lax.bitcast_convert_type(packed << 16, jnp.float32)
    hi = jax.lax.bitcast_convert_type(packed & jnp.int32(-65536), jnp.float32)
    sent = jnp.concatenate([lo, hi], axis=1)
    x = sent + z + be_ref[...]
    u = jnp.exp(jnp.minimum(x, 30.0))
    u = u * (u + 2.0)
    out_ref[...] = x * u / (u + 2.0)


def _mlp_tc(nodes_ref, ra_ref, rb_ref, g_ref, eps_ref, w1a_ref, w1b_ref,
            b1_ref, w2_ref, b2_ref, out_ref):
    h = ((1.0 + eps_ref[...]) * nodes_ref[...] + ra_ref[...] + rb_ref[...])
    gv = jnp.dot(g_ref[...], w1b_ref[...], preferred_element_type=jnp.float32) + b1_ref[...]
    t = jnp.maximum(jnp.dot(h, w1a_ref[...], preferred_element_type=jnp.float32) + gv, 0.0)
    out_ref[...] = jnp.dot(t, w2_ref[...], preferred_element_type=jnp.float32) + b2_ref[...]


def _edge_call(sent, edges_h, W_e_kernel, be_row, rb, n_real, ep):
    return pl.pallas_call(
        _edge_tc,
        grid=(n_real // rb,),
        in_specs=[
            pl.BlockSpec((rb, DP), lambda i: (i, 0)),
            pl.BlockSpec((rb, DE), lambda i: (i, 0)),
            pl.BlockSpec((DE, D), lambda i: (0, 0)),
            pl.BlockSpec((1, D), lambda i: (0, 0)),
        ],
        out_specs=pl.BlockSpec((rb, D), lambda i: (i, 0)),
        out_shape=jax.ShapeDtypeStruct((ep, D), jnp.float32),
    )(sent, edges_h, W_e_kernel, be_row)


def kernel(nodes, edges, globals_, senders, receivers, epsilon,
           W_e_kernel, W_e_bias, W1, b1, W2, b2):
    lo16 = jax.lax.bitcast_convert_type(
        nodes[:, :DH].astype(jnp.bfloat16), jnp.uint16).astype(jnp.uint32)
    hi16 = jax.lax.bitcast_convert_type(
        nodes[:, DH:].astype(jnp.bfloat16), jnp.uint16).astype(jnp.uint32)
    nodes_packed = ((hi16 << 16) | lo16).astype(jnp.int32)

    idx_pad = jnp.zeros((EPB - EHB,), jnp.int32)
    trash_pad = N + (jnp.arange(EPB - EHB, dtype=jnp.int32) % TRASH)
    be_row = W_e_bias.reshape(1, D)

    sent_a = _gather_a(
        senders[:EPA].reshape(NW, EPA // NW // G_IDX, G_IDX), nodes_packed)
    sent_b = _gather_b(
        jnp.concatenate([senders[EPA:], idx_pad]).reshape(
            NW, EPB // NW // G_IDX, G_IDX),
        nodes_packed)

    e_a = _edge_call(sent_a, edges[:EPA], W_e_kernel, be_row, RB_EA, EPA, EPA)
    e_b = _edge_call(sent_b, edges[EPA:], W_e_kernel, be_row, RB_EB, EHB, EPB)

    recv_a = _scatter_a(
        receivers[:EPA].reshape(NS, EPA // NS // S_IDX, S_IDX), e_a)
    recv_b = _scatter_b(
        jnp.concatenate([receivers[EPA:], trash_pad]).reshape(
            NS, EPB // NS // S_IDX, S_IDX),
        e_b)

    out = pl.pallas_call(
        _mlp_tc,
        grid=(N // RB_N,),
        in_specs=[
            pl.BlockSpec((RB_N, D), lambda i: (i, 0)),
            pl.BlockSpec((RB_N, D), lambda i: (i, 0)),
            pl.BlockSpec((RB_N, D), lambda i: (i, 0)),
            pl.BlockSpec((1, DG), lambda i: (0, 0)),
            pl.BlockSpec((1, 1), lambda i: (0, 0)),
            pl.BlockSpec((D, H), lambda i: (0, 0)),
            pl.BlockSpec((DG, H), lambda i: (0, 0)),
            pl.BlockSpec((1, H), lambda i: (0, 0)),
            pl.BlockSpec((H, D), lambda i: (0, 0)),
            pl.BlockSpec((1, D), lambda i: (0, 0)),
        ],
        out_specs=pl.BlockSpec((RB_N, D), lambda i: (i, 0)),
        out_shape=jax.ShapeDtypeStruct((N, D), jnp.float32),
    )(nodes, recv_a, recv_b, globals_, epsilon, W1[:D], W1[D:],
      b1.reshape(1, H), W2, b2.reshape(1, D))
    return out

# --- scband reference (transcript-rebuilt; emitter-appended) ---
"""Pipeline reference for scband-gin-87393994539471 (READ-ONLY COPY).

The authoritative reference and input builder live on the scoring server;
editing this copy changes nothing except your own understanding.
"""

import jax, jax.numpy as jnp
import numpy as np

N, E, D, DE, DG, H = 10000, 160000, 256, 16, 128, 512

def mish(x):
    return x * jnp.tanh(jax.nn.softplus(x))

def setup_inputs(seed: int = 0) -> dict:
    key = jax.random.key(seed)
    ks = jax.random.split(key, 12)
    nodes = jax.random.normal(ks[0], (N, D), dtype=jnp.float32)
    edges = jax.random.normal(ks[1], (E, DE), dtype=jnp.float32)
    globals_ = jax.random.normal(ks[2], (1, DG), dtype=jnp.float32)
    senders = jax.random.randint(ks[3], (E,), 0, N, dtype=jnp.int32)
    receivers = jax.random.randint(ks[4], (E,), 0, N, dtype=jnp.int32)
    # learned parameters
    W_e_kernel = jax.random.normal(ks[5], (DE, D), dtype=jnp.float32) * (1.0 / np.sqrt(DE))
    W_e_bias = jnp.zeros((D,), dtype=jnp.float32)
    epsilon = jnp.zeros((1, 1), dtype=jnp.float32)
    W1 = jax.random.normal(ks[6], (D + DG, H), dtype=jnp.float32) * (1.0 / np.sqrt(D + DG))
    b1 = jnp.zeros((H,), dtype=jnp.float32)
    W2 = jax.random.normal(ks[7], (H, D), dtype=jnp.float32) * (1.0 / np.sqrt(H))
    b2 = jnp.zeros((D,), dtype=jnp.float32)
    return {"nodes": nodes, "edges": edges, "globals_": globals_, "senders": senders,
            "receivers": receivers, "epsilon": epsilon, "W_e_kernel": W_e_kernel,
            "W_e_bias": W_e_bias, "W1": W1, "b1": b1, "W2": W2, "b2": b2}

def reference(nodes, edges, globals_, senders, receivers, epsilon, W_e_kernel, W_e_bias, W1, b1, W2, b2):
    num_nodes = nodes.shape[-2]
    # gather sender node attributes
    sent_attributes = jnp.take(nodes, senders, axis=0)
    # edge embedding + mish
    e = mish(sent_attributes + (edges @ W_e_kernel + W_e_bias))
    # aggregate messages at receivers (scatter-add)
    received_attributes = jax.ops.segment_sum(e, receivers, num_segments=num_nodes)
    # GIN update with learned epsilon
    h = (1.0 + epsilon) * nodes + received_attributes
    # concatenate broadcast globals
    g = jnp.repeat(globals_, num_nodes, axis=-2)
    h = jnp.concatenate([h, g], axis=-1)
    # MLP
    h = jax.nn.relu(h @ W1 + b1)
    out = h @ W2 + b2
    return out

if __name__ == "__main__":
    import jax
    _d = setup_inputs()
    print(jax.jit(kernel)(*tuple(_d.values())))

</pallas_src>

<mosaic_0001>
#map = affine_map<(d0, d1) -> (0, 0, 0)>
#map1 = affine_map<(d0, d1) -> (0, 0)>
module attributes {stable_mosaic.version = 14 : i64} {
  func.func @_sc_gather_body(%arg0: i32, %arg1: i32, %arg2: memref<32x20x128xi32, #tpu.memory_space<hbm>>, %arg3: memref<10000x128xi32, #tpu.memory_space<hbm>>, %arg4: memref<81920x128xi32, #tpu.memory_space<hbm>>, %arg5: memref<20x128xi32, #tpu.memory_space<vmem>>, %arg6: memref<128x128xi32, #tpu.memory_space<vmem>>, %arg7: memref<128x128xi32, #tpu.memory_space<vmem>>, %arg8: memref<10000x128xi32, #tpu.memory_space<vmem_shared>>, %arg9: memref<!tpu.dma_semaphore, #tpu.memory_space<semaphore_mem>>) attributes {dimension_semantics = [#tpu.dimension_semantics<core_parallel>, #tpu.dimension_semantics<subcore_parallel>], iteration_bounds = array<i64: 2, 16>, scalar_prefetch = 0 : i64, scratch_operands = 5 : i64, tpu.core_type = #tpu.core_type<sc_vector_subcore>, window_params = [{transform_indices = #map}, {transform_indices = #map1}, {transform_indices = #map1}]} {
    %mul3A = arith.constant 2 : i32
    %mul3A_0 = arith.muli %arg1, %mul3A : i32
    %add3A = arith.addi %mul3A_0, %arg0 : i32
    %mul3A_1 = arith.constant 2560 : i32
    %mul3A_2 = arith.muli %add3A, %mul3A_1 : i32
    %lt3A = arith.constant 15 : i32
    %lt3A_3 = arith.cmpi slt, %arg1, %lt3A : i32
    %convert_element_type3A = arith.extui %lt3A_3 : i1 to i32
    %cond3A = arith.constant 0 : i32
    %cond3A_4 = arith.cmpi ne, %convert_element_type3A, %cond3A : i32
    scf.if %cond3A_4 {
      %mul3A_21 = arith.constant 624 : i32
      %mul3A_22 = arith.muli %arg1, %mul3A_21 : i32
      %mul3A_23 = arith.constant 624 : i32
      %mul3A_24 = arith.muli %arg1, %mul3A_23 : i32
      "tpu.region"() ({
        %run_scoped3A = tpu.sem_alloc : memref<!tpu.dma_semaphore, #tpu.memory_space<semaphore_mem>>
        %dma_start3A_25 = arith.constant 0 : i32
        %dma_start3A_26 = tpu.memref_slice %arg8[%mul3A_24, %dma_start3A_25] : memref<10000x128xi32, #tpu.memory_space<vmem_shared>> -> memref<624x128xi32, #tpu.memory_space<vmem_shared>>
        %dma_start3A_27 = arith.constant 0 : i32
        %dma_start3A_28 = tpu.memref_slice %arg3[%mul3A_22, %dma_start3A_27] : memref<10000x128xi32, #tpu.memory_space<hbm>> -> memref<624x128xi32, #tpu.memory_space<hbm>>
        tpu.enqueue_dma source(%dma_start3A_28 : memref<624x128xi32, #tpu.memory_space<hbm>>) target(%dma_start3A_26 : memref<624x128xi32, #tpu.memory_space<vmem_shared>>) target_semaphore(%run_scoped3A : memref<!tpu.dma_semaphore, #tpu.memory_space<semaphore_mem>>)
        %dma_wait3A = arith.constant 0 : i32
        %dma_wait3A_29 = tpu.memref_slice %arg8[%mul3A_24, %dma_wait3A] : memref<10000x128xi32, #tpu.memory_space<vmem_shared>> -> memref<624x128xi32, #tpu.memory_space<vmem_shared>>
        %dma_wait3A_30 = arith.constant 0 : i32
        %dma_wait3A_31 = tpu.memref_slice %arg3[%mul3A_22, %dma_wait3A_30] : memref<10000x128xi32, #tpu.memory_space<hbm>> -> memref<624x128xi32, #tpu.memory_space<hbm>>
        tpu.wait_dma2 semaphore(%run_scoped3A : memref<!tpu.dma_semaphore, #tpu.memory_space<semaphore_mem>>) src(%dma_wait3A_31 : memref<624x128xi32, #tpu.memory_space<hbm>>) dst(%dma_wait3A_29 : memref<624x128xi32, #tpu.memory_space<vmem_shared>>)
        tpu.yield
      }) : () -> ()
    } else {
    }
    %eq3A = arith.constant 15 : i32
    %eq3A_5 = arith.cmpi eq, %arg1, %eq3A : i32
    %convert_element_type3A_6 = arith.extui %eq3A_5 : i1 to i32
    %cond3A_7 = arith.constant 0 : i32
    %cond3A_8 = arith.cmpi ne, %convert_element_type3A_6, %cond3A_7 : i32
    scf.if %cond3A_8 {
      "tpu.region"() ({
        %run_scoped3A = tpu.sem_alloc : memref<!tpu.dma_semaphore, #tpu.memory_space<semaphore_mem>>
        %dma_start3A_21 = arith.constant 9360 : i32
        %dma_start3A_22 = arith.constant 0 : i32
        %dma_start3A_23 = tpu.memref_slice %arg8[%dma_start3A_21, %dma_start3A_22] : memref<10000x128xi32, #tpu.memory_space<vmem_shared>> -> memref<640x128xi32, #tpu.memory_space<vmem_shared>>
        %dma_start3A_24 = arith.constant 9360 : i32
        %dma_start3A_25 = arith.constant 0 : i32
        %dma_start3A_26 = tpu.memref_slice %arg3[%dma_start3A_24, %dma_start3A_25] : memref<10000x128xi32, #tpu.memory_space<hbm>> -> memref<640x128xi32, #tpu.memory_space<hbm>>
        tpu.enqueue_dma source(%dma_start3A_26 : memref<640x128xi32, #tpu.memory_space<hbm>>) target(%dma_start3A_23 : memref<640x128xi32, #tpu.memory_space<vmem_shared>>) target_semaphore(%run_scoped3A : memref<!tpu.dma_semaphore, #tpu.memory_space<semaphore_mem>>)
        %dma_wait3A = arith.constant 9360 : i32
        %dma_wait3A_27 = arith.constant 0 : i32
        %dma_wait3A_28 = tpu.memref_slice %arg8[%dma_wait3A, %dma_wait3A_27] : memref<10000x128xi32, #tpu.memory_space<vmem_shared>> -> memref<640x128xi32, #tpu.memory_space<vmem_shared>>
        %dma_wait3A_29 = arith.constant 9360 : i32
        %dma_wait3A_30 = arith.constant 0 : i32
        %dma_wait3A_31 = tpu.memref_slice %arg3[%dma_wait3A_29, %dma_wait3A_30] : memref<10000x128xi32, #tpu.memory_space<hbm>> -> memref<640x128xi32, #tpu.memory_space<hbm>>
        tpu.wait_dma2 semaphore(%run_scoped3A : memref<!tpu.dma_semaphore, #tpu.memory_space<semaphore_mem>>) src(%dma_wait3A_31 : memref<640x128xi32, #tpu.memory_space<hbm>>) dst(%dma_wait3A_28 : memref<640x128xi32, #tpu.memory_space<vmem_shared>>)
        tpu.yield
      }) : () -> ()
    } else {
    }
    "tpu.region"() ({
      %run_scoped3A = tpu.sem_alloc : memref<!tpu.dma_semaphore, #tpu.memory_space<semaphore_mem>>
      %dma_start3A_21 = arith.constant 0 : i32
      %dma_start3A_22 = arith.constant 0 : i32
      %dma_start3A_23 = tpu.memref_slice %arg2[%add3A, %dma_start3A_21, %dma_start3A_22] : memref<32x20x128xi32, #tpu.memory_space<hbm>> -> memref<1x20x128xi32, #tpu.memory_space<hbm>>
      %dma_start3A_24 = tpu.memref_squeeze %dma_start3A_23 : memref<1x20x128xi32, #tpu.memory_space<hbm>> -> memref<20x128xi32, #tpu.memory_space<hbm>>
      %dma_start3A_25 = arith.constant 0 : i32
      %dma_start3A_26 = arith.constant 0 : i32
      %dma_start3A_27 = tpu.memref_slice %arg2[%add3A, %dma_start3A_25, %dma_start3A_26] : memref<32x20x128xi32, #tpu.memory_space<hbm>> -> memref<1x20x128xi32, #tpu.memory_space<hbm>>
      %dma_start3A_28 = tpu.memref_squeeze %dma_start3A_27 : memref<1x20x128xi32, #tpu.memory_space<hbm>> -> memref<20x128xi32, #tpu.memory_space<hbm>>
      tpu.enqueue_dma source(%dma_start3A_28 : memref<20x128xi32, #tpu.memory_space<hbm>>) target(%arg5 : memref<20x128xi32, #tpu.memory_space<vmem>>) target_semaphore(%run_scoped3A : memref<!tpu.dma_semaphore, #tpu.memory_space<semaphore_mem>>)
      %dma_wait3A = arith.constant 0 : i32
      %dma_wait3A_29 = arith.constant 0 : i32
      %dma_wait3A_30 = tpu.memref_slice %arg2[%add3A, %dma_wait3A, %dma_wait3A_29] : memref<32x20x128xi32, #tpu.memory_space<hbm>> -> memref<1x20x128xi32, #tpu.memory_space<hbm>>
      %dma_wait3A_31 = tpu.memref_squeeze %dma_wait3A_30 : memref<1x20x128xi32, #tpu.memory_space<hbm>> -> memref<20x128xi32, #tpu.memory_space<hbm>>
      %dma_wait3A_32 = arith.constant 0 : i32
      %dma_wait3A_33 = arith.constant 0 : i32
      %dma_wait3A_34 = tpu.memref_slice %arg2[%add3A, %dma_wait3A_32, %dma_wait3A_33] : memref<32x20x128xi32, #tpu.memory_space<hbm>> -> memref<1x20x128xi32, #tpu.memory_space<hbm>>
      %dma_wait3A_35 = tpu.memref_squeeze %dma_wait3A_34 : memref<1x20x128xi32, #tpu.memory_space<hbm>> -> memref<20x128xi32, #tpu.memory_space<hbm>>
      tpu.wait_dma2 semaphore(%run_scoped3A : memref<!tpu.dma_semaphore, #tpu.memory_space<semaphore_mem>>) src(%dma_wait3A_35 : memref<20x128xi32, #tpu.memory_space<hbm>>) dst(%arg5 : memref<20x128xi32, #tpu.memory_space<vmem>>)
      tpu.yield
    }) : () -> ()
    %barrier3A = arith.constant 0 : index
    tpu.barrier barrier_id(%barrier3A)
    %dma_start3A = arith.constant 0 : i32
    %dma_start3A_9 = arith.constant 0 : i32
    %dma_start3A_10 = tpu.memref_slice %arg5[%dma_start3A, %dma_start3A_9] : memref<20x128xi32, #tpu.memory_space<vmem>> -> memref<1x128xi32, #tpu.memory_space<vmem>>
    %dma_start3A_11 = tpu.memref_squeeze %dma_start3A_10 : memref<1x128xi32, #tpu.memory_space<vmem>> -> memref<128xi32, #tpu.memory_space<vmem>>
    %dma_start3A_12 = arith.constant 0 : i32
    %dma_start3A_13 = arith.constant 0 : i32
    %dma_start3A_14 = tpu.memref_slice %arg8[%dma_start3A_12, %dma_start3A_13] : memref<10000x128xi32, #tpu.memory_space<vmem_shared>> -> memref<10000x128xi32, #tpu.memory_space<vmem_shared>>
    tpu.enqueue_indirect_dma source(%dma_start3A_14 : memref<10000x128xi32, #tpu.memory_space<vmem_shared>>) target(%arg6 : memref<128x128xi32, #tpu.memory_space<vmem>>) offsets(%dma_start3A_11 : memref<128xi32, #tpu.memory_space<vmem>>) semaphore(%arg9 : memref<!tpu.dma_semaphore, #tpu.memory_space<semaphore_mem>>)
    %scan3A = arith.constant 0 : i32
    %scan3A_15 = arith.constant 0 : i32
    %scan3A_16 = arith.constant 10 : i32
    %scan3A_17 = arith.addi %scan3A_15, %scan3A_16 : i32
    %scan3A_18 = arith.constant 1 : i32
    %scan3A_19 = scf.for %scan3A_21 = %scan3A_15 to %scan3A_17 step %scan3A_18 iter_args(%scan3A_22 = %scan3A) -> (i32)  : i32 {
      %mul3A_23 = arith.constant 2 : i32
      %mul3A_24 = arith.muli %mul3A_23, %scan3A_21 : i32
      %dma_wait3A = arith.constant 0 : i32
      %dma_wait3A_25 = tpu.memref_slice %arg5[%mul3A_24, %dma_wait3A] : memref<20x128xi32, #tpu.memory_space<vmem>> -> memref<1x128xi32, #tpu.memory_space<vmem>>
      %dma_wait3A_26 = tpu.memref_squeeze %dma_wait3A_25 : memref<1x128xi32, #tpu.memory_space<vmem>> -> memref<128xi32, #tpu.memory_space<vmem>>
      %dma_wait3A_27 = arith.constant 0 : i32
      %dma_wait3A_28 = arith.constant 0 : i32
      %dma_wait3A_29 = tpu.memref_slice %arg8[%dma_wait3A_27, %dma_wait3A_28] : memref<10000x128xi32, #tpu.memory_space<vmem_shared>> -> memref<10000x128xi32, #tpu.memory_space<vmem_shared>>
      tpu.wait_indirect_dma semaphore(%arg9 : memref<!tpu.dma_semaphore, #tpu.memory_space<semaphore_mem>>) src(%dma_wait3A_29 : memref<10000x128xi32, #tpu.memory_space<vmem_shared>>) dst(%arg6 : memref<128x128xi32, #tpu.memory_space<vmem>>)
      %add3A_30 = arith.constant 1 : i32
      %add3A_31 = arith.addi %mul3A_24, %add3A_30 : i32
      %dma_start3A_32 = arith.constant 0 : i32
      %dma_start3A_33 = tpu.memref_slice %arg5[%add3A_31, %dma_start3A_32] : memref<20x128xi32, #tpu.memory_space<vmem>> -> memref<1x128xi32, #tpu.memory_space<vmem>>
      %dma_start3A_34 = tpu.memref_squeeze %dma_start3A_33 : memref<1x128xi32, #tpu.memory_space<vmem>> -> memref<128xi32, #tpu.memory_space<vmem>>
      %dma_start3A_35 = arith.constant 0 : i32
      %dma_start3A_36 = arith.constant 0 : i32
      %dma_start3A_37 = tpu.memref_slice %arg8[%dma_start3A_35, %dma_start3A_36] : memref<10000x128xi32, #tpu.memory_space<vmem_shared>> -> memref<10000x128xi32, #tpu.memory_space<vmem_shared>>
      tpu.enqueue_indirect_dma source(%dma_start3A_37 : memref<10000x128xi32, #tpu.memory_space<vmem_shared>>) target(%arg7 : memref<128x128xi32, #tpu.memory_space<vmem>>) offsets(%dma_start3A_34 : memref<128xi32, #tpu.memory_space<vmem>>) semaphore(%arg9 : memref<!tpu.dma_semaphore, #tpu.memory_space<semaphore_mem>>)
      %mul3A_38 = arith.constant 128 : i32
      %mul3A_39 = arith.muli %mul3A_24, %mul3A_38 : i32
      %add3A_40 = arith.addi %mul3A_2, %mul3A_39 : i32
      "tpu.region"() ({
        %run_scoped3A = tpu.sem_alloc : memref<!tpu.dma_semaphore, #tpu.memory_space<semaphore_mem>>
        %dma_start3A_60 = arith.constant 0 : i32
        %dma_start3A_61 = tpu.memref_slice %arg4[%add3A_40, %dma_start3A_60] : memref<81920x128xi32, #tpu.memory_space<hbm>> -> memref<128x128xi32, #tpu.memory_space<hbm>>
        %dma_start3A_62 = arith.constant 0 : i32
        %dma_start3A_63 = tpu.memref_slice %arg4[%add3A_40, %dma_start3A_62] : memref<81920x128xi32, #tpu.memory_space<hbm>> -> memref<128x128xi32, #tpu.memory_space<hbm>>
        tpu.enqueue_dma source(%arg6 : memref<128x128xi32, #tpu.memory_space<vmem>>) target(%dma_start3A_63 : memref<128x128xi32, #tpu.memory_space<hbm>>) target_semaphore(%run_scoped3A : memref<!tpu.dma_semaphore, #tpu.memory_space<semaphore_mem>>)
        %dma_wait3A_64 = arith.constant 0 : i32
        %dma_wait3A_65 = tpu.memref_slice %arg4[%add3A_40, %dma_wait3A_64] : memref<81920x128xi32, #tpu.memory_space<hbm>> -> memref<128x128xi32, #tpu.memory_space<hbm>>
        %dma_wait3A_66 = arith.constant 0 : i32
        %dma_wait3A_67 = tpu.memref_slice %arg4[%add3A_40, %dma_wait3A_66] : memref<81920x128xi32, #tpu.memory_space<hbm>> -> memref<128x128xi32, #tpu.memory_space<hbm>>
        tpu.wait_dma2 semaphore(%run_scoped3A : memref<!tpu.dma_semaphore, #tpu.memory_space<semaphore_mem>>) src(%arg6 : memref<128x128xi32, #tpu.memory_space<vmem>>) dst(%dma_wait3A_67 : memref<128x128xi32, #tpu.memory_space<hbm>>)
        tpu.yield
      }) : () -> ()
      %add3A_41 = arith.constant 1 : i32
      %add3A_42 = arith.addi %mul3A_24, %add3A_41 : i32
      %dma_wait3A_43 = arith.constant 0 : i32
      %dma_wait3A_44 = tpu.memref_slice %arg5[%add3A_42, %dma_wait3A_43] : memref<20x128xi32, #tpu.memory_space<vmem>> -> memref<1x128xi32, #tpu.memory_space<vmem>>
      %dma_wait3A_45 = tpu.memref_squeeze %dma_wait3A_44 : memref<1x128xi32, #tpu.memory_space<vmem>> -> memref<128xi32, #tpu.memory_space<vmem>>
      %dma_wait3A_46 = arith.constant 0 : i32
      %dma_wait3A_47 = arith.constant 0 : i32
      %dma_wait3A_48 = tpu.memref_slice %arg8[%dma_wait3A_46, %dma_wait3A_47] : memref<10000x128xi32, #tpu.memory_space<vmem_shared>> -> memref<10000x128xi32, #tpu.memory_space<vmem_shared>>
      tpu.wait_indirect_dma semaphore(%arg9 : memref<!tpu.dma_semaphore, #tpu.memory_space<semaphore_mem>>) src(%dma_wait3A_48 : memref<10000x128xi32, #tpu.memory_space<vmem_shared>>) dst(%arg7 : memref<128x128xi32, #tpu.memory_space<vmem>>)
      %lt3A_49 = arith.constant 9 : i32
      %lt3A_50 = arith.cmpi slt, %scan3A_21, %lt3A_49 : i32
      %convert_element_type3A_51 = arith.extui %lt3A_50 : i1 to i32
      %cond3A_52 = arith.constant 0 : i32
      %cond3A_53 = arith.cmpi ne, %convert_element_type3A_51, %cond3A_52 : i32
      scf.if %cond3A_53 {
        %add3A_60 = arith.constant 2 : i32
        %add3A_61 = arith.addi %mul3A_24, %add3A_60 : i32
        %dma_start3A_62 = arith.constant 0 : i32
        %dma_start3A_63 = tpu.memref_slice %arg5[%add3A_61, %dma_start3A_62] : memref<20x128xi32, #tpu.memory_space<vmem>> -> memref<1x128xi32, #tpu.memory_space<vmem>>
        %dma_start3A_64 = tpu.memref_squeeze %dma_start3A_63 : memref<1x128xi32, #tpu.memory_space<vmem>> -> memref<128xi32, #tpu.memory_space<vmem>>
        %dma_start3A_65 = arith.constant 0 : i32
        %dma_start3A_66 = arith.constant 0 : i32
        %dma_start3A_67 = tpu.memref_slice %arg8[%dma_start3A_65, %dma_start3A_66] : memref<10000x128xi32, #tpu.memory_space<vmem_shared>> -> memref<10000x128xi32, #tpu.memory_space<vmem_shared>>
        tpu.enqueue_indirect_dma source(%dma_start3A_67 : memref<10000x128xi32, #tpu.memory_space<vmem_shared>>) target(%arg6 : memref<128x128xi32, #tpu.memory_space<vmem>>) offsets(%dma_start3A_64 : memref<128xi32, #tpu.memory_space<vmem>>) semaphore(%arg9 : memref<!tpu.dma_semaphore, #tpu.memory_space<semaphore_mem>>)
      } else {
      }
      %add3A_54 = arith.constant 1 : i32
      %add3A_55 = arith.addi %mul3A_24, %add3A_54 : i32
      %mul3A_56 = arith.constant 128 : i32
      %mul3A_57 = arith.muli %add3A_55, %mul3A_56 : i32
      %add3A_58 = arith.addi %mul3A_2, %mul3A_57 : i32
      "tpu.region"() ({
        %run_scoped3A = tpu.sem_alloc : memref<!tpu.dma_semaphore, #tpu.memory_space<semaphore_mem>>
        %dma_start3A_60 = arith.constant 0 : i32
        %dma_start3A_61 = tpu.memref_slice %arg4[%add3A_58, %dma_start3A_60] : memref<81920x128xi32, #tpu.memory_space<hbm>> -> memref<128x128xi32, #tpu.memory_space<hbm>>
        %dma_start3A_62 = arith.constant 0 : i32
        %dma_start3A_63 = tpu.memref_slice %arg4[%add3A_58, %dma_start3A_62] : memref<81920x128xi32, #tpu.memory_space<hbm>> -> memref<128x128xi32, #tpu.memory_space<hbm>>
        tpu.enqueue_dma source(%arg7 : memref<128x128xi32, #tpu.memory_space<vmem>>) target(%dma_start3A_63 : memref<128x128xi32, #tpu.memory_space<hbm>>) target_semaphore(%run_scoped3A : memref<!tpu.dma_semaphore, #tpu.memory_space<semaphore_mem>>)
        %dma_wait3A_64 = arith.constant 0 : i32
        %dma_wait3A_65 = tpu.memref_slice %arg4[%add3A_58, %dma_wait3A_64] : memref<81920x128xi32, #tpu.memory_space<hbm>> -> memref<128x128xi32, #tpu.memory_space<hbm>>
        %dma_wait3A_66 = arith.constant 0 : i32
        %dma_wait3A_67 = tpu.memref_slice %arg4[%add3A_58, %dma_wait3A_66] : memref<81920x128xi32, #tpu.memory_space<hbm>> -> memref<128x128xi32, #tpu.memory_space<hbm>>
        tpu.wait_dma2 semaphore(%run_scoped3A : memref<!tpu.dma_semaphore, #tpu.memory_space<semaphore_mem>>) src(%arg7 : memref<128x128xi32, #tpu.memory_space<vmem>>) dst(%dma_wait3A_67 : memref<128x128xi32, #tpu.memory_space<hbm>>)
        tpu.yield
      }) : () -> ()
      %scan3A_59 = arith.constant 0 : i32
      scf.yield %scan3A_59 : i32
    }
    %scan3A_20 = arith.constant 10 : i32
    return
  }
}

#map = affine_map<(d0, d1) -> (0, 0, 0)>
#map1 = affine_map<(d0, d1) -> (0, 0)>
module attributes {stable_mosaic.version = 14 : i64} {
  func.func @_sc_scatter_body(%arg0: i32, %arg1: i32, %arg2: memref<16x40x128xi32, #tpu.memory_space<hbm>>, %arg3: memref<81920x256xf32, #tpu.memory_space<hbm>>, %arg4: memref<10000x256xf32, #tpu.memory_space<hbm>>, %arg5: memref<40x128xi32, #tpu.memory_space<vmem>>, %arg6: memref<128x128xf32, #tpu.memory_space<vmem>>, %arg7: memref<128x128xf32, #tpu.memory_space<vmem>>, %arg8: memref<10008x128xf32, #tpu.memory_space<vmem_shared>>, %arg9: memref<!tpu.dma_semaphore, #tpu.memory_space<semaphore_mem>>) attributes {dimension_semantics = [#tpu.dimension_semantics<core_parallel>, #tpu.dimension_semantics<subcore_parallel>], iteration_bounds = array<i64: 2, 16>, scalar_prefetch = 0 : i64, scratch_operands = 5 : i64, tpu.core_type = #tpu.core_type<sc_vector_subcore>, window_params = [{transform_indices = #map}, {transform_indices = #map1}, {transform_indices = #map1}]} {
    %broadcast_in_dim3A = arith.constant 0.000000e+00 : f32
    %broadcast_in_dim3A_0 = vector.broadcast %broadcast_in_dim3A : f32 to vector<16xf32>
    %scan3A = arith.constant 0 : i32
    %scan3A_1 = arith.constant 0 : i32
    %scan3A_2 = arith.constant 128 : i32
    %scan3A_3 = arith.addi %scan3A_1, %scan3A_2 : i32
    %scan3A_4 = arith.constant 1 : i32
    %scan3A_5 = scf.for %scan3A_34 = %scan3A_1 to %scan3A_3 step %scan3A_4 iter_args(%scan3A_35 = %scan3A) -> (i32)  : i32 {
      %swap3A = arith.index_cast %scan3A_34 : i32 to index
      %swap3A_36 = arith.constant 0 : index
      %swap3A_37 = tpu.vector_load %arg6[%swap3A, %swap3A_36] {strides = array<i32>} : memref<128x128xf32, #tpu.memory_space<vmem>>, vector<1x16xf32>,
      %swap3A_38 = vector.shape_cast %swap3A_37 : vector<1x16xf32> to vector<16xf32>
      %swap3A_39 = vector.shape_cast %broadcast_in_dim3A_0 : vector<16xf32> to vector<1x16xf32>
      tpu.vector_store %arg6[%swap3A, %swap3A_36], %swap3A_39 {strides = array<i32>} : memref<128x128xf32, #tpu.memory_space<vmem>>, vector<1x16xf32>,
      %swap3A_40 = arith.index_cast %scan3A_34 : i32 to index
      %swap3A_41 = arith.constant 16 : index
      %swap3A_42 = tpu.vector_load %arg6[%swap3A_40, %swap3A_41] {strides = array<i32>} : memref<128x128xf32, #tpu.memory_space<vmem>>, vector<1x16xf32>,
      %swap3A_43 = vector.shape_cast %swap3A_42 : vector<1x16xf32> to vector<16xf32>
      %swap3A_44 = vector.shape_cast %broadcast_in_dim3A_0 : vector<16xf32> to vector<1x16xf32>
      tpu.vector_store %arg6[%swap3A_40, %swap3A_41], %swap3A_44 {strides = array<i32>} : memref<128x128xf32, #tpu.memory_space<vmem>>, vector<1x16xf32>,
      %swap3A_45 = arith.index_cast %scan3A_34 : i32 to index
      %swap3A_46 = arith.constant 32 : index
      %swap3A_47 = tpu.vector_load %arg6[%swap3A_45, %swap3A_46] {strides = array<i32>} : memref<128x128xf32, #tpu.memory_space<vmem>>, vector<1x16xf32>,
      %swap3A_48 = vector.shape_cast %swap3A_47 : vector<1x16xf32> to vector<16xf32>
      %swap3A_49 = vector.shape_cast %broadcast_in_dim3A_0 : vector<16xf32> to vector<1x16xf32>
      tpu.vector_store %arg6[%swap3A_45, %swap3A_46], %swap3A_49 {strides = array<i32>} : memref<128x128xf32, #tpu.memory_space<vmem>>, vector<1x16xf32>,
      %swap3A_50 = arith.index_cast %scan3A_34 : i32 to index
      %swap3A_51 = arith.constant 48 : index
      %swap3A_52 = tpu.vector_load %arg6[%swap3A_50, %swap3A_51] {strides = array<i32>} : memref<128x128xf32, #tpu.memory_space<vmem>>, vector<1x16xf32>,
      %swap3A_53 = vector.shape_cast %swap3A_52 : vector<1x16xf32> to vector<16xf32>
      %swap3A_54 = vector.shape_cast %broadcast_in_dim3A_0 : vector<16xf32> to vector<1x16xf32>
      tpu.vector_store %arg6[%swap3A_50, %swap3A_51], %swap3A_54 {strides = array<i32>} : memref<128x128xf32, #tpu.memory_space<vmem>>, vector<1x16xf32>,
      %swap3A_55 = arith.index_cast %scan3A_34 : i32 to index
      %swap3A_56 = arith.constant 64 : index
      %swap3A_57 = tpu.vector_load %arg6[%swap3A_55, %swap3A_56] {strides = array<i32>} : memref<128x128xf32, #tpu.memory_space<vmem>>, vector<1x16xf32>,
      %swap3A_58 = vector.shape_cast %swap3A_57 : vector<1x16xf32> to vector<16xf32>
      %swap3A_59 = vector.shape_cast %broadcast_in_dim3A_0 : vector<16xf32> to vector<1x16xf32>
      tpu.vector_store %arg6[%swap3A_55, %swap3A_56], %swap3A_59 {strides = array<i32>} : memref<128x128xf32, #tpu.memory_space<vmem>>, vector<1x16xf32>,
      %swap3A_60 = arith.index_cast %scan3A_34 : i32 to index
      %swap3A_61 = arith.constant 80 : index
      %swap3A_62 = tpu.vector_load %arg6[%swap3A_60, %swap3A_61] {strides = array<i32>} : memref<128x128xf32, #tpu.memory_space<vmem>>, vector<1x16xf32>,
      %swap3A_63 = vector.shape_cast %swap3A_62 : vector<1x16xf32> to vector<16xf32>
      %swap3A_64 = vector.shape_cast %broadcast_in_dim3A_0 : vector<16xf32> to vector<1x16xf32>
      tpu.vector_store %arg6[%swap3A_60, %swap3A_61], %swap3A_64 {strides = array<i32>} : memref<128x128xf32, #tpu.memory_space<vmem>>, vector<1x16xf32>,
      %swap3A_65 = arith.index_cast %scan3A_34 : i32 to index
      %swap3A_66 = arith.constant 96 : index
      %swap3A_67 = tpu.vector_load %arg6[%swap3A_65, %swap3A_66] {strides = array<i32>} : memref<128x128xf32, #tpu.memory_space<vmem>>, vector<1x16xf32>,
      %swap3A_68 = vector.shape_cast %swap3A_67 : vector<1x16xf32> to vector<16xf32>
      %swap3A_69 = vector.shape_cast %broadcast_in_dim3A_0 : vector<16xf32> to vector<1x16xf32>
      tpu.vector_store %arg6[%swap3A_65, %swap3A_66], %swap3A_69 {strides = array<i32>} : memref<128x128xf32, #tpu.memory_space<vmem>>, vector<1x16xf32>,
      %swap3A_70 = arith.index_cast %scan3A_34 : i32 to index
      %swap3A_71 = arith.constant 112 : index
      %swap3A_72 = tpu.vector_load %arg6[%swap3A_70, %swap3A_71] {strides = array<i32>} : memref<128x128xf32, #tpu.memory_space<vmem>>, vector<1x16xf32>,
      %swap3A_73 = vector.shape_cast %swap3A_72 : vector<1x16xf32> to vector<16xf32>
      %swap3A_74 = vector.shape_cast %broadcast_in_dim3A_0 : vector<16xf32> to vector<1x16xf32>
      tpu.vector_store %arg6[%swap3A_70, %swap3A_71], %swap3A_74 {strides = array<i32>} : memref<128x128xf32, #tpu.memory_space<vmem>>, vector<1x16xf32>,
      %scan3A_75 = arith.constant 0 : i32
      scf.yield %scan3A_75 : i32
    }
    %scan3A_6 = arith.constant 128 : i32
    %lt3A = arith.constant 15 : i32
    %lt3A_7 = arith.cmpi slt, %arg1, %lt3A : i32
    %convert_element_type3A = arith.extui %lt3A_7 : i1 to i32
    %cond3A = arith.constant 0 : i32
    %cond3A_8 = arith.cmpi ne, %convert_element_type3A, %cond3A : i32
    scf.if %cond3A_8 {
      %mul3A_34 = arith.constant 632 : i32
      %mul3A_35 = arith.muli %arg1, %mul3A_34 : i32
      %add3A = arith.constant 0 : i32
      %add3A_36 = arith.addi %mul3A_35, %add3A : i32
      "tpu.region"() ({
        %run_scoped3A = tpu.sem_alloc : memref<!tpu.dma_semaphore, #tpu.memory_space<semaphore_mem>>
        %dma_start3A_46 = arith.constant 0 : i32
        %dma_start3A_47 = tpu.memref_slice %arg8[%add3A_36, %dma_start3A_46] : memref<10008x128xf32, #tpu.memory_space<vmem_shared>> -> memref<128x128xf32, #tpu.memory_space<vmem_shared>>
        %dma_start3A_48 = arith.constant 0 : i32
        %dma_start3A_49 = tpu.memref_slice %arg8[%add3A_36, %dma_start3A_48] : memref<10008x128xf32, #tpu.memory_space<vmem_shared>> -> memref<128x128xf32, #tpu.memory_space<vmem_shared>>
        tpu.enqueue_dma source(%arg6 : memref<128x128xf32, #tpu.memory_space<vmem>>) target(%dma_start3A_49 : memref<128x128xf32, #tpu.memory_space<vmem_shared>>) target_semaphore(%run_scoped3A : memref<!tpu.dma_semaphore, #tpu.memory_space<semaphore_mem>>)
        %dma_wait3A = arith.constant 0 : i32
        %dma_wait3A_50 = tpu.memref_slice %arg8[%add3A_36, %dma_wait3A] : memref<10008x128xf32, #tpu.memory_space<vmem_shared>> -> memref<128x128xf32, #tpu.memory_space<vmem_shared>>
        %dma_wait3A_51 = arith.constant 0 : i32
        %dma_wait3A_52 = tpu.memref_slice %arg8[%add3A_36, %dma_wait3A_51] : memref<10008x128xf32, #tpu.memory_space<vmem_shared>> -> memref<128x128xf32, #tpu.memory_space<vmem_shared>>
        tpu.wait_dma2 semaphore(%run_scoped3A : memref<!tpu.dma_semaphore, #tpu.memory_space<semaphore_mem>>) src(%arg6 : memref<128x128xf32, #tpu.memory_space<vmem>>) dst(%dma_wait3A_52 : memref<128x128xf32, #tpu.memory_space<vmem_shared>>)
        tpu.yield
      }) : () -> ()
      %add3A_37 = arith.constant 128 : i32
      %add3A_38 = arith.addi %mul3A_35, %add3A_37 : i32
      "tpu.region"() ({
        %run_scoped3A = tpu.sem_alloc : memref<!tpu.dma_semaphore, #tpu.memory_space<semaphore_mem>>
        %dma_start3A_46 = arith.constant 0 : i32
        %dma_start3A_47 = tpu.memref_slice %arg8[%add3A_38, %dma_start3A_46] : memref<10008x128xf32, #tpu.memory_space<vmem_shared>> -> memref<128x128xf32, #tpu.memory_space<vmem_shared>>
        %dma_start3A_48 = arith.constant 0 : i32
        %dma_start3A_49 = tpu.memref_slice %arg8[%add3A_38, %dma_start3A_48] : memref<10008x128xf32, #tpu.memory_space<vmem_shared>> -> memref<128x128xf32, #tpu.memory_space<vmem_shared>>
        tpu.enqueue_dma source(%arg6 : memref<128x128xf32, #tpu.memory_space<vmem>>) target(%dma_start3A_49 : memref<128x128xf32, #tpu.memory_space<vmem_shared>>) target_semaphore(%run_scoped3A : memref<!tpu.dma_semaphore, #tpu.memory_space<semaphore_mem>>)
        %dma_wait3A = arith.constant 0 : i32
        %dma_wait3A_50 = tpu.memref_slice %arg8[%add3A_38, %dma_wait3A] : memref<10008x128xf32, #tpu.memory_space<vmem_shared>> -> memref<128x128xf32, #tpu.memory_space<vmem_shared>>
        %dma_wait3A_51 = arith.constant 0 : i32
        %dma_wait3A_52 = tpu.memref_slice %arg8[%add3A_38, %dma_wait3A_51] : memref<10008x128xf32, #tpu.memory_space<vmem_shared>> -> memref<128x128xf32, #tpu.memory_space<vmem_shared>>
        tpu.wait_dma2 semaphore(%run_scoped3A : memref<!tpu.dma_semaphore, #tpu.memory_space<semaphore_mem>>) src(%arg6 : memref<128x128xf32, #tpu.memory_space<vmem>>) dst(%dma_wait3A_52 : memref<128x128xf32, #tpu.memory_space<vmem_shared>>)
        tpu.yield
      }) : () -> ()
      %add3A_39 = arith.constant 256 : i32
      %add3A_40 = arith.addi %mul3A_35, %add3A_39 : i32
      "tpu.region"() ({
        %run_scoped3A = tpu.sem_alloc : memref<!tpu.dma_semaphore, #tpu.memory_space<semaphore_mem>>
        %dma_start3A_46 = arith.constant 0 : i32
        %dma_start3A_47 = tpu.memref_slice %arg8[%add3A_40, %dma_start3A_46] : memref<10008x128xf32, #tpu.memory_space<vmem_shared>> -> memref<128x128xf32, #tpu.memory_space<vmem_shared>>
        %dma_start3A_48 = arith.constant 0 : i32
        %dma_start3A_49 = tpu.memref_slice %arg8[%add3A_40, %dma_start3A_48] : memref<10008x128xf32, #tpu.memory_space<vmem_shared>> -> memref<128x128xf32, #tpu.memory_space<vmem_shared>>
        tpu.enqueue_dma source(%arg6 : memref<128x128xf32, #tpu.memory_space<vmem>>) target(%dma_start3A_49 : memref<128x128xf32, #tpu.memory_space<vmem_shared>>) target_semaphore(%run_scoped3A : memref<!tpu.dma_semaphore, #tpu.memory_space<semaphore_mem>>)
        %dma_wait3A = arith.constant 0 : i32
        %dma_wait3A_50 = tpu.memref_slice %arg8[%add3A_40, %dma_wait3A] : memref<10008x128xf32, #tpu.memory_space<vmem_shared>> -> memref<128x128xf32, #tpu.memory_space<vmem_shared>>
        %dma_wait3A_51 = arith.constant 0 : i32
        %dma_wait3A_52 = tpu.memref_slice %arg8[%add3A_40, %dma_wait3A_51] : memref<10008x128xf32, #tpu.memory_space<vmem_shared>> -> memref<128x128xf32, #tpu.memory_space<vmem_shared>>
        tpu.wait_dma2 semaphore(%run_scoped3A : memref<!tpu.dma_semaphore, #tpu.memory_space<semaphore_mem>>) src(%arg6 : memref<128x128xf32, #tpu.memory_space<vmem>>) dst(%dma_wait3A_52 : memref<128x128xf32, #tpu.memory_space<vmem_shared>>)
        tpu.yield
      }) : () -> ()
      %add3A_41 = arith.constant 384 : i32
      %add3A_42 = arith.addi %mul3A_35, %add3A_41 : i32
      "tpu.region"() ({
        %run_scoped3A = tpu.sem_alloc : memref<!tpu.dma_semaphore, #tpu.memory_space<semaphore_mem>>
        %dma_start3A_46 = arith.constant 0 : i32
        %dma_start3A_47 = tpu.memref_slice %arg8[%add3A_42, %dma_start3A_46] : memref<10008x128xf32, #tpu.memory_space<vmem_shared>> -> memref<128x128xf32, #tpu.memory_space<vmem_shared>>
        %dma_start3A_48 = arith.constant 0 : i32
        %dma_start3A_49 = tpu.memref_slice %arg8[%add3A_42, %dma_start3A_48] : memref<10008x128xf32, #tpu.memory_space<vmem_shared>> -> memref<128x128xf32, #tpu.memory_space<vmem_shared>>
        tpu.enqueue_dma source(%arg6 : memref<128x128xf32, #tpu.memory_space<vmem>>) target(%dma_start3A_49 : memref<128x128xf32, #tpu.memory_space<vmem_shared>>) target_semaphore(%run_scoped3A : memref<!tpu.dma_semaphore, #tpu.memory_space<semaphore_mem>>)
        %dma_wait3A = arith.constant 0 : i32
        %dma_wait3A_50 = tpu.memref_slice %arg8[%add3A_42, %dma_wait3A] : memref<10008x128xf32, #tpu.memory_space<vmem_shared>> -> memref<128x128xf32, #tpu.memory_space<vmem_shared>>
        %dma_wait3A_51 = arith.constant 0 : i32
        %dma_wait3A_52 = tpu.memref_slice %arg8[%add3A_42, %dma_wait3A_51] : memref<10008x128xf32, #tpu.memory_space<vmem_shared>> -> memref<128x128xf32, #tpu.memory_space<vmem_shared>>
        tpu.wait_dma2 semaphore(%run_scoped3A : memref<!tpu.dma_semaphore, #tpu.memory_space<semaphore_mem>>) src(%arg6 : memref<128x128xf32, #tpu.memory_space<vmem>>) dst(%dma_wait3A_52 : memref<128x128xf32, #tpu.memory_space<vmem_shared>>)
        tpu.yield
      }) : () -> ()
      %add3A_43 = arith.constant 632 : i32
      %add3A_44 = arith.addi %mul3A_35, %add3A_43 : i32
      %sub3A = arith.constant 120 : i32
      %sub3A_45 = arith.subi %add3A_44, %sub3A : i32
      "tpu.region"() ({
        %run_scoped3A = tpu.sem_alloc : memref<!tpu.dma_semaphore, #tpu.memory_space<semaphore_mem>>
        %dma_start3A_46 = arith.constant 0 : i32
        %dma_start3A_47 = arith.constant 0 : i32
        %dma_start3A_48 = tpu.memref_slice %arg6[%dma_start3A_46, %dma_start3A_47] : memref<128x128xf32, #tpu.memory_space<vmem>> -> memref<120x128xf32, #tpu.memory_space<vmem>>
        %dma_start3A_49 = arith.constant 0 : i32
        %dma_start3A_50 = tpu.memref_slice %arg8[%sub3A_45, %dma_start3A_49] : memref<10008x128xf32, #tpu.memory_space<vmem_shared>> -> memref<120x128xf32, #tpu.memory_space<vmem_shared>>
        %dma_start3A_51 = arith.constant 0 : i32
        %dma_start3A_52 = tpu.memref_slice %arg8[%sub3A_45, %dma_start3A_51] : memref<10008x128xf32, #tpu.memory_space<vmem_shared>> -> memref<120x128xf32, #tpu.memory_space<vmem_shared>>
        %dma_start3A_53 = arith.constant 0 : i32
        %dma_start3A_54 = arith.constant 0 : i32
        %dma_start3A_55 = tpu.memref_slice %arg6[%dma_start3A_53, %dma_start3A_54] : memref<128x128xf32, #tpu.memory_space<vmem>> -> memref<120x128xf32, #tpu.memory_space<vmem>>
        tpu.enqueue_dma source(%dma_start3A_55 : memref<120x128xf32, #tpu.memory_space<vmem>>) target(%dma_start3A_52 : memref<120x128xf32, #tpu.memory_space<vmem_shared>>) target_semaphore(%run_scoped3A : memref<!tpu.dma_semaphore, #tpu.memory_space<semaphore_mem>>)
        %dma_wait3A = arith.constant 0 : i32
        %dma_wait3A_56 = arith.constant 0 : i32
        %dma_wait3A_57 = tpu.memref_slice %arg6[%dma_wait3A, %dma_wait3A_56] : memref<128x128xf32, #tpu.memory_space<vmem>> -> memref<120x128xf32, #tpu.memory_space<vmem>>
        %dma_wait3A_58 = arith.constant 0 : i32
        %dma_wait3A_59 = tpu.memref_slice %arg8[%sub3A_45, %dma_wait3A_58] : memref<10008x128xf32, #tpu.memory_space<vmem_shared>> -> memref<120x128xf32, #tpu.memory_space<vmem_shared>>
        %dma_wait3A_60 = arith.constant 0 : i32
        %dma_wait3A_61 = tpu.memref_slice %arg8[%sub3A_45, %dma_wait3A_60] : memref<10008x128xf32, #tpu.memory_space<vmem_shared>> -> memref<120x128xf32, #tpu.memory_space<vmem_shared>>
        %dma_wait3A_62 = arith.constant 0 : i32
        %dma_wait3A_63 = arith.constant 0 : i32
        %dma_wait3A_64 = tpu.memref_slice %arg6[%dma_wait3A_62, %dma_wait3A_63] : memref<128x128xf32, #tpu.memory_space<vmem>> -> memref<120x128xf32, #tpu.memory_space<vmem>>
        tpu.wait_dma2 semaphore(%run_scoped3A : memref<!tpu.dma_semaphore, #tpu.memory_space<semaphore_mem>>) src(%dma_wait3A_64 : memref<120x128xf32, #tpu.memory_space<vmem>>) dst(%dma_wait3A_61 : memref<120x128xf32, #tpu.memory_space<vmem_shared>>)
        tpu.yield
      }) : () -> ()
    } else {
    }
    %eq3A = arith.constant 15 : i32
    %eq3A_9 = arith.cmpi eq, %arg1, %eq3A : i32
    %convert_element_type3A_10 = arith.extui %eq3A_9 : i1 to i32
    %cond3A_11 = arith.constant 0 : i32
    %cond3A_12 = arith.cmpi ne, %convert_element_type3A_10, %cond3A_11 : i32
    scf.if %cond3A_12 {
      "tpu.region"() ({
        %run_scoped3A = tpu.sem_alloc : memref<!tpu.dma_semaphore, #tpu.memory_space<semaphore_mem>>
        %dma_start3A_34 = arith.constant 9480 : i32
        %dma_start3A_35 = arith.constant 0 : i32
        %dma_start3A_36 = tpu.memref_slice %arg8[%dma_start3A_34, %dma_start3A_35] : memref<10008x128xf32, #tpu.memory_space<vmem_shared>> -> memref<128x128xf32, #tpu.memory_space<vmem_shared>>
        %dma_start3A_37 = arith.constant 9480 : i32
        %dma_start3A_38 = arith.constant 0 : i32
        %dma_start3A_39 = tpu.memref_slice %arg8[%dma_start3A_37, %dma_start3A_38] : memref<10008x128xf32, #tpu.memory_space<vmem_shared>> -> memref<128x128xf32, #tpu.memory_space<vmem_shared>>
        tpu.enqueue_dma source(%arg6 : memref<128x128xf32, #tpu.memory_space<vmem>>) target(%dma_start3A_39 : memref<128x128xf32, #tpu.memory_space<vmem_shared>>) target_semaphore(%run_scoped3A : memref<!tpu.dma_semaphore, #tpu.memory_space<semaphore_mem>>)
        %dma_wait3A = arith.constant 9480 : i32
        %dma_wait3A_40 = arith.constant 0 : i32
        %dma_wait3A_41 = tpu.memref_slice %arg8[%dma_wait3A, %dma_wait3A_40] : memref<10008x128xf32, #tpu.memory_space<vmem_shared>> -> memref<128x128xf32, #tpu.memory_space<vmem_shared>>
        %dma_wait3A_42 = arith.constant 9480 : i32
        %dma_wait3A_43 = arith.constant 0 : i32
        %dma_wait3A_44 = tpu.memref_slice %arg8[%dma_wait3A_42, %dma_wait3A_43] : memref<10008x128xf32, #tpu.memory_space<vmem_shared>> -> memref<128x128xf32, #tpu.memory_space<vmem_shared>>
        tpu.wait_dma2 semaphore(%run_scoped3A : memref<!tpu.dma_semaphore, #tpu.memory_space<semaphore_mem>>) src(%arg6 : memref<128x128xf32, #tpu.memory_space<vmem>>) dst(%dma_wait3A_44 : memref<128x128xf32, #tpu.memory_space<vmem_shared>>)
        tpu.yield
      }) : () -> ()
      "tpu.region"() ({
        %run_scoped3A = tpu.sem_alloc : memref<!tpu.dma_semaphore, #tpu.memory_space<semaphore_mem>>
        %dma_start3A_34 = arith.constant 9608 : i32
        %dma_start3A_35 = arith.constant 0 : i32
        %dma_start3A_36 = tpu.memref_slice %arg8[%dma_start3A_34, %dma_start3A_35] : memref<10008x128xf32, #tpu.memory_space<vmem_shared>> -> memref<128x128xf32, #tpu.memory_space<vmem_shared>>
        %dma_start3A_37 = arith.constant 9608 : i32
        %dma_start3A_38 = arith.constant 0 : i32
        %dma_start3A_39 = tpu.memref_slice %arg8[%dma_start3A_37, %dma_start3A_38] : memref<10008x128xf32, #tpu.memory_space<vmem_shared>> -> memref<128x128xf32, #tpu.memory_space<vmem_shared>>
        tpu.enqueue_dma source(%arg6 : memref<128x128xf32, #tpu.memory_space<vmem>>) target(%dma_start3A_39 : memref<128x128xf32, #tpu.memory_space<vmem_shared>>) target_semaphore(%run_scoped3A : memref<!tpu.dma_semaphore, #tpu.memory_space<semaphore_mem>>)
        %dma_wait3A = arith.constant 9608 : i32
        %dma_wait3A_40 = arith.constant 0 : i32
        %dma_wait3A_41 = tpu.memref_slice %arg8[%dma_wait3A, %dma_wait3A_40] : memref<10008x128xf32, #tpu.memory_space<vmem_shared>> -> memref<128x128xf32, #tpu.memory_space<vmem_shared>>
        %dma_wait3A_42 = arith.constant 9608 : i32
        %dma_wait3A_43 = arith.constant 0 : i32
        %dma_wait3A_44 = tpu.memref_slice %arg8[%dma_wait3A_42, %dma_wait3A_43] : memref<10008x128xf32, #tpu.memory_space<vmem_shared>> -> memref<128x128xf32, #tpu.memory_space<vmem_shared>>
        tpu.wait_dma2 semaphore(%run_scoped3A : memref<!tpu.dma_semaphore, #tpu.memory_space<semaphore_mem>>) src(%arg6 : memref<128x128xf32, #tpu.memory_space<vmem>>) dst(%dma_wait3A_44 : memref<128x128xf32, #tpu.memory_space<vmem_shared>>)
        tpu.yield
      }) : () -> ()
      "tpu.region"() ({
        %run_scoped3A = tpu.sem_alloc : memref<!tpu.dma_semaphore, #tpu.memory_space<semaphore_mem>>
        %dma_start3A_34 = arith.constant 9736 : i32
        %dma_start3A_35 = arith.constant 0 : i32
        %dma_start3A_36 = tpu.memref_slice %arg8[%dma_start3A_34, %dma_start3A_35] : memref<10008x128xf32, #tpu.memory_space<vmem_shared>> -> memref<128x128xf32, #tpu.memory_space<vmem_shared>>
        %dma_start3A_37 = arith.constant 9736 : i32
        %dma_start3A_38 = arith.constant 0 : i32
        %dma_start3A_39 = tpu.memref_slice %arg8[%dma_start3A_37, %dma_start3A_38] : memref<10008x128xf32, #tpu.memory_space<vmem_shared>> -> memref<128x128xf32, #tpu.memory_space<vmem_shared>>
        tpu.enqueue_dma source(%arg6 : memref<128x128xf32, #tpu.memory_space<vmem>>) target(%dma_start3A_39 : memref<128x128xf32, #tpu.memory_space<vmem_shared>>) target_semaphore(%run_scoped3A : memref<!tpu.dma_semaphore, #tpu.memory_space<semaphore_mem>>)
        %dma_wait3A = arith.constant 9736 : i32
        %dma_wait3A_40 = arith.constant 0 : i32
        %dma_wait3A_41 = tpu.memref_slice %arg8[%dma_wait3A, %dma_wait3A_40] : memref<10008x128xf32, #tpu.memory_space<vmem_shared>> -> memref<128x128xf32, #tpu.memory_space<vmem_shared>>
        %dma_wait3A_42 = arith.constant 9736 : i32
        %dma_wait3A_43 = arith.constant 0 : i32
        %dma_wait3A_44 = tpu.memref_slice %arg8[%dma_wait3A_42, %dma_wait3A_43] : memref<10008x128xf32, #tpu.memory_space<vmem_shared>> -> memref<128x128xf32, #tpu.memory_space<vmem_shared>>
        tpu.wait_dma2 semaphore(%run_scoped3A : memref<!tpu.dma_semaphore, #tpu.memory_space<semaphore_mem>>) src(%arg6 : memref<128x128xf32, #tpu.memory_space<vmem>>) dst(%dma_wait3A_44 : memref<128x128xf32, #tpu.memory_space<vmem_shared>>)
        tpu.yield
      }) : () -> ()
      "tpu.region"() ({
        %run_scoped3A = tpu.sem_alloc : memref<!tpu.dma_semaphore, #tpu.memory_space<semaphore_mem>>
        %dma_start3A_34 = arith.constant 9864 : i32
        %dma_start3A_35 = arith.constant 0 : i32
        %dma_start3A_36 = tpu.memref_slice %arg8[%dma_start3A_34, %dma_start3A_35] : memref<10008x128xf32, #tpu.memory_space<vmem_shared>> -> memref<128x128xf32, #tpu.memory_space<vmem_shared>>
        %dma_start3A_37 = arith.constant 9864 : i32
        %dma_start3A_38 = arith.constant 0 : i32
        %dma_start3A_39 = tpu.memref_slice %arg8[%dma_start3A_37, %dma_start3A_38] : memref<10008x128xf32, #tpu.memory_space<vmem_shared>> -> memref<128x128xf32, #tpu.memory_space<vmem_shared>>
        tpu.enqueue_dma source(%arg6 : memref<128x128xf32, #tpu.memory_space<vmem>>) target(%dma_start3A_39 : memref<128x128xf32, #tpu.memory_space<vmem_shared>>) target_semaphore(%run_scoped3A : memref<!tpu.dma_semaphore, #tpu.memory_space<semaphore_mem>>)
        %dma_wait3A = arith.constant 9864 : i32
        %dma_wait3A_40 = arith.constant 0 : i32
        %dma_wait3A_41 = tpu.memref_slice %arg8[%dma_wait3A, %dma_wait3A_40] : memref<10008x128xf32, #tpu.memory_space<vmem_shared>> -> memref<128x128xf32, #tpu.memory_space<vmem_shared>>
        %dma_wait3A_42 = arith.constant 9864 : i32
        %dma_wait3A_43 = arith.constant 0 : i32
        %dma_wait3A_44 = tpu.memref_slice %arg8[%dma_wait3A_42, %dma_wait3A_43] : memref<10008x128xf32, #tpu.memory_space<vmem_shared>> -> memref<128x128xf32, #tpu.memory_space<vmem_shared>>
        tpu.wait_dma2 semaphore(%run_scoped3A : memref<!tpu.dma_semaphore, #tpu.memory_space<semaphore_mem>>) src(%arg6 : memref<128x128xf32, #tpu.memory_space<vmem>>) dst(%dma_wait3A_44 : memref<128x128xf32, #tpu.memory_space<vmem_shared>>)
        tpu.yield
      }) : () -> ()
      "tpu.region"() ({
        %run_scoped3A = tpu.sem_alloc : memref<!tpu.dma_semaphore, #tpu.memory_space<semaphore_mem>>
        %dma_start3A_34 = arith.constant 0 : i32
        %dma_start3A_35 = arith.constant 0 : i32
        %dma_start3A_36 = tpu.memref_slice %arg6[%dma_start3A_34, %dma_start3A_35] : memref<128x128xf32, #tpu.memory_space<vmem>> -> memref<16x128xf32, #tpu.memory_space<vmem>>
        %dma_start3A_37 = arith.constant 9992 : i32
        %dma_start3A_38 = arith.constant 0 : i32
        %dma_start3A_39 = tpu.memref_slice %arg8[%dma_start3A_37, %dma_start3A_38] : memref<10008x128xf32, #tpu.memory_space<vmem_shared>> -> memref<16x128xf32, #tpu.memory_space<vmem_shared>>
        %dma_start3A_40 = arith.constant 9992 : i32
        %dma_start3A_41 = arith.constant 0 : i32
        %dma_start3A_42 = tpu.memref_slice %arg8[%dma_start3A_40, %dma_start3A_41] : memref<10008x128xf32, #tpu.memory_space<vmem_shared>> -> memref<16x128xf32, #tpu.memory_space<vmem_shared>>
        %dma_start3A_43 = arith.constant 0 : i32
        %dma_start3A_44 = arith.constant 0 : i32
        %dma_start3A_45 = tpu.memref_slice %arg6[%dma_start3A_43, %dma_start3A_44] : memref<128x128xf32, #tpu.memory_space<vmem>> -> memref<16x128xf32, #tpu.memory_space<vmem>>
        tpu.enqueue_dma source(%dma_start3A_45 : memref<16x128xf32, #tpu.memory_space<vmem>>) target(%dma_start3A_42 : memref<16x128xf32, #tpu.memory_space<vmem_shared>>) target_semaphore(%run_scoped3A : memref<!tpu.dma_semaphore, #tpu.memory_space<semaphore_mem>>)
        %dma_wait3A = arith.constant 0 : i32
        %dma_wait3A_46 = arith.constant 0 : i32
        %dma_wait3A_47 = tpu.memref_slice %arg6[%dma_wait3A, %dma_wait3A_46] : memref<128x128xf32, #tpu.memory_space<vmem>> -> memref<16x128xf32, #tpu.memory_space<vmem>>
        %dma_wait3A_48 = arith.constant 9992 : i32
        %dma_wait3A_49 = arith.constant 0 : i32
        %dma_wait3A_50 = tpu.memref_slice %arg8[%dma_wait3A_48, %dma_wait3A_49] : memref<10008x128xf32, #tpu.memory_space<vmem_shared>> -> memref<16x128xf32, #tpu.memory_space<vmem_shared>>
        %dma_wait3A_51 = arith.constant 9992 : i32
        %dma_wait3A_52 = arith.constant 0 : i32
        %dma_wait3A_53 = tpu.memref_slice %arg8[%dma_wait3A_51, %dma_wait3A_52] : memref<10008x128xf32, #tpu.memory_space<vmem_shared>> -> memref<16x128xf32, #tpu.memory_space<vmem_shared>>
        %dma_wait3A_54 = arith.constant 0 : i32
        %dma_wait3A_55 = arith.constant 0 : i32
        %dma_wait3A_56 = tpu.memref_slice %arg6[%dma_wait3A_54, %dma_wait3A_55] : memref<128x128xf32, #tpu.memory_space<vmem>> -> memref<16x128xf32, #tpu.memory_space<vmem>>
        tpu.wait_dma2 semaphore(%run_scoped3A : memref<!tpu.dma_semaphore, #tpu.memory_space<semaphore_mem>>) src(%dma_wait3A_56 : memref<16x128xf32, #tpu.memory_space<vmem>>) dst(%dma_wait3A_53 : memref<16x128xf32, #tpu.memory_space<vmem_shared>>)
        tpu.yield
      }) : () -> ()
    } else {
    }
    "tpu.region"() ({
      %run_scoped3A = tpu.sem_alloc : memref<!tpu.dma_semaphore, #tpu.memory_space<semaphore_mem>>
      %dma_start3A_34 = arith.constant 0 : i32
      %dma_start3A_35 = arith.constant 0 : i32
      %dma_start3A_36 = tpu.memref_slice %arg2[%arg1, %dma_start3A_34, %dma_start3A_35] : memref<16x40x128xi32, #tpu.memory_space<hbm>> -> memref<1x40x128xi32, #tpu.memory_space<hbm>>
      %dma_start3A_37 = tpu.memref_squeeze %dma_start3A_36 : memref<1x40x128xi32, #tpu.memory_space<hbm>> -> memref<40x128xi32, #tpu.memory_space<hbm>>
      %dma_start3A_38 = arith.constant 0 : i32
      %dma_start3A_39 = arith.constant 0 : i32
      %dma_start3A_40 = tpu.memref_slice %arg2[%arg1, %dma_start3A_38, %dma_start3A_39] : memref<16x40x128xi32, #tpu.memory_space<hbm>> -> memref<1x40x128xi32, #tpu.memory_space<hbm>>
      %dma_start3A_41 = tpu.memref_squeeze %dma_start3A_40 : memref<1x40x128xi32, #tpu.memory_space<hbm>> -> memref<40x128xi32, #tpu.memory_space<hbm>>
      tpu.enqueue_dma source(%dma_start3A_41 : memref<40x128xi32, #tpu.memory_space<hbm>>) target(%arg5 : memref<40x128xi32, #tpu.memory_space<vmem>>) target_semaphore(%run_scoped3A : memref<!tpu.dma_semaphore, #tpu.memory_space<semaphore_mem>>)
      %dma_wait3A = arith.constant 0 : i32
      %dma_wait3A_42 = arith.constant 0 : i32
      %dma_wait3A_43 = tpu.memref_slice %arg2[%arg1, %dma_wait3A, %dma_wait3A_42] : memref<16x40x128xi32, #tpu.memory_space<hbm>> -> memref<1x40x128xi32, #tpu.memory_space<hbm>>
      %dma_wait3A_44 = tpu.memref_squeeze %dma_wait3A_43 : memref<1x40x128xi32, #tpu.memory_space<hbm>> -> memref<40x128xi32, #tpu.memory_space<hbm>>
      %dma_wait3A_45 = arith.constant 0 : i32
      %dma_wait3A_46 = arith.constant 0 : i32
      %dma_wait3A_47 = tpu.memref_slice %arg2[%arg1, %dma_wait3A_45, %dma_wait3A_46] : memref<16x40x128xi32, #tpu.memory_space<hbm>> -> memref<1x40x128xi32, #tpu.memory_space<hbm>>
      %dma_wait3A_48 = tpu.memref_squeeze %dma_wait3A_47 : memref<1x40x128xi32, #tpu.memory_space<hbm>> -> memref<40x128xi32, #tpu.memory_space<hbm>>
      tpu.wait_dma2 semaphore(%run_scoped3A : memref<!tpu.dma_semaphore, #tpu.memory_space<semaphore_mem>>) src(%dma_wait3A_48 : memref<40x128xi32, #tpu.memory_space<hbm>>) dst(%arg5 : memref<40x128xi32, #tpu.memory_space<vmem>>)
      tpu.yield
    }) : () -> ()
    %barrier3A = arith.constant 0 : index
    tpu.barrier barrier_id(%barrier3A)
    %mul3A = arith.constant 5120 : i32
    %mul3A_13 = arith.muli %arg1, %mul3A : i32
    %mul3A_14 = arith.constant 128 : i32
    %mul3A_15 = arith.muli %arg0, %mul3A_14 : i32
    %dma_start3A = tpu.memref_slice %arg3[%mul3A_13, %mul3A_15] : memref<81920x256xf32, #tpu.memory_space<hbm>> -> memref<128x128xf32, #tpu.memory_space<hbm>>
    %dma_start3A_16 = tpu.memref_slice %arg3[%mul3A_13, %mul3A_15] : memref<81920x256xf32, #tpu.memory_space<hbm>> -> memref<128x128xf32, #tpu.memory_space<hbm>>
    tpu.enqueue_dma source(%dma_start3A_16 : memref<128x128xf32, #tpu.memory_space<hbm>>) target(%arg6 : memref<128x128xf32, #tpu.memory_space<vmem>>) target_semaphore(%arg9 : memref<!tpu.dma_semaphore, #tpu.memory_space<semaphore_mem>>)
    %scan3A_17 = arith.constant 0 : i32
    %scan3A_18 = arith.constant 0 : i32
    %scan3A_19 = arith.constant 20 : i32
    %scan3A_20 = arith.addi %scan3A_18, %scan3A_19 : i32
    %scan3A_21 = arith.constant 1 : i32
    %scan3A_22 = scf.for %scan3A_34 = %scan3A_18 to %scan3A_20 step %scan3A_21 iter_args(%scan3A_35 = %scan3A_17) -> (i32)  : i32 {
      %mul3A_36 = arith.constant 2 : i32
      %mul3A_37 = arith.muli %mul3A_36, %scan3A_34 : i32
      %mul3A_38 = arith.constant 128 : i32
      %mul3A_39 = arith.muli %mul3A_37, %mul3A_38 : i32
      %add3A = arith.addi %mul3A_13, %mul3A_39 : i32
      %dma_wait3A = tpu.memref_slice %arg3[%add3A, %mul3A_15] : memref<81920x256xf32, #tpu.memory_space<hbm>> -> memref<128x128xf32, #tpu.memory_space<hbm>>
      %dma_wait3A_40 = tpu.memref_slice %arg3[%add3A, %mul3A_15] : memref<81920x256xf32, #tpu.memory_space<hbm>> -> memref<128x128xf32, #tpu.memory_space<hbm>>
      tpu.wait_dma2 semaphore(%arg9 : memref<!tpu.dma_semaphore, #tpu.memory_space<semaphore_mem>>) src(%dma_wait3A_40 : memref<128x128xf32, #tpu.memory_space<hbm>>) dst(%arg6 : memref<128x128xf32, #tpu.memory_space<vmem>>)
      %add3A_41 = arith.constant 1 : i32
      %add3A_42 = arith.addi %mul3A_37, %add3A_41 : i32
      %mul3A_43 = arith.constant 128 : i32
      %mul3A_44 = arith.muli %add3A_42, %mul3A_43 : i32
      %add3A_45 = arith.addi %mul3A_13, %mul3A_44 : i32
      %dma_start3A_46 = tpu.memref_slice %arg3[%add3A_45, %mul3A_15] : memref<81920x256xf32, #tpu.memory_space<hbm>> -> memref<128x128xf32, #tpu.memory_space<hbm>>
      %dma_start3A_47 = tpu.memref_slice %arg3[%add3A_45, %mul3A_15] : memref<81920x256xf32, #tpu.memory_space<hbm>> -> memref<128x128xf32, #tpu.memory_space<hbm>>
      tpu.enqueue_dma source(%dma_start3A_47 : memref<128x128xf32, #tpu.memory_space<hbm>>) target(%arg7 : memref<128x128xf32, #tpu.memory_space<vmem>>) target_semaphore(%arg9 : memref<!tpu.dma_semaphore, #tpu.memory_space<semaphore_mem>>)
      "tpu.region"() ({
        %run_scoped3A = tpu.sem_alloc : memref<!tpu.dma_semaphore, #tpu.memory_space<semaphore_mem>>
        %dma_start3A_63 = arith.constant 0 : i32
        %dma_start3A_64 = tpu.memref_slice %arg5[%mul3A_37, %dma_start3A_63] : memref<40x128xi32, #tpu.memory_space<vmem>> -> memref<1x128xi32, #tpu.memory_space<vmem>>
        %dma_start3A_65 = tpu.memref_squeeze %dma_start3A_64 : memref<1x128xi32, #tpu.memory_space<vmem>> -> memref<128xi32, #tpu.memory_space<vmem>>
        %dma_start3A_66 = arith.constant 0 : i32
        %dma_start3A_67 = arith.constant 0 : i32
        %dma_start3A_68 = tpu.memref_slice %arg8[%dma_start3A_66, %dma_start3A_67] : memref<10008x128xf32, #tpu.memory_space<vmem_shared>> -> memref<10008x128xf32, #tpu.memory_space<vmem_shared>>
        tpu.enqueue_indirect_dma source(%arg6 : memref<128x128xf32, #tpu.memory_space<vmem>>) target(%dma_start3A_68 : memref<10008x128xf32, #tpu.memory_space<vmem_shared>>) offsets(%dma_start3A_65 : memref<128xi32, #tpu.memory_space<vmem>>) semaphore(%run_scoped3A : memref<!tpu.dma_semaphore, #tpu.memory_space<semaphore_mem>>) {add = true}
        %dma_wait3A_69 = arith.constant 0 : i32
        %dma_wait3A_70 = tpu.memref_slice %arg5[%mul3A_37, %dma_wait3A_69] : memref<40x128xi32, #tpu.memory_space<vmem>> -> memref<1x128xi32, #tpu.memory_space<vmem>>
        %dma_wait3A_71 = tpu.memref_squeeze %dma_wait3A_70 : memref<1x128xi32, #tpu.memory_space<vmem>> -> memref<128xi32, #tpu.memory_space<vmem>>
        %dma_wait3A_72 = arith.constant 0 : i32
        %dma_wait3A_73 = arith.constant 0 : i32
        %dma_wait3A_74 = tpu.memref_slice %arg8[%dma_wait3A_72, %dma_wait3A_73] : memref<10008x128xf32, #tpu.memory_space<vmem_shared>> -> memref<10008x128xf32, #tpu.memory_space<vmem_shared>>
        tpu.wait_indirect_dma semaphore(%run_scoped3A : memref<!tpu.dma_semaphore, #tpu.memory_space<semaphore_mem>>) src(%arg6 : memref<128x128xf32, #tpu.memory_space<vmem>>) dst(%dma_wait3A_74 : memref<10008x128xf32, #tpu.memory_space<vmem_shared>>)
        tpu.yield
      }) : () -> ()
      %add3A_48 = arith.constant 1 : i32
      %add3A_49 = arith.addi %mul3A_37, %add3A_48 : i32
      %mul3A_50 = arith.constant 128 : i32
      %mul3A_51 = arith.muli %add3A_49, %mul3A_50 : i32
      %add3A_52 = arith.addi %mul3A_13, %mul3A_51 : i32
      %dma_wait3A_53 = tpu.memref_slice %arg3[%add3A_52, %mul3A_15] : memref<81920x256xf32, #tpu.memory_space<hbm>> -> memref<128x128xf32, #tpu.memory_space<hbm>>
      %dma_wait3A_54 = tpu.memref_slice %arg3[%add3A_52, %mul3A_15] : memref<81920x256xf32, #tpu.memory_space<hbm>> -> memref<128x128xf32, #tpu.memory_space<hbm>>
      tpu.wait_dma2 semaphore(%arg9 : memref<!tpu.dma_semaphore, #tpu.memory_space<semaphore_mem>>) src(%dma_wait3A_54 : memref<128x128xf32, #tpu.memory_space<hbm>>) dst(%arg7 : memref<128x128xf32, #tpu.memory_space<vmem>>)
      %lt3A_55 = arith.constant 19 : i32
      %lt3A_56 = arith.cmpi slt, %scan3A_34, %lt3A_55 : i32
      %convert_element_type3A_57 = arith.extui %lt3A_56 : i1 to i32
      %cond3A_58 = arith.constant 0 : i32
      %cond3A_59 = arith.cmpi ne, %convert_element_type3A_57, %cond3A_58 : i32
      scf.if %cond3A_59 {
        %add3A_63 = arith.constant 2 : i32
        %add3A_64 = arith.addi %mul3A_37, %add3A_63 : i32
        %mul3A_65 = arith.constant 128 : i32
        %mul3A_66 = arith.muli %add3A_64, %mul3A_65 : i32
        %add3A_67 = arith.addi %mul3A_13, %mul3A_66 : i32
        %dma_start3A_68 = tpu.memref_slice %arg3[%add3A_67, %mul3A_15] : memref<81920x256xf32, #tpu.memory_space<hbm>> -> memref<128x128xf32, #tpu.memory_space<hbm>>
        %dma_start3A_69 = tpu.memref_slice %arg3[%add3A_67, %mul3A_15] : memref<81920x256xf32, #tpu.memory_space<hbm>> -> memref<128x128xf32, #tpu.memory_space<hbm>>
        tpu.enqueue_dma source(%dma_start3A_69 : memref<128x128xf32, #tpu.memory_space<hbm>>) target(%arg6 : memref<128x128xf32, #tpu.memory_space<vmem>>) target_semaphore(%arg9 : memref<!tpu.dma_semaphore, #tpu.memory_space<semaphore_mem>>)
      } else {
      }
      %add3A_60 = arith.constant 1 : i32
      %add3A_61 = arith.addi %mul3A_37, %add3A_60 : i32
      "tpu.region"() ({
        %run_scoped3A = tpu.sem_alloc : memref<!tpu.dma_semaphore, #tpu.memory_space<semaphore_mem>>
        %dma_start3A_63 = arith.constant 0 : i32
        %dma_start3A_64 = tpu.memref_slice %arg5[%add3A_61, %dma_start3A_63] : memref<40x128xi32, #tpu.memory_space<vmem>> -> memref<1x128xi32, #tpu.memory_space<vmem>>
        %dma_start3A_65 = tpu.memref_squeeze %dma_start3A_64 : memref<1x128xi32, #tpu.memory_space<vmem>> -> memref<128xi32, #tpu.memory_space<vmem>>
        %dma_start3A_66 = arith.constant 0 : i32
        %dma_start3A_67 = arith.constant 0 : i32
        %dma_start3A_68 = tpu.memref_slice %arg8[%dma_start3A_66, %dma_start3A_67] : memref<10008x128xf32, #tpu.memory_space<vmem_shared>> -> memref<10008x128xf32, #tpu.memory_space<vmem_shared>>
        tpu.enqueue_indirect_dma source(%arg7 : memref<128x128xf32, #tpu.memory_space<vmem>>) target(%dma_start3A_68 : memref<10008x128xf32, #tpu.memory_space<vmem_shared>>) offsets(%dma_start3A_65 : memref<128xi32, #tpu.memory_space<vmem>>) semaphore(%run_scoped3A : memref<!tpu.dma_semaphore, #tpu.memory_space<semaphore_mem>>) {add = true}
        %dma_wait3A_69 = arith.constant 0 : i32
        %dma_wait3A_70 = tpu.memref_slice %arg5[%add3A_61, %dma_wait3A_69] : memref<40x128xi32, #tpu.memory_space<vmem>> -> memref<1x128xi32, #tpu.memory_space<vmem>>
        %dma_wait3A_71 = tpu.memref_squeeze %dma_wait3A_70 : memref<1x128xi32, #tpu.memory_space<vmem>> -> memref<128xi32, #tpu.memory_space<vmem>>
        %dma_wait3A_72 = arith.constant 0 : i32
        %dma_wait3A_73 = arith.constant 0 : i32
        %dma_wait3A_74 = tpu.memref_slice %arg8[%dma_wait3A_72, %dma_wait3A_73] : memref<10008x128xf32, #tpu.memory_space<vmem_shared>> -> memref<10008x128xf32, #tpu.memory_space<vmem_shared>>
        tpu.wait_indirect_dma semaphore(%run_scoped3A : memref<!tpu.dma_semaphore, #tpu.memory_space<semaphore_mem>>) src(%arg7 : memref<128x128xf32, #tpu.memory_space<vmem>>) dst(%dma_wait3A_74 : memref<10008x128xf32, #tpu.memory_space<vmem_shared>>)
        tpu.yield
      }) : () -> ()
      %scan3A_62 = arith.constant 0 : i32
      scf.yield %scan3A_62 : i32
    }
    %scan3A_23 = arith.constant 20 : i32
    %barrier3A_24 = arith.constant 0 : index
    tpu.barrier barrier_id(%barrier3A_24)
    %mul3A_25 = arith.constant 624 : i32
    %mul3A_26 = arith.muli %arg1, %mul3A_25 : i32
    %mul3A_27 = arith.constant 624 : i32
    %mul3A_28 = arith.muli %arg1, %mul3A_27 : i32
    "tpu.region"() ({
      %run_scoped3A = tpu.sem_alloc : memref<!tpu.dma_semaphore, #tpu.memory_space<semaphore_mem>>
      %dma_start3A_34 = tpu.memref_slice %arg4[%mul3A_28, %mul3A_15] : memref<10000x256xf32, #tpu.memory_space<hbm>> -> memref<624x128xf32, #tpu.memory_space<hbm>>
      %dma_start3A_35 = arith.constant 0 : i32
      %dma_start3A_36 = tpu.memref_slice %arg8[%mul3A_26, %dma_start3A_35] : memref<10008x128xf32, #tpu.memory_space<vmem_shared>> -> memref<624x128xf32, #tpu.memory_space<vmem_shared>>
      tpu.enqueue_dma source(%dma_start3A_36 : memref<624x128xf32, #tpu.memory_space<vmem_shared>>) target(%dma_start3A_34 : memref<624x128xf32, #tpu.memory_space<hbm>>) target_semaphore(%run_scoped3A : memref<!tpu.dma_semaphore, #tpu.memory_space<semaphore_mem>>)
      %dma_wait3A = tpu.memref_slice %arg4[%mul3A_28, %mul3A_15] : memref<10000x256xf32, #tpu.memory_space<hbm>> -> memref<624x128xf32, #tpu.memory_space<hbm>>
      %dma_wait3A_37 = arith.constant 0 : i32
      %dma_wait3A_38 = tpu.memref_slice %arg8[%mul3A_26, %dma_wait3A_37] : memref<10008x128xf32, #tpu.memory_space<vmem_shared>> -> memref<624x128xf32, #tpu.memory_space<vmem_shared>>
      tpu.wait_dma2 semaphore(%run_scoped3A : memref<!tpu.dma_semaphore, #tpu.memory_space<semaphore_mem>>) src(%dma_wait3A_38 : memref<624x128xf32, #tpu.memory_space<vmem_shared>>) dst(%dma_wait3A : memref<624x128xf32, #tpu.memory_space<hbm>>)
      tpu.yield
    }) : () -> ()
    %eq3A_29 = arith.constant 15 : i32
    %eq3A_30 = arith.cmpi eq, %arg1, %eq3A_29 : i32
    %convert_element_type3A_31 = arith.extui %eq3A_30 : i1 to i32
    %cond3A_32 = arith.constant 0 : i32
    %cond3A_33 = arith.cmpi ne, %convert_element_type3A_31, %cond3A_32 : i32
    scf.if %cond3A_33 {
      "tpu.region"() ({
        %run_scoped3A = tpu.sem_alloc : memref<!tpu.dma_semaphore, #tpu.memory_space<semaphore_mem>>
        %dma_start3A_34 = arith.constant 9984 : i32
        %dma_start3A_35 = tpu.memref_slice %arg4[%dma_start3A_34, %mul3A_15] : memref<10000x256xf32, #tpu.memory_space<hbm>> -> memref<16x128xf32, #tpu.memory_space<hbm>>
        %dma_start3A_36 = arith.constant 9984 : i32
        %dma_start3A_37 = arith.constant 0 : i32
        %dma_start3A_38 = tpu.memref_slice %arg8[%dma_start3A_36, %dma_start3A_37] : memref<10008x128xf32, #tpu.memory_space<vmem_shared>> -> memref<16x128xf32, #tpu.memory_space<vmem_shared>>
        tpu.enqueue_dma source(%dma_start3A_38 : memref<16x128xf32, #tpu.memory_space<vmem_shared>>) target(%dma_start3A_35 : memref<16x128xf32, #tpu.memory_space<hbm>>) target_semaphore(%run_scoped3A : memref<!tpu.dma_semaphore, #tpu.memory_space<semaphore_mem>>)
        %dma_wait3A = arith.constant 9984 : i32
        %dma_wait3A_39 = tpu.memref_slice %arg4[%dma_wait3A, %mul3A_15] : memref<10000x256xf32, #tpu.memory_space<hbm>> -> memref<16x128xf32, #tpu.memory_space<hbm>>
        %dma_wait3A_40 = arith.constant 9984 : i32
        %dma_wait3A_41 = arith.constant 0 : i32
        %dma_wait3A_42 = tpu.memref_slice %arg8[%dma_wait3A_40, %dma_wait3A_41] : memref<10008x128xf32, #tpu.memory_space<vmem_shared>> -> memref<16x128xf32, #tpu.memory_space<vmem_shared>>
        tpu.wait_dma2 semaphore(%run_scoped3A : memref<!tpu.dma_semaphore, #tpu.memory_space<semaphore_mem>>) src(%dma_wait3A_42 : memref<16x128xf32, #tpu.memory_space<vmem_shared>>) dst(%dma_wait3A_39 : memref<16x128xf32, #tpu.memory_space<hbm>>)
        tpu.yield
      }) : () -> ()
    } else {
    }
    return
  }
}

#map = affine_map<(d0, d1) -> (0, 0, 0)>
#map1 = affine_map<(d0, d1) -> (0, 0)>
module attributes {stable_mosaic.version = 14 : i64} {
  func.func @_sc_gather_body(%arg0: i32, %arg1: i32, %arg2: memref<32x20x128xi32, #tpu.memory_space<hbm>>, %arg3: memref<10000x128xi32, #tpu.memory_space<hbm>>, %arg4: memref<81920x128xi32, #tpu.memory_space<hbm>>, %arg5: memref<20x128xi32, #tpu.memory_space<vmem>>, %arg6: memref<128x128xi32, #tpu.memory_space<vmem>>, %arg7: memref<128x128xi32, #tpu.memory_space<vmem>>, %arg8: memref<10000x128xi32, #tpu.memory_space<vmem_shared>>, %arg9: memref<!tpu.dma_semaphore, #tpu.memory_space<semaphore_mem>>) attributes {dimension_semantics = [#tpu.dimension_semantics<core_parallel>, #tpu.dimension_semantics<subcore_parallel>], iteration_bounds = array<i64: 2, 16>, scalar_prefetch = 0 : i64, scratch_operands = 5 : i64, tpu.core_type = #tpu.core_type<sc_vector_subcore>, window_params = [{transform_indices = #map}, {transform_indices = #map1}, {transform_indices = #map1}]} {
    %mul3A = arith.constant 2 : i32
    %mul3A_0 = arith.muli %arg1, %mul3A : i32
    %add3A = arith.addi %mul3A_0, %arg0 : i32
    %mul3A_1 = arith.constant 2560 : i32
    %mul3A_2 = arith.muli %add3A, %mul3A_1 : i32
    %lt3A = arith.constant 15 : i32
    %lt3A_3 = arith.cmpi slt, %arg1, %lt3A : i32
    %convert_element_type3A = arith.extui %lt3A_3 : i1 to i32
    %cond3A = arith.constant 0 : i32
    %cond3A_4 = arith.cmpi ne, %convert_element_type3A, %cond3A : i32
    scf.if %cond3A_4 {
      %mul3A_21 = arith.constant 624 : i32
      %mul3A_22 = arith.muli %arg1, %mul3A_21 : i32
      %mul3A_23 = arith.constant 624 : i32
      %mul3A_24 = arith.muli %arg1, %mul3A_23 : i32
      "tpu.region"() ({
        %run_scoped3A = tpu.sem_alloc : memref<!tpu.dma_semaphore, #tpu.memory_space<semaphore_mem>>
        %dma_start3A_25 = arith.constant 0 : i32
        %dma_start3A_26 = tpu.memref_slice %arg8[%mul3A_24, %dma_start3A_25] : memref<10000x128xi32, #tpu.memory_space<vmem_shared>> -> memref<624x128xi32, #tpu.memory_space<vmem_shared>>
        %dma_start3A_27 = arith.constant 0 : i32
        %dma_start3A_28 = tpu.memref_slice %arg3[%mul3A_22, %dma_start3A_27] : memref<10000x128xi32, #tpu.memory_space<hbm>> -> memref<624x128xi32, #tpu.memory_space<hbm>>
        tpu.enqueue_dma source(%dma_start3A_28 : memref<624x128xi32, #tpu.memory_space<hbm>>) target(%dma_start3A_26 : memref<624x128xi32, #tpu.memory_space<vmem_shared>>) target_semaphore(%run_scoped3A : memref<!tpu.dma_semaphore, #tpu.memory_space<semaphore_mem>>)
        %dma_wait3A = arith.constant 0 : i32
        %dma_wait3A_29 = tpu.memref_slice %arg8[%mul3A_24, %dma_wait3A] : memref<10000x128xi32, #tpu.memory_space<vmem_shared>> -> memref<624x128xi32, #tpu.memory_space<vmem_shared>>
        %dma_wait3A_30 = arith.constant 0 : i32
        %dma_wait3A_31 = tpu.memref_slice %arg3[%mul3A_22, %dma_wait3A_30] : memref<10000x128xi32, #tpu.memory_space<hbm>> -> memref<624x128xi32, #tpu.memory_space<hbm>>
        tpu.wait_dma2 semaphore(%run_scoped3A : memref<!tpu.dma_semaphore, #tpu.memory_space<semaphore_mem>>) src(%dma_wait3A_31 : memref<624x128xi32, #tpu.memory_space<hbm>>) dst(%dma_wait3A_29 : memref<624x128xi32, #tpu.memory_space<vmem_shared>>)
        tpu.yield
      }) : () -> ()
    } else {
    }
    %eq3A = arith.constant 15 : i32
    %eq3A_5 = arith.cmpi eq, %arg1, %eq3A : i32
    %convert_element_type3A_6 = arith.extui %eq3A_5 : i1 to i32
    %cond3A_7 = arith.constant 0 : i32
    %cond3A_8 = arith.cmpi ne, %convert_element_type3A_6, %cond3A_7 : i32
    scf.if %cond3A_8 {
      "tpu.region"() ({
        %run_scoped3A = tpu.sem_alloc : memref<!tpu.dma_semaphore, #tpu.memory_space<semaphore_mem>>
        %dma_start3A_21 = arith.constant 9360 : i32
        %dma_start3A_22 = arith.constant 0 : i32
        %dma_start3A_23 = tpu.memref_slice %arg8[%dma_start3A_21, %dma_start3A_22] : memref<10000x128xi32, #tpu.memory_space<vmem_shared>> -> memref<640x128xi32, #tpu.memory_space<vmem_shared>>
        %dma_start3A_24 = arith.constant 9360 : i32
        %dma_start3A_25 = arith.constant 0 : i32
        %dma_start3A_26 = tpu.memref_slice %arg3[%dma_start3A_24, %dma_start3A_25] : memref<10000x128xi32, #tpu.memory_space<hbm>> -> memref<640x128xi32, #tpu.memory_space<hbm>>
        tpu.enqueue_dma source(%dma_start3A_26 : memref<640x128xi32, #tpu.memory_space<hbm>>) target(%dma_start3A_23 : memref<640x128xi32, #tpu.memory_space<vmem_shared>>) target_semaphore(%run_scoped3A : memref<!tpu.dma_semaphore, #tpu.memory_space<semaphore_mem>>)
        %dma_wait3A = arith.constant 9360 : i32
        %dma_wait3A_27 = arith.constant 0 : i32
        %dma_wait3A_28 = tpu.memref_slice %arg8[%dma_wait3A, %dma_wait3A_27] : memref<10000x128xi32, #tpu.memory_space<vmem_shared>> -> memref<640x128xi32, #tpu.memory_space<vmem_shared>>
        %dma_wait3A_29 = arith.constant 9360 : i32
        %dma_wait3A_30 = arith.constant 0 : i32
        %dma_wait3A_31 = tpu.memref_slice %arg3[%dma_wait3A_29, %dma_wait3A_30] : memref<10000x128xi32, #tpu.memory_space<hbm>> -> memref<640x128xi32, #tpu.memory_space<hbm>>
        tpu.wait_dma2 semaphore(%run_scoped3A : memref<!tpu.dma_semaphore, #tpu.memory_space<semaphore_mem>>) src(%dma_wait3A_31 : memref<640x128xi32, #tpu.memory_space<hbm>>) dst(%dma_wait3A_28 : memref<640x128xi32, #tpu.memory_space<vmem_shared>>)
        tpu.yield
      }) : () -> ()
    } else {
    }
    "tpu.region"() ({
      %run_scoped3A = tpu.sem_alloc : memref<!tpu.dma_semaphore, #tpu.memory_space<semaphore_mem>>
      %dma_start3A_21 = arith.constant 0 : i32
      %dma_start3A_22 = arith.constant 0 : i32
      %dma_start3A_23 = tpu.memref_slice %arg2[%add3A, %dma_start3A_21, %dma_start3A_22] : memref<32x20x128xi32, #tpu.memory_space<hbm>> -> memref<1x20x128xi32, #tpu.memory_space<hbm>>
      %dma_start3A_24 = tpu.memref_squeeze %dma_start3A_23 : memref<1x20x128xi32, #tpu.memory_space<hbm>> -> memref<20x128xi32, #tpu.memory_space<hbm>>
      %dma_start3A_25 = arith.constant 0 : i32
      %dma_start3A_26 = arith.constant 0 : i32
      %dma_start3A_27 = tpu.memref_slice %arg2[%add3A, %dma_start3A_25, %dma_start3A_26] : memref<32x20x128xi32, #tpu.memory_space<hbm>> -> memref<1x20x128xi32, #tpu.memory_space<hbm>>
      %dma_start3A_28 = tpu.memref_squeeze %dma_start3A_27 : memref<1x20x128xi32, #tpu.memory_space<hbm>> -> memref<20x128xi32, #tpu.memory_space<hbm>>
      tpu.enqueue_dma source(%dma_start3A_28 : memref<20x128xi32, #tpu.memory_space<hbm>>) target(%arg5 : memref<20x128xi32, #tpu.memory_space<vmem>>) target_semaphore(%run_scoped3A : memref<!tpu.dma_semaphore, #tpu.memory_space<semaphore_mem>>)
      %dma_wait3A = arith.constant 0 : i32
      %dma_wait3A_29 = arith.constant 0 : i32
      %dma_wait3A_30 = tpu.memref_slice %arg2[%add3A, %dma_wait3A, %dma_wait3A_29] : memref<32x20x128xi32, #tpu.memory_space<hbm>> -> memref<1x20x128xi32, #tpu.memory_space<hbm>>
      %dma_wait3A_31 = tpu.memref_squeeze %dma_wait3A_30 : memref<1x20x128xi32, #tpu.memory_space<hbm>> -> memref<20x128xi32, #tpu.memory_space<hbm>>
      %dma_wait3A_32 = arith.constant 0 : i32
      %dma_wait3A_33 = arith.constant 0 : i32
      %dma_wait3A_34 = tpu.memref_slice %arg2[%add3A, %dma_wait3A_32, %dma_wait3A_33] : memref<32x20x128xi32, #tpu.memory_space<hbm>> -> memref<1x20x128xi32, #tpu.memory_space<hbm>>
      %dma_wait3A_35 = tpu.memref_squeeze %dma_wait3A_34 : memref<1x20x128xi32, #tpu.memory_space<hbm>> -> memref<20x128xi32, #tpu.memory_space<hbm>>
      tpu.wait_dma2 semaphore(%run_scoped3A : memref<!tpu.dma_semaphore, #tpu.memory_space<semaphore_mem>>) src(%dma_wait3A_35 : memref<20x128xi32, #tpu.memory_space<hbm>>) dst(%arg5 : memref<20x128xi32, #tpu.memory_space<vmem>>)
      tpu.yield
    }) : () -> ()
    %barrier3A = arith.constant 0 : index
    tpu.barrier barrier_id(%barrier3A)
    %dma_start3A = arith.constant 0 : i32
    %dma_start3A_9 = arith.constant 0 : i32
    %dma_start3A_10 = tpu.memref_slice %arg5[%dma_start3A, %dma_start3A_9] : memref<20x128xi32, #tpu.memory_space<vmem>> -> memref<1x128xi32, #tpu.memory_space<vmem>>
    %dma_start3A_11 = tpu.memref_squeeze %dma_start3A_10 : memref<1x128xi32, #tpu.memory_space<vmem>> -> memref<128xi32, #tpu.memory_space<vmem>>
    %dma_start3A_12 = arith.constant 0 : i32
    %dma_start3A_13 = arith.constant 0 : i32
    %dma_start3A_14 = tpu.memref_slice %arg8[%dma_start3A_12, %dma_start3A_13] : memref<10000x128xi32, #tpu.memory_space<vmem_shared>> -> memref<10000x128xi32, #tpu.memory_space<vmem_shared>>
    tpu.enqueue_indirect_dma source(%dma_start3A_14 : memref<10000x128xi32, #tpu.memory_space<vmem_shared>>) target(%arg6 : memref<128x128xi32, #tpu.memory_space<vmem>>) offsets(%dma_start3A_11 : memref<128xi32, #tpu.memory_space<vmem>>) semaphore(%arg9 : memref<!tpu.dma_semaphore, #tpu.memory_space<semaphore_mem>>)
    %scan3A = arith.constant 0 : i32
    %scan3A_15 = arith.constant 0 : i32
    %scan3A_16 = arith.constant 10 : i32
    %scan3A_17 = arith.addi %scan3A_15, %scan3A_16 : i32
    %scan3A_18 = arith.constant 1 : i32
    %scan3A_19 = scf.for %scan3A_21 = %scan3A_15 to %scan3A_17 step %scan3A_18 iter_args(%scan3A_22 = %scan3A) -> (i32)  : i32 {
      %mul3A_23 = arith.constant 2 : i32
      %mul3A_24 = arith.muli %mul3A_23, %scan3A_21 : i32
      %dma_wait3A = arith.constant 0 : i32
      %dma_wait3A_25 = tpu.memref_slice %arg5[%mul3A_24, %dma_wait3A] : memref<20x128xi32, #tpu.memory_space<vmem>> -> memref<1x128xi32, #tpu.memory_space<vmem>>
      %dma_wait3A_26 = tpu.memref_squeeze %dma_wait3A_25 : memref<1x128xi32, #tpu.memory_space<vmem>> -> memref<128xi32, #tpu.memory_space<vmem>>
      %dma_wait3A_27 = arith.constant 0 : i32
      %dma_wait3A_28 = arith.constant 0 : i32
      %dma_wait3A_29 = tpu.memref_slice %arg8[%dma_wait3A_27, %dma_wait3A_28] : memref<10000x128xi32, #tpu.memory_space<vmem_shared>> -> memref<10000x128xi32, #tpu.memory_space<vmem_shared>>
      tpu.wait_indirect_dma semaphore(%arg9 : memref<!tpu.dma_semaphore, #tpu.memory_space<semaphore_mem>>) src(%dma_wait3A_29 : memref<10000x128xi32, #tpu.memory_space<vmem_shared>>) dst(%arg6 : memref<128x128xi32, #tpu.memory_space<vmem>>)
      %add3A_30 = arith.constant 1 : i32
      %add3A_31 = arith.addi %mul3A_24, %add3A_30 : i32
      %dma_start3A_32 = arith.constant 0 : i32
      %dma_start3A_33 = tpu.memref_slice %arg5[%add3A_31, %dma_start3A_32] : memref<20x128xi32, #tpu.memory_space<vmem>> -> memref<1x128xi32, #tpu.memory_space<vmem>>
      %dma_start3A_34 = tpu.memref_squeeze %dma_start3A_33 : memref<1x128xi32, #tpu.memory_space<vmem>> -> memref<128xi32, #tpu.memory_space<vmem>>
      %dma_start3A_35 = arith.constant 0 : i32
      %dma_start3A_36 = arith.constant 0 : i32
      %dma_start3A_37 = tpu.memref_slice %arg8[%dma_start3A_35, %dma_start3A_36] : memref<10000x128xi32, #tpu.memory_space<vmem_shared>> -> memref<10000x128xi32, #tpu.memory_space<vmem_shared>>
      tpu.enqueue_indirect_dma source(%dma_start3A_37 : memref<10000x128xi32, #tpu.memory_space<vmem_shared>>) target(%arg7 : memref<128x128xi32, #tpu.memory_space<vmem>>) offsets(%dma_start3A_34 : memref<128xi32, #tpu.memory_space<vmem>>) semaphore(%arg9 : memref<!tpu.dma_semaphore, #tpu.memory_space<semaphore_mem>>)
      %mul3A_38 = arith.constant 128 : i32
      %mul3A_39 = arith.muli %mul3A_24, %mul3A_38 : i32
      %add3A_40 = arith.addi %mul3A_2, %mul3A_39 : i32
      "tpu.region"() ({
        %run_scoped3A = tpu.sem_alloc : memref<!tpu.dma_semaphore, #tpu.memory_space<semaphore_mem>>
        %dma_start3A_60 = arith.constant 0 : i32
        %dma_start3A_61 = tpu.memref_slice %arg4[%add3A_40, %dma_start3A_60] : memref<81920x128xi32, #tpu.memory_space<hbm>> -> memref<128x128xi32, #tpu.memory_space<hbm>>
        %dma_start3A_62 = arith.constant 0 : i32
        %dma_start3A_63 = tpu.memref_slice %arg4[%add3A_40, %dma_start3A_62] : memref<81920x128xi32, #tpu.memory_space<hbm>> -> memref<128x128xi32, #tpu.memory_space<hbm>>
        tpu.enqueue_dma source(%arg6 : memref<128x128xi32, #tpu.memory_space<vmem>>) target(%dma_start3A_63 : memref<128x128xi32, #tpu.memory_space<hbm>>) target_semaphore(%run_scoped3A : memref<!tpu.dma_semaphore, #tpu.memory_space<semaphore_mem>>)
        %dma_wait3A_64 = arith.constant 0 : i32
        %dma_wait3A_65 = tpu.memref_slice %arg4[%add3A_40, %dma_wait3A_64] : memref<81920x128xi32, #tpu.memory_space<hbm>> -> memref<128x128xi32, #tpu.memory_space<hbm>>
        %dma_wait3A_66 = arith.constant 0 : i32
        %dma_wait3A_67 = tpu.memref_slice %arg4[%add3A_40, %dma_wait3A_66] : memref<81920x128xi32, #tpu.memory_space<hbm>> -> memref<128x128xi32, #tpu.memory_space<hbm>>
        tpu.wait_dma2 semaphore(%run_scoped3A : memref<!tpu.dma_semaphore, #tpu.memory_space<semaphore_mem>>) src(%arg6 : memref<128x128xi32, #tpu.memory_space<vmem>>) dst(%dma_wait3A_67 : memref<128x128xi32, #tpu.memory_space<hbm>>)
        tpu.yield
      }) : () -> ()
      %add3A_41 = arith.constant 1 : i32
      %add3A_42 = arith.addi %mul3A_24, %add3A_41 : i32
      %dma_wait3A_43 = arith.constant 0 : i32
      %dma_wait3A_44 = tpu.memref_slice %arg5[%add3A_42, %dma_wait3A_43] : memref<20x128xi32, #tpu.memory_space<vmem>> -> memref<1x128xi32, #tpu.memory_space<vmem>>
      %dma_wait3A_45 = tpu.memref_squeeze %dma_wait3A_44 : memref<1x128xi32, #tpu.memory_space<vmem>> -> memref<128xi32, #tpu.memory_space<vmem>>
      %dma_wait3A_46 = arith.constant 0 : i32
      %dma_wait3A_47 = arith.constant 0 : i32
      %dma_wait3A_48 = tpu.memref_slice %arg8[%dma_wait3A_46, %dma_wait3A_47] : memref<10000x128xi32, #tpu.memory_space<vmem_shared>> -> memref<10000x128xi32, #tpu.memory_space<vmem_shared>>
      tpu.wait_indirect_dma semaphore(%arg9 : memref<!tpu.dma_semaphore, #tpu.memory_space<semaphore_mem>>) src(%dma_wait3A_48 : memref<10000x128xi32, #tpu.memory_space<vmem_shared>>) dst(%arg7 : memref<128x128xi32, #tpu.memory_space<vmem>>)
      %lt3A_49 = arith.constant 9 : i32
      %lt3A_50 = arith.cmpi slt, %scan3A_21, %lt3A_49 : i32
      %convert_element_type3A_51 = arith.extui %lt3A_50 : i1 to i32
      %cond3A_52 = arith.constant 0 : i32
      %cond3A_53 = arith.cmpi ne, %convert_element_type3A_51, %cond3A_52 : i32
      scf.if %cond3A_53 {
        %add3A_60 = arith.constant 2 : i32
        %add3A_61 = arith.addi %mul3A_24, %add3A_60 : i32
        %dma_start3A_62 = arith.constant 0 : i32
        %dma_start3A_63 = tpu.memref_slice %arg5[%add3A_61, %dma_start3A_62] : memref<20x128xi32, #tpu.memory_space<vmem>> -> memref<1x128xi32, #tpu.memory_space<vmem>>
        %dma_start3A_64 = tpu.memref_squeeze %dma_start3A_63 : memref<1x128xi32, #tpu.memory_space<vmem>> -> memref<128xi32, #tpu.memory_space<vmem>>
        %dma_start3A_65 = arith.constant 0 : i32
        %dma_start3A_66 = arith.constant 0 : i32
        %dma_start3A_67 = tpu.memref_slice %arg8[%dma_start3A_65, %dma_start3A_66] : memref<10000x128xi32, #tpu.memory_space<vmem_shared>> -> memref<10000x128xi32, #tpu.memory_space<vmem_shared>>
        tpu.enqueue_indirect_dma source(%dma_start3A_67 : memref<10000x128xi32, #tpu.memory_space<vmem_shared>>) target(%arg6 : memref<128x128xi32, #tpu.memory_space<vmem>>) offsets(%dma_start3A_64 : memref<128xi32, #tpu.memory_space<vmem>>) semaphore(%arg9 : memref<!tpu.dma_semaphore, #tpu.memory_space<semaphore_mem>>)
      } else {
      }
      %add3A_54 = arith.constant 1 : i32
      %add3A_55 = arith.addi %mul3A_24, %add3A_54 : i32
      %mul3A_56 = arith.constant 128 : i32
      %mul3A_57 = arith.muli %add3A_55, %mul3A_56 : i32
      %add3A_58 = arith.addi %mul3A_2, %mul3A_57 : i32
      "tpu.region"() ({
        %run_scoped3A = tpu.sem_alloc : memref<!tpu.dma_semaphore, #tpu.memory_space<semaphore_mem>>
        %dma_start3A_60 = arith.constant 0 : i32
        %dma_start3A_61 = tpu.memref_slice %arg4[%add3A_58, %dma_start3A_60] : memref<81920x128xi32, #tpu.memory_space<hbm>> -> memref<128x128xi32, #tpu.memory_space<hbm>>
        %dma_start3A_62 = arith.constant 0 : i32
        %dma_start3A_63 = tpu.memref_slice %arg4[%add3A_58, %dma_start3A_62] : memref<81920x128xi32, #tpu.memory_space<hbm>> -> memref<128x128xi32, #tpu.memory_space<hbm>>
        tpu.enqueue_dma source(%arg7 : memref<128x128xi32, #tpu.memory_space<vmem>>) target(%dma_start3A_63 : memref<128x128xi32, #tpu.memory_space<hbm>>) target_semaphore(%run_scoped3A : memref<!tpu.dma_semaphore, #tpu.memory_space<semaphore_mem>>)
        %dma_wait3A_64 = arith.constant 0 : i32
        %dma_wait3A_65 = tpu.memref_slice %arg4[%add3A_58, %dma_wait3A_64] : memref<81920x128xi32, #tpu.memory_space<hbm>> -> memref<128x128xi32, #tpu.memory_space<hbm>>
        %dma_wait3A_66 = arith.constant 0 : i32
        %dma_wait3A_67 = tpu.memref_slice %arg4[%add3A_58, %dma_wait3A_66] : memref<81920x128xi32, #tpu.memory_space<hbm>> -> memref<128x128xi32, #tpu.memory_space<hbm>>
        tpu.wait_dma2 semaphore(%run_scoped3A : memref<!tpu.dma_semaphore, #tpu.memory_space<semaphore_mem>>) src(%arg7 : memref<128x128xi32, #tpu.memory_space<vmem>>) dst(%dma_wait3A_67 : memref<128x128xi32, #tpu.memory_space<hbm>>)
        tpu.yield
      }) : () -> ()
      %scan3A_59 = arith.constant 0 : i32
      scf.yield %scan3A_59 : i32
    }
    %scan3A_20 = arith.constant 10 : i32
    return
  }
}

#map = affine_map<(d0, d1) -> (0, 0, 0)>
#map1 = affine_map<(d0, d1) -> (0, 0)>
module attributes {stable_mosaic.version = 14 : i64} {
  func.func @_sc_scatter_body(%arg0: i32, %arg1: i32, %arg2: memref<16x40x128xi32, #tpu.memory_space<hbm>>, %arg3: memref<81920x256xf32, #tpu.memory_space<hbm>>, %arg4: memref<10000x256xf32, #tpu.memory_space<hbm>>, %arg5: memref<40x128xi32, #tpu.memory_space<vmem>>, %arg6: memref<128x128xf32, #tpu.memory_space<vmem>>, %arg7: memref<128x128xf32, #tpu.memory_space<vmem>>, %arg8: memref<10008x128xf32, #tpu.memory_space<vmem_shared>>, %arg9: memref<!tpu.dma_semaphore, #tpu.memory_space<semaphore_mem>>) attributes {dimension_semantics = [#tpu.dimension_semantics<core_parallel>, #tpu.dimension_semantics<subcore_parallel>], iteration_bounds = array<i64: 2, 16>, scalar_prefetch = 0 : i64, scratch_operands = 5 : i64, tpu.core_type = #tpu.core_type<sc_vector_subcore>, window_params = [{transform_indices = #map}, {transform_indices = #map1}, {transform_indices = #map1}]} {
    %broadcast_in_dim3A = arith.constant 0.000000e+00 : f32
    %broadcast_in_dim3A_0 = vector.broadcast %broadcast_in_dim3A : f32 to vector<16xf32>
    %scan3A = arith.constant 0 : i32
    %scan3A_1 = arith.constant 0 : i32
    %scan3A_2 = arith.constant 128 : i32
    %scan3A_3 = arith.addi %scan3A_1, %scan3A_2 : i32
    %scan3A_4 = arith.constant 1 : i32
    %scan3A_5 = scf.for %scan3A_34 = %scan3A_1 to %scan3A_3 step %scan3A_4 iter_args(%scan3A_35 = %scan3A) -> (i32)  : i32 {
      %swap3A = arith.index_cast %scan3A_34 : i32 to index
      %swap3A_36 = arith.constant 0 : index
      %swap3A_37 = tpu.vector_load %arg6[%swap3A, %swap3A_36] {strides = array<i32>} : memref<128x128xf32, #tpu.memory_space<vmem>>, vector<1x16xf32>,
      %swap3A_38 = vector.shape_cast %swap3A_37 : vector<1x16xf32> to vector<16xf32>
      %swap3A_39 = vector.shape_cast %broadcast_in_dim3A_0 : vector<16xf32> to vector<1x16xf32>
      tpu.vector_store %arg6[%swap3A, %swap3A_36], %swap3A_39 {strides = array<i32>} : memref<128x128xf32, #tpu.memory_space<vmem>>, vector<1x16xf32>,
      %swap3A_40 = arith.index_cast %scan3A_34 : i32 to index
      %swap3A_41 = arith.constant 16 : index
      %swap3A_42 = tpu.vector_load %arg6[%swap3A_40, %swap3A_41] {strides = array<i32>} : memref<128x128xf32, #tpu.memory_space<vmem>>, vector<1x16xf32>,
      %swap3A_43 = vector.shape_cast %swap3A_42 : vector<1x16xf32> to vector<16xf32>
      %swap3A_44 = vector.shape_cast %broadcast_in_dim3A_0 : vector<16xf32> to vector<1x16xf32>
      tpu.vector_store %arg6[%swap3A_40, %swap3A_41], %swap3A_44 {strides = array<i32>} : memref<128x128xf32, #tpu.memory_space<vmem>>, vector<1x16xf32>,
      %swap3A_45 = arith.index_cast %scan3A_34 : i32 to index
      %swap3A_46 = arith.constant 32 : index
      %swap3A_47 = tpu.vector_load %arg6[%swap3A_45, %swap3A_46] {strides = array<i32>} : memref<128x128xf32, #tpu.memory_space<vmem>>, vector<1x16xf32>,
      %swap3A_48 = vector.shape_cast %swap3A_47 : vector<1x16xf32> to vector<16xf32>
      %swap3A_49 = vector.shape_cast %broadcast_in_dim3A_0 : vector<16xf32> to vector<1x16xf32>
      tpu.vector_store %arg6[%swap3A_45, %swap3A_46], %swap3A_49 {strides = array<i32>} : memref<128x128xf32, #tpu.memory_space<vmem>>, vector<1x16xf32>,
      %swap3A_50 = arith.index_cast %scan3A_34 : i32 to index
      %swap3A_51 = arith.constant 48 : index
      %swap3A_52 = tpu.vector_load %arg6[%swap3A_50, %swap3A_51] {strides = array<i32>} : memref<128x128xf32, #tpu.memory_space<vmem>>, vector<1x16xf32>,
      %swap3A_53 = vector.shape_cast %swap3A_52 : vector<1x16xf32> to vector<16xf32>
      %swap3A_54 = vector.shape_cast %broadcast_in_dim3A_0 : vector<16xf32> to vector<1x16xf32>
      tpu.vector_store %arg6[%swap3A_50, %swap3A_51], %swap3A_54 {strides = array<i32>} : memref<128x128xf32, #tpu.memory_space<vmem>>, vector<1x16xf32>,
      %swap3A_55 = arith.index_cast %scan3A_34 : i32 to index
      %swap3A_56 = arith.constant 64 : index
      %swap3A_57 = tpu.vector_load %arg6[%swap3A_55, %swap3A_56] {strides = array<i32>} : memref<128x128xf32, #tpu.memory_space<vmem>>, vector<1x16xf32>,
      %swap3A_58 = vector.shape_cast %swap3A_57 : vector<1x16xf32> to vector<16xf32>
      %swap3A_59 = vector.shape_cast %broadcast_in_dim3A_0 : vector<16xf32> to vector<1x16xf32>
      tpu.vector_store %arg6[%swap3A_55, %swap3A_56], %swap3A_59 {strides = array<i32>} : memref<128x128xf32, #tpu.memory_space<vmem>>, vector<1x16xf32>,
      %swap3A_60 = arith.index_cast %scan3A_34 : i32 to index
      %swap3A_61 = arith.constant 80 : index
      %swap3A_62 = tpu.vector_load %arg6[%swap3A_60, %swap3A_61] {strides = array<i32>} : memref<128x128xf32, #tpu.memory_space<vmem>>, vector<1x16xf32>,
      %swap3A_63 = vector.shape_cast %swap3A_62 : vector<1x16xf32> to vector<16xf32>
      %swap3A_64 = vector.shape_cast %broadcast_in_dim3A_0 : vector<16xf32> to vector<1x16xf32>
      tpu.vector_store %arg6[%swap3A_60, %swap3A_61], %swap3A_64 {strides = array<i32>} : memref<128x128xf32, #tpu.memory_space<vmem>>, vector<1x16xf32>,
      %swap3A_65 = arith.index_cast %scan3A_34 : i32 to index
      %swap3A_66 = arith.constant 96 : index
      %swap3A_67 = tpu.vector_load %arg6[%swap3A_65, %swap3A_66] {strides = array<i32>} : memref<128x128xf32, #tpu.memory_space<vmem>>, vector<1x16xf32>,
      %swap3A_68 = vector.shape_cast %swap3A_67 : vector<1x16xf32> to vector<16xf32>
      %swap3A_69 = vector.shape_cast %broadcast_in_dim3A_0 : vector<16xf32> to vector<1x16xf32>
      tpu.vector_store %arg6[%swap3A_65, %swap3A_66], %swap3A_69 {strides = array<i32>} : memref<128x128xf32, #tpu.memory_space<vmem>>, vector<1x16xf32>,
      %swap3A_70 = arith.index_cast %scan3A_34 : i32 to index
      %swap3A_71 = arith.constant 112 : index
      %swap3A_72 = tpu.vector_load %arg6[%swap3A_70, %swap3A_71] {strides = array<i32>} : memref<128x128xf32, #tpu.memory_space<vmem>>, vector<1x16xf32>,
      %swap3A_73 = vector.shape_cast %swap3A_72 : vector<1x16xf32> to vector<16xf32>
      %swap3A_74 = vector.shape_cast %broadcast_in_dim3A_0 : vector<16xf32> to vector<1x16xf32>
      tpu.vector_store %arg6[%swap3A_70, %swap3A_71], %swap3A_74 {strides = array<i32>} : memref<128x128xf32, #tpu.memory_space<vmem>>, vector<1x16xf32>,
      %scan3A_75 = arith.constant 0 : i32
      scf.yield %scan3A_75 : i32
    }
    %scan3A_6 = arith.constant 128 : i32
    %lt3A = arith.constant 15 : i32
    %lt3A_7 = arith.cmpi slt, %arg1, %lt3A : i32
    %convert_element_type3A = arith.extui %lt3A_7 : i1 to i32
    %cond3A = arith.constant 0 : i32
    %cond3A_8 = arith.cmpi ne, %convert_element_type3A, %cond3A : i32
    scf.if %cond3A_8 {
      %mul3A_34 = arith.constant 632 : i32
      %mul3A_35 = arith.muli %arg1, %mul3A_34 : i32
      %add3A = arith.constant 0 : i32
      %add3A_36 = arith.addi %mul3A_35, %add3A : i32
      "tpu.region"() ({
        %run_scoped3A = tpu.sem_alloc : memref<!tpu.dma_semaphore, #tpu.memory_space<semaphore_mem>>
        %dma_start3A_46 = arith.constant 0 : i32
        %dma_start3A_47 = tpu.memref_slice %arg8[%add3A_36, %dma_start3A_46] : memref<10008x128xf32, #tpu.memory_space<vmem_shared>> -> memref<128x128xf32, #tpu.memory_space<vmem_shared>>
        %dma_start3A_48 = arith.constant 0 : i32
        %dma_start3A_49 = tpu.memref_slice %arg8[%add3A_36, %dma_start3A_48] : memref<10008x128xf32, #tpu.memory_space<vmem_shared>> -> memref<128x128xf32, #tpu.memory_space<vmem_shared>>
        tpu.enqueue_dma source(%arg6 : memref<128x128xf32, #tpu.memory_space<vmem>>) target(%dma_start3A_49 : memref<128x128xf32, #tpu.memory_space<vmem_shared>>) target_semaphore(%run_scoped3A : memref<!tpu.dma_semaphore, #tpu.memory_space<semaphore_mem>>)
        %dma_wait3A = arith.constant 0 : i32
        %dma_wait3A_50 = tpu.memref_slice %arg8[%add3A_36, %dma_wait3A] : memref<10008x128xf32, #tpu.memory_space<vmem_shared>> -> memref<128x128xf32, #tpu.memory_space<vmem_shared>>
        %dma_wait3A_51 = arith.constant 0 : i32
        %dma_wait3A_52 = tpu.memref_slice %arg8[%add3A_36, %dma_wait3A_51] : memref<10008x128xf32, #tpu.memory_space<vmem_shared>> -> memref<128x128xf32, #tpu.memory_space<vmem_shared>>
        tpu.wait_dma2 semaphore(%run_scoped3A : memref<!tpu.dma_semaphore, #tpu.memory_space<semaphore_mem>>) src(%arg6 : memref<128x128xf32, #tpu.memory_space<vmem>>) dst(%dma_wait3A_52 : memref<128x128xf32, #tpu.memory_space<vmem_shared>>)
        tpu.yield
      }) : () -> ()
      %add3A_37 = arith.constant 128 : i32
      %add3A_38 = arith.addi %mul3A_35, %add3A_37 : i32
      "tpu.region"() ({
        %run_scoped3A = tpu.sem_alloc : memref<!tpu.dma_semaphore, #tpu.memory_space<semaphore_mem>>
        %dma_start3A_46 = arith.constant 0 : i32
        %dma_start3A_47 = tpu.memref_slice %arg8[%add3A_38, %dma_start3A_46] : memref<10008x128xf32, #tpu.memory_space<vmem_shared>> -> memref<128x128xf32, #tpu.memory_space<vmem_shared>>
        %dma_start3A_48 = arith.constant 0 : i32
        %dma_start3A_49 = tpu.memref_slice %arg8[%add3A_38, %dma_start3A_48] : memref<10008x128xf32, #tpu.memory_space<vmem_shared>> -> memref<128x128xf32, #tpu.memory_space<vmem_shared>>
        tpu.enqueue_dma source(%arg6 : memref<128x128xf32, #tpu.memory_space<vmem>>) target(%dma_start3A_49 : memref<128x128xf32, #tpu.memory_space<vmem_shared>>) target_semaphore(%run_scoped3A : memref<!tpu.dma_semaphore, #tpu.memory_space<semaphore_mem>>)
        %dma_wait3A = arith.constant 0 : i32
        %dma_wait3A_50 = tpu.memref_slice %arg8[%add3A_38, %dma_wait3A] : memref<10008x128xf32, #tpu.memory_space<vmem_shared>> -> memref<128x128xf32, #tpu.memory_space<vmem_shared>>
        %dma_wait3A_51 = arith.constant 0 : i32
        %dma_wait3A_52 = tpu.memref_slice %arg8[%add3A_38, %dma_wait3A_51] : memref<10008x128xf32, #tpu.memory_space<vmem_shared>> -> memref<128x128xf32, #tpu.memory_space<vmem_shared>>
        tpu.wait_dma2 semaphore(%run_scoped3A : memref<!tpu.dma_semaphore, #tpu.memory_space<semaphore_mem>>) src(%arg6 : memref<128x128xf32, #tpu.memory_space<vmem>>) dst(%dma_wait3A_52 : memref<128x128xf32, #tpu.memory_space<vmem_shared>>)
        tpu.yield
      }) : () -> ()
      %add3A_39 = arith.constant 256 : i32
      %add3A_40 = arith.addi %mul3A_35, %add3A_39 : i32
      "tpu.region"() ({
        %run_scoped3A = tpu.sem_alloc : memref<!tpu.dma_semaphore, #tpu.memory_space<semaphore_mem>>
        %dma_start3A_46 = arith.constant 0 : i32
        %dma_start3A_47 = tpu.memref_slice %arg8[%add3A_40, %dma_start3A_46] : memref<10008x128xf32, #tpu.memory_space<vmem_shared>> -> memref<128x128xf32, #tpu.memory_space<vmem_shared>>
        %dma_start3A_48 = arith.constant 0 : i32
        %dma_start3A_49 = tpu.memref_slice %arg8[%add3A_40, %dma_start3A_48] : memref<10008x128xf32, #tpu.memory_space<vmem_shared>> -> memref<128x128xf32, #tpu.memory_space<vmem_shared>>
        tpu.enqueue_dma source(%arg6 : memref<128x128xf32, #tpu.memory_space<vmem>>) target(%dma_start3A_49 : memref<128x128xf32, #tpu.memory_space<vmem_shared>>) target_semaphore(%run_scoped3A : memref<!tpu.dma_semaphore, #tpu.memory_space<semaphore_mem>>)
        %dma_wait3A = arith.constant 0 : i32
        %dma_wait3A_50 = tpu.memref_slice %arg8[%add3A_40, %dma_wait3A] : memref<10008x128xf32, #tpu.memory_space<vmem_shared>> -> memref<128x128xf32, #tpu.memory_space<vmem_shared>>
        %dma_wait3A_51 = arith.constant 0 : i32
        %dma_wait3A_52 = tpu.memref_slice %arg8[%add3A_40, %dma_wait3A_51] : memref<10008x128xf32, #tpu.memory_space<vmem_shared>> -> memref<128x128xf32, #tpu.memory_space<vmem_shared>>
        tpu.wait_dma2 semaphore(%run_scoped3A : memref<!tpu.dma_semaphore, #tpu.memory_space<semaphore_mem>>) src(%arg6 : memref<128x128xf32, #tpu.memory_space<vmem>>) dst(%dma_wait3A_52 : memref<128x128xf32, #tpu.memory_space<vmem_shared>>)
        tpu.yield
      }) : () -> ()
      %add3A_41 = arith.constant 384 : i32
      %add3A_42 = arith.addi %mul3A_35, %add3A_41 : i32
      "tpu.region"() ({
        %run_scoped3A = tpu.sem_alloc : memref<!tpu.dma_semaphore, #tpu.memory_space<semaphore_mem>>
        %dma_start3A_46 = arith.constant 0 : i32
        %dma_start3A_47 = tpu.memref_slice %arg8[%add3A_42, %dma_start3A_46] : memref<10008x128xf32, #tpu.memory_space<vmem_shared>> -> memref<128x128xf32, #tpu.memory_space<vmem_shared>>
        %dma_start3A_48 = arith.constant 0 : i32
        %dma_start3A_49 = tpu.memref_slice %arg8[%add3A_42, %dma_start3A_48] : memref<10008x128xf32, #tpu.memory_space<vmem_shared>> -> memref<128x128xf32, #tpu.memory_space<vmem_shared>>
        tpu.enqueue_dma source(%arg6 : memref<128x128xf32, #tpu.memory_space<vmem>>) target(%dma_start3A_49 : memref<128x128xf32, #tpu.memory_space<vmem_shared>>) target_semaphore(%run_scoped3A : memref<!tpu.dma_semaphore, #tpu.memory_space<semaphore_mem>>)
        %dma_wait3A = arith.constant 0 : i32
        %dma_wait3A_50 = tpu.memref_slice %arg8[%add3A_42, %dma_wait3A] : memref<10008x128xf32, #tpu.memory_space<vmem_shared>> -> memref<128x128xf32, #tpu.memory_space<vmem_shared>>
        %dma_wait3A_51 = arith.constant 0 : i32
        %dma_wait3A_52 = tpu.memref_slice %arg8[%add3A_42, %dma_wait3A_51] : memref<10008x128xf32, #tpu.memory_space<vmem_shared>> -> memref<128x128xf32, #tpu.memory_space<vmem_shared>>
        tpu.wait_dma2 semaphore(%run_scoped3A : memref<!tpu.dma_semaphore, #tpu.memory_space<semaphore_mem>>) src(%arg6 : memref<128x128xf32, #tpu.memory_space<vmem>>) dst(%dma_wait3A_52 : memref<128x128xf32, #tpu.memory_space<vmem_shared>>)
        tpu.yield
      }) : () -> ()
      %add3A_43 = arith.constant 632 : i32
      %add3A_44 = arith.addi %mul3A_35, %add3A_43 : i32
      %sub3A = arith.constant 120 : i32
      %sub3A_45 = arith.subi %add3A_44, %sub3A : i32
      "tpu.region"() ({
        %run_scoped3A = tpu.sem_alloc : memref<!tpu.dma_semaphore, #tpu.memory_space<semaphore_mem>>
        %dma_start3A_46 = arith.constant 0 : i32
        %dma_start3A_47 = arith.constant 0 : i32
        %dma_start3A_48 = tpu.memref_slice %arg6[%dma_start3A_46, %dma_start3A_47] : memref<128x128xf32, #tpu.memory_space<vmem>> -> memref<120x128xf32, #tpu.memory_space<vmem>>
        %dma_start3A_49 = arith.constant 0 : i32
        %dma_start3A_50 = tpu.memref_slice %arg8[%sub3A_45, %dma_start3A_49] : memref<10008x128xf32, #tpu.memory_space<vmem_shared>> -> memref<120x128xf32, #tpu.memory_space<vmem_shared>>
        %dma_start3A_51 = arith.constant 0 : i32
        %dma_start3A_52 = tpu.memref_slice %arg8[%sub3A_45, %dma_start3A_51] : memref<10008x128xf32, #tpu.memory_space<vmem_shared>> -> memref<120x128xf32, #tpu.memory_space<vmem_shared>>
        %dma_start3A_53 = arith.constant 0 : i32
        %dma_start3A_54 = arith.constant 0 : i32
        %dma_start3A_55 = tpu.memref_slice %arg6[%dma_start3A_53, %dma_start3A_54] : memref<128x128xf32, #tpu.memory_space<vmem>> -> memref<120x128xf32, #tpu.memory_space<vmem>>
        tpu.enqueue_dma source(%dma_start3A_55 : memref<120x128xf32, #tpu.memory_space<vmem>>) target(%dma_start3A_52 : memref<120x128xf32, #tpu.memory_space<vmem_shared>>) target_semaphore(%run_scoped3A : memref<!tpu.dma_semaphore, #tpu.memory_space<semaphore_mem>>)
        %dma_wait3A = arith.constant 0 : i32
        %dma_wait3A_56 = arith.constant 0 : i32
        %dma_wait3A_57 = tpu.memref_slice %arg6[%dma_wait3A, %dma_wait3A_56] : memref<128x128xf32, #tpu.memory_space<vmem>> -> memref<120x128xf32, #tpu.memory_space<vmem>>
        %dma_wait3A_58 = arith.constant 0 : i32
        %dma_wait3A_59 = tpu.memref_slice %arg8[%sub3A_45, %dma_wait3A_58] : memref<10008x128xf32, #tpu.memory_space<vmem_shared>> -> memref<120x128xf32, #tpu.memory_space<vmem_shared>>
        %dma_wait3A_60 = arith.constant 0 : i32
        %dma_wait3A_61 = tpu.memref_slice %arg8[%sub3A_45, %dma_wait3A_60] : memref<10008x128xf32, #tpu.memory_space<vmem_shared>> -> memref<120x128xf32, #tpu.memory_space<vmem_shared>>
        %dma_wait3A_62 = arith.constant 0 : i32
        %dma_wait3A_63 = arith.constant 0 : i32
        %dma_wait3A_64 = tpu.memref_slice %arg6[%dma_wait3A_62, %dma_wait3A_63] : memref<128x128xf32, #tpu.memory_space<vmem>> -> memref<120x128xf32, #tpu.memory_space<vmem>>
        tpu.wait_dma2 semaphore(%run_scoped3A : memref<!tpu.dma_semaphore, #tpu.memory_space<semaphore_mem>>) src(%dma_wait3A_64 : memref<120x128xf32, #tpu.memory_space<vmem>>) dst(%dma_wait3A_61 : memref<120x128xf32, #tpu.memory_space<vmem_shared>>)
        tpu.yield
      }) : () -> ()
    } else {
    }
    %eq3A = arith.constant 15 : i32
    %eq3A_9 = arith.cmpi eq, %arg1, %eq3A : i32
    %convert_element_type3A_10 = arith.extui %eq3A_9 : i1 to i32
    %cond3A_11 = arith.constant 0 : i32
    %cond3A_12 = arith.cmpi ne, %convert_element_type3A_10, %cond3A_11 : i32
    scf.if %cond3A_12 {
      "tpu.region"() ({
        %run_scoped3A = tpu.sem_alloc : memref<!tpu.dma_semaphore, #tpu.memory_space<semaphore_mem>>
        %dma_start3A_34 = arith.constant 9480 : i32
        %dma_start3A_35 = arith.constant 0 : i32
        %dma_start3A_36 = tpu.memref_slice %arg8[%dma_start3A_34, %dma_start3A_35] : memref<10008x128xf32, #tpu.memory_space<vmem_shared>> -> memref<128x128xf32, #tpu.memory_space<vmem_shared>>
        %dma_start3A_37 = arith.constant 9480 : i32
        %dma_start3A_38 = arith.constant 0 : i32
        %dma_start3A_39 = tpu.memref_slice %arg8[%dma_start3A_37, %dma_start3A_38] : memref<10008x128xf32, #tpu.memory_space<vmem_shared>> -> memref<128x128xf32, #tpu.memory_space<vmem_shared>>
        tpu.enqueue_dma source(%arg6 : memref<128x128xf32, #tpu.memory_space<vmem>>) target(%dma_start3A_39 : memref<128x128xf32, #tpu.memory_space<vmem_shared>>) target_semaphore(%run_scoped3A : memref<!tpu.dma_semaphore, #tpu.memory_space<semaphore_mem>>)
        %dma_wait3A = arith.constant 9480 : i32
        %dma_wait3A_40 = arith.constant 0 : i32
        %dma_wait3A_41 = tpu.memref_slice %arg8[%dma_wait3A, %dma_wait3A_40] : memref<10008x128xf32, #tpu.memory_space<vmem_shared>> -> memref<128x128xf32, #tpu.memory_space<vmem_shared>>
        %dma_wait3A_42 = arith.constant 9480 : i32
        %dma_wait3A_43 = arith.constant 0 : i32
        %dma_wait3A_44 = tpu.memref_slice %arg8[%dma_wait3A_42, %dma_wait3A_43] : memref<10008x128xf32, #tpu.memory_space<vmem_shared>> -> memref<128x128xf32, #tpu.memory_space<vmem_shared>>
        tpu.wait_dma2 semaphore(%run_scoped3A : memref<!tpu.dma_semaphore, #tpu.memory_space<semaphore_mem>>) src(%arg6 : memref<128x128xf32, #tpu.memory_space<vmem>>) dst(%dma_wait3A_44 : memref<128x128xf32, #tpu.memory_space<vmem_shared>>)
        tpu.yield
      }) : () -> ()
      "tpu.region"() ({
        %run_scoped3A = tpu.sem_alloc : memref<!tpu.dma_semaphore, #tpu.memory_space<semaphore_mem>>
        %dma_start3A_34 = arith.constant 9608 : i32
        %dma_start3A_35 = arith.constant 0 : i32
        %dma_start3A_36 = tpu.memref_slice %arg8[%dma_start3A_34, %dma_start3A_35] : memref<10008x128xf32, #tpu.memory_space<vmem_shared>> -> memref<128x128xf32, #tpu.memory_space<vmem_shared>>
        %dma_start3A_37 = arith.constant 9608 : i32
        %dma_start3A_38 = arith.constant 0 : i32
        %dma_start3A_39 = tpu.memref_slice %arg8[%dma_start3A_37, %dma_start3A_38] : memref<10008x128xf32, #tpu.memory_space<vmem_shared>> -> memref<128x128xf32, #tpu.memory_space<vmem_shared>>
        tpu.enqueue_dma source(%arg6 : memref<128x128xf32, #tpu.memory_space<vmem>>) target(%dma_start3A_39 : memref<128x128xf32, #tpu.memory_space<vmem_shared>>) target_semaphore(%run_scoped3A : memref<!tpu.dma_semaphore, #tpu.memory_space<semaphore_mem>>)
        %dma_wait3A = arith.constant 9608 : i32
        %dma_wait3A_40 = arith.constant 0 : i32
        %dma_wait3A_41 = tpu.memref_slice %arg8[%dma_wait3A, %dma_wait3A_40] : memref<10008x128xf32, #tpu.memory_space<vmem_shared>> -> memref<128x128xf32, #tpu.memory_space<vmem_shared>>
        %dma_wait3A_42 = arith.constant 9608 : i32
        %dma_wait3A_43 = arith.constant 0 : i32
        %dma_wait3A_44 = tpu.memref_slice %arg8[%dma_wait3A_42, %dma_wait3A_43] : memref<10008x128xf32, #tpu.memory_space<vmem_shared>> -> memref<128x128xf32, #tpu.memory_space<vmem_shared>>
        tpu.wait_dma2 semaphore(%run_scoped3A : memref<!tpu.dma_semaphore, #tpu.memory_space<semaphore_mem>>) src(%arg6 : memref<128x128xf32, #tpu.memory_space<vmem>>) dst(%dma_wait3A_44 : memref<128x128xf32, #tpu.memory_space<vmem_shared>>)
        tpu.yield
      }) : () -> ()
      "tpu.region"() ({
        %run_scoped3A = tpu.sem_alloc : memref<!tpu.dma_semaphore, #tpu.memory_space<semaphore_mem>>
        %dma_start3A_34 = arith.constant 9736 : i32
        %dma_start3A_35 = arith.constant 0 : i32
        %dma_start3A_36 = tpu.memref_slice %arg8[%dma_start3A_34, %dma_start3A_35] : memref<10008x128xf32, #tpu.memory_space<vmem_shared>> -> memref<128x128xf32, #tpu.memory_space<vmem_shared>>
        %dma_start3A_37 = arith.constant 9736 : i32
        %dma_start3A_38 = arith.constant 0 : i32
        %dma_start3A_39 = tpu.memref_slice %arg8[%dma_start3A_37, %dma_start3A_38] : memref<10008x128xf32, #tpu.memory_space<vmem_shared>> -> memref<128x128xf32, #tpu.memory_space<vmem_shared>>
        tpu.enqueue_dma source(%arg6 : memref<128x128xf32, #tpu.memory_space<vmem>>) target(%dma_start3A_39 : memref<128x128xf32, #tpu.memory_space<vmem_shared>>) target_semaphore(%run_scoped3A : memref<!tpu.dma_semaphore, #tpu.memory_space<semaphore_mem>>)
        %dma_wait3A = arith.constant 9736 : i32
        %dma_wait3A_40 = arith.constant 0 : i32
        %dma_wait3A_41 = tpu.memref_slice %arg8[%dma_wait3A, %dma_wait3A_40] : memref<10008x128xf32, #tpu.memory_space<vmem_shared>> -> memref<128x128xf32, #tpu.memory_space<vmem_shared>>
        %dma_wait3A_42 = arith.constant 9736 : i32
        %dma_wait3A_43 = arith.constant 0 : i32
        %dma_wait3A_44 = tpu.memref_slice %arg8[%dma_wait3A_42, %dma_wait3A_43] : memref<10008x128xf32, #tpu.memory_space<vmem_shared>> -> memref<128x128xf32, #tpu.memory_space<vmem_shared>>
        tpu.wait_dma2 semaphore(%run_scoped3A : memref<!tpu.dma_semaphore, #tpu.memory_space<semaphore_mem>>) src(%arg6 : memref<128x128xf32, #tpu.memory_space<vmem>>) dst(%dma_wait3A_44 : memref<128x128xf32, #tpu.memory_space<vmem_shared>>)
        tpu.yield
      }) : () -> ()
      "tpu.region"() ({
        %run_scoped3A = tpu.sem_alloc : memref<!tpu.dma_semaphore, #tpu.memory_space<semaphore_mem>>
        %dma_start3A_34 = arith.constant 9864 : i32
        %dma_start3A_35 = arith.constant 0 : i32
        %dma_start3A_36 = tpu.memref_slice %arg8[%dma_start3A_34, %dma_start3A_35] : memref<10008x128xf32, #tpu.memory_space<vmem_shared>> -> memref<128x128xf32, #tpu.memory_space<vmem_shared>>
        %dma_start3A_37 = arith.constant 9864 : i32
        %dma_start3A_38 = arith.constant 0 : i32
        %dma_start3A_39 = tpu.memref_slice %arg8[%dma_start3A_37, %dma_start3A_38] : memref<10008x128xf32, #tpu.memory_space<vmem_shared>> -> memref<128x128xf32, #tpu.memory_space<vmem_shared>>
        tpu.enqueue_dma source(%arg6 : memref<128x128xf32, #tpu.memory_space<vmem>>) target(%dma_start3A_39 : memref<128x128xf32, #tpu.memory_space<vmem_shared>>) target_semaphore(%run_scoped3A : memref<!tpu.dma_semaphore, #tpu.memory_space<semaphore_mem>>)
        %dma_wait3A = arith.constant 9864 : i32
        %dma_wait3A_40 = arith.constant 0 : i32
        %dma_wait3A_41 = tpu.memref_slice %arg8[%dma_wait3A, %dma_wait3A_40] : memref<10008x128xf32, #tpu.memory_space<vmem_shared>> -> memref<128x128xf32, #tpu.memory_space<vmem_shared>>
        %dma_wait3A_42 = arith.constant 9864 : i32
        %dma_wait3A_43 = arith.constant 0 : i32
        %dma_wait3A_44 = tpu.memref_slice %arg8[%dma_wait3A_42, %dma_wait3A_43] : memref<10008x128xf32, #tpu.memory_space<vmem_shared>> -> memref<128x128xf32, #tpu.memory_space<vmem_shared>>
        tpu.wait_dma2 semaphore(%run_scoped3A : memref<!tpu.dma_semaphore, #tpu.memory_space<semaphore_mem>>) src(%arg6 : memref<128x128xf32, #tpu.memory_space<vmem>>) dst(%dma_wait3A_44 : memref<128x128xf32, #tpu.memory_space<vmem_shared>>)
        tpu.yield
      }) : () -> ()
      "tpu.region"() ({
        %run_scoped3A = tpu.sem_alloc : memref<!tpu.dma_semaphore, #tpu.memory_space<semaphore_mem>>
        %dma_start3A_34 = arith.constant 0 : i32
        %dma_start3A_35 = arith.constant 0 : i32
        %dma_start3A_36 = tpu.memref_slice %arg6[%dma_start3A_34, %dma_start3A_35] : memref<128x128xf32, #tpu.memory_space<vmem>> -> memref<16x128xf32, #tpu.memory_space<vmem>>
        %dma_start3A_37 = arith.constant 9992 : i32
        %dma_start3A_38 = arith.constant 0 : i32
        %dma_start3A_39 = tpu.memref_slice %arg8[%dma_start3A_37, %dma_start3A_38] : memref<10008x128xf32, #tpu.memory_space<vmem_shared>> -> memref<16x128xf32, #tpu.memory_space<vmem_shared>>
        %dma_start3A_40 = arith.constant 9992 : i32
        %dma_start3A_41 = arith.constant 0 : i32
        %dma_start3A_42 = tpu.memref_slice %arg8[%dma_start3A_40, %dma_start3A_41] : memref<10008x128xf32, #tpu.memory_space<vmem_shared>> -> memref<16x128xf32, #tpu.memory_space<vmem_shared>>
        %dma_start3A_43 = arith.constant 0 : i32
        %dma_start3A_44 = arith.constant 0 : i32
        %dma_start3A_45 = tpu.memref_slice %arg6[%dma_start3A_43, %dma_start3A_44] : memref<128x128xf32, #tpu.memory_space<vmem>> -> memref<16x128xf32, #tpu.memory_space<vmem>>
        tpu.enqueue_dma source(%dma_start3A_45 : memref<16x128xf32, #tpu.memory_space<vmem>>) target(%dma_start3A_42 : memref<16x128xf32, #tpu.memory_space<vmem_shared>>) target_semaphore(%run_scoped3A : memref<!tpu.dma_semaphore, #tpu.memory_space<semaphore_mem>>)
        %dma_wait3A = arith.constant 0 : i32
        %dma_wait3A_46 = arith.constant 0 : i32
        %dma_wait3A_47 = tpu.memref_slice %arg6[%dma_wait3A, %dma_wait3A_46] : memref<128x128xf32, #tpu.memory_space<vmem>> -> memref<16x128xf32, #tpu.memory_space<vmem>>
        %dma_wait3A_48 = arith.constant 9992 : i32
        %dma_wait3A_49 = arith.constant 0 : i32
        %dma_wait3A_50 = tpu.memref_slice %arg8[%dma_wait3A_48, %dma_wait3A_49] : memref<10008x128xf32, #tpu.memory_space<vmem_shared>> -> memref<16x128xf32, #tpu.memory_space<vmem_shared>>
        %dma_wait3A_51 = arith.constant 9992 : i32
        %dma_wait3A_52 = arith.constant 0 : i32
        %dma_wait3A_53 = tpu.memref_slice %arg8[%dma_wait3A_51, %dma_wait3A_52] : memref<10008x128xf32, #tpu.memory_space<vmem_shared>> -> memref<16x128xf32, #tpu.memory_space<vmem_shared>>
        %dma_wait3A_54 = arith.constant 0 : i32
        %dma_wait3A_55 = arith.constant 0 : i32
        %dma_wait3A_56 = tpu.memref_slice %arg6[%dma_wait3A_54, %dma_wait3A_55] : memref<128x128xf32, #tpu.memory_space<vmem>> -> memref<16x128xf32, #tpu.memory_space<vmem>>
        tpu.wait_dma2 semaphore(%run_scoped3A : memref<!tpu.dma_semaphore, #tpu.memory_space<semaphore_mem>>) src(%dma_wait3A_56 : memref<16x128xf32, #tpu.memory_space<vmem>>) dst(%dma_wait3A_53 : memref<16x128xf32, #tpu.memory_space<vmem_shared>>)
        tpu.yield
      }) : () -> ()
    } else {
    }
    "tpu.region"() ({
      %run_scoped3A = tpu.sem_alloc : memref<!tpu.dma_semaphore, #tpu.memory_space<semaphore_mem>>
      %dma_start3A_34 = arith.constant 0 : i32
      %dma_start3A_35 = arith.constant 0 : i32
      %dma_start3A_36 = tpu.memref_slice %arg2[%arg1, %dma_start3A_34, %dma_start3A_35] : memref<16x40x128xi32, #tpu.memory_space<hbm>> -> memref<1x40x128xi32, #tpu.memory_space<hbm>>
      %dma_start3A_37 = tpu.memref_squeeze %dma_start3A_36 : memref<1x40x128xi32, #tpu.memory_space<hbm>> -> memref<40x128xi32, #tpu.memory_space<hbm>>
      %dma_start3A_38 = arith.constant 0 : i32
      %dma_start3A_39 = arith.constant 0 : i32
      %dma_start3A_40 = tpu.memref_slice %arg2[%arg1, %dma_start3A_38, %dma_start3A_39] : memref<16x40x128xi32, #tpu.memory_space<hbm>> -> memref<1x40x128xi32, #tpu.memory_space<hbm>>
      %dma_start3A_41 = tpu.memref_squeeze %dma_start3A_40 : memref<1x40x128xi32, #tpu.memory_space<hbm>> -> memref<40x128xi32, #tpu.memory_space<hbm>>
      tpu.enqueue_dma source(%dma_start3A_41 : memref<40x128xi32, #tpu.memory_space<hbm>>) target(%arg5 : memref<40x128xi32, #tpu.memory_space<vmem>>) target_semaphore(%run_scoped3A : memref<!tpu.dma_semaphore, #tpu.memory_space<semaphore_mem>>)
      %dma_wait3A = arith.constant 0 : i32
      %dma_wait3A_42 = arith.constant 0 : i32
      %dma_wait3A_43 = tpu.memref_slice %arg2[%arg1, %dma_wait3A, %dma_wait3A_42] : memref<16x40x128xi32, #tpu.memory_space<hbm>> -> memref<1x40x128xi32, #tpu.memory_space<hbm>>
      %dma_wait3A_44 = tpu.memref_squeeze %dma_wait3A_43 : memref<1x40x128xi32, #tpu.memory_space<hbm>> -> memref<40x128xi32, #tpu.memory_space<hbm>>
      %dma_wait3A_45 = arith.constant 0 : i32
      %dma_wait3A_46 = arith.constant 0 : i32
      %dma_wait3A_47 = tpu.memref_slice %arg2[%arg1, %dma_wait3A_45, %dma_wait3A_46] : memref<16x40x128xi32, #tpu.memory_space<hbm>> -> memref<1x40x128xi32, #tpu.memory_space<hbm>>
      %dma_wait3A_48 = tpu.memref_squeeze %dma_wait3A_47 : memref<1x40x128xi32, #tpu.memory_space<hbm>> -> memref<40x128xi32, #tpu.memory_space<hbm>>
      tpu.wait_dma2 semaphore(%run_scoped3A : memref<!tpu.dma_semaphore, #tpu.memory_space<semaphore_mem>>) src(%dma_wait3A_48 : memref<40x128xi32, #tpu.memory_space<hbm>>) dst(%arg5 : memref<40x128xi32, #tpu.memory_space<vmem>>)
      tpu.yield
    }) : () -> ()
    %barrier3A = arith.constant 0 : index
    tpu.barrier barrier_id(%barrier3A)
    %mul3A = arith.constant 5120 : i32
    %mul3A_13 = arith.muli %arg1, %mul3A : i32
    %mul3A_14 = arith.constant 128 : i32
    %mul3A_15 = arith.muli %arg0, %mul3A_14 : i32
    %dma_start3A = tpu.memref_slice %arg3[%mul3A_13, %mul3A_15] : memref<81920x256xf32, #tpu.memory_space<hbm>> -> memref<128x128xf32, #tpu.memory_space<hbm>>
    %dma_start3A_16 = tpu.memref_slice %arg3[%mul3A_13, %mul3A_15] : memref<81920x256xf32, #tpu.memory_space<hbm>> -> memref<128x128xf32, #tpu.memory_space<hbm>>
    tpu.enqueue_dma source(%dma_start3A_16 : memref<128x128xf32, #tpu.memory_space<hbm>>) target(%arg6 : memref<128x128xf32, #tpu.memory_space<vmem>>) target_semaphore(%arg9 : memref<!tpu.dma_semaphore, #tpu.memory_space<semaphore_mem>>)
    %scan3A_17 = arith.constant 0 : i32
    %scan3A_18 = arith.constant 0 : i32
    %scan3A_19 = arith.constant 20 : i32
    %scan3A_20 = arith.addi %scan3A_18, %scan3A_19 : i32
    %scan3A_21 = arith.constant 1 : i32
    %scan3A_22 = scf.for %scan3A_34 = %scan3A_18 to %scan3A_20 step %scan3A_21 iter_args(%scan3A_35 = %scan3A_17) -> (i32)  : i32 {
      %mul3A_36 = arith.constant 2 : i32
      %mul3A_37 = arith.muli %mul3A_36, %scan3A_34 : i32
      %mul3A_38 = arith.constant 128 : i32
      %mul3A_39 = arith.muli %mul3A_37, %mul3A_38 : i32
      %add3A = arith.addi %mul3A_13, %mul3A_39 : i32
      %dma_wait3A = tpu.memref_slice %arg3[%add3A, %mul3A_15] : memref<81920x256xf32, #tpu.memory_space<hbm>> -> memref<128x128xf32, #tpu.memory_space<hbm>>
      %dma_wait3A_40 = tpu.memref_slice %arg3[%add3A, %mul3A_15] : memref<81920x256xf32, #tpu.memory_space<hbm>> -> memref<128x128xf32, #tpu.memory_space<hbm>>
      tpu.wait_dma2 semaphore(%arg9 : memref<!tpu.dma_semaphore, #tpu.memory_space<semaphore_mem>>) src(%dma_wait3A_40 : memref<128x128xf32, #tpu.memory_space<hbm>>) dst(%arg6 : memref<128x128xf32, #tpu.memory_space<vmem>>)
      %add3A_41 = arith.constant 1 : i32
      %add3A_42 = arith.addi %mul3A_37, %add3A_41 : i32
      %mul3A_43 = arith.constant 128 : i32
      %mul3A_44 = arith.muli %add3A_42, %mul3A_43 : i32
      %add3A_45 = arith.addi %mul3A_13, %mul3A_44 : i32
      %dma_start3A_46 = tpu.memref_slice %arg3[%add3A_45, %mul3A_15] : memref<81920x256xf32, #tpu.memory_space<hbm>> -> memref<128x128xf32, #tpu.memory_space<hbm>>
      %dma_start3A_47 = tpu.memref_slice %arg3[%add3A_45, %mul3A_15] : memref<81920x256xf32, #tpu.memory_space<hbm>> -> memref<128x128xf32, #tpu.memory_space<hbm>>
      tpu.enqueue_dma source(%dma_start3A_47 : memref<128x128xf32, #tpu.memory_space<hbm>>) target(%arg7 : memref<128x128xf32, #tpu.memory_space<vmem>>) target_semaphore(%arg9 : memref<!tpu.dma_semaphore, #tpu.memory_space<semaphore_mem>>)
      "tpu.region"() ({
        %run_scoped3A = tpu.sem_alloc : memref<!tpu.dma_semaphore, #tpu.memory_space<semaphore_mem>>
        %dma_start3A_63 = arith.constant 0 : i32
        %dma_start3A_64 = tpu.memref_slice %arg5[%mul3A_37, %dma_start3A_63] : memref<40x128xi32, #tpu.memory_space<vmem>> -> memref<1x128xi32, #tpu.memory_space<vmem>>
        %dma_start3A_65 = tpu.memref_squeeze %dma_start3A_64 : memref<1x128xi32, #tpu.memory_space<vmem>> -> memref<128xi32, #tpu.memory_space<vmem>>
        %dma_start3A_66 = arith.constant 0 : i32
        %dma_start3A_67 = arith.constant 0 : i32
        %dma_start3A_68 = tpu.memref_slice %arg8[%dma_start3A_66, %dma_start3A_67] : memref<10008x128xf32, #tpu.memory_space<vmem_shared>> -> memref<10008x128xf32, #tpu.memory_space<vmem_shared>>
        tpu.enqueue_indirect_dma source(%arg6 : memref<128x128xf32, #tpu.memory_space<vmem>>) target(%dma_start3A_68 : memref<10008x128xf32, #tpu.memory_space<vmem_shared>>) offsets(%dma_start3A_65 : memref<128xi32, #tpu.memory_space<vmem>>) semaphore(%run_scoped3A : memref<!tpu.dma_semaphore, #tpu.memory_space<semaphore_mem>>) {add = true}
        %dma_wait3A_69 = arith.constant 0 : i32
        %dma_wait3A_70 = tpu.memref_slice %arg5[%mul3A_37, %dma_wait3A_69] : memref<40x128xi32, #tpu.memory_space<vmem>> -> memref<1x128xi32, #tpu.memory_space<vmem>>
        %dma_wait3A_71 = tpu.memref_squeeze %dma_wait3A_70 : memref<1x128xi32, #tpu.memory_space<vmem>> -> memref<128xi32, #tpu.memory_space<vmem>>
        %dma_wait3A_72 = arith.constant 0 : i32
        %dma_wait3A_73 = arith.constant 0 : i32
        %dma_wait3A_74 = tpu.memref_slice %arg8[%dma_wait3A_72, %dma_wait3A_73] : memref<10008x128xf32, #tpu.memory_space<vmem_shared>> -> memref<10008x128xf32, #tpu.memory_space<vmem_shared>>
        tpu.wait_indirect_dma semaphore(%run_scoped3A : memref<!tpu.dma_semaphore, #tpu.memory_space<semaphore_mem>>) src(%arg6 : memref<128x128xf32, #tpu.memory_space<vmem>>) dst(%dma_wait3A_74 : memref<10008x128xf32, #tpu.memory_space<vmem_shared>>)
        tpu.yield
      }) : () -> ()
      %add3A_48 = arith.constant 1 : i32
      %add3A_49 = arith.addi %mul3A_37, %add3A_48 : i32
      %mul3A_50 = arith.constant 128 : i32
      %mul3A_51 = arith.muli %add3A_49, %mul3A_50 : i32
      %add3A_52 = arith.addi %mul3A_13, %mul3A_51 : i32
      %dma_wait3A_53 = tpu.memref_slice %arg3[%add3A_52, %mul3A_15] : memref<81920x256xf32, #tpu.memory_space<hbm>> -> memref<128x128xf32, #tpu.memory_space<hbm>>
      %dma_wait3A_54 = tpu.memref_slice %arg3[%add3A_52, %mul3A_15] : memref<81920x256xf32, #tpu.memory_space<hbm>> -> memref<128x128xf32, #tpu.memory_space<hbm>>
      tpu.wait_dma2 semaphore(%arg9 : memref<!tpu.dma_semaphore, #tpu.memory_space<semaphore_mem>>) src(%dma_wait3A_54 : memref<128x128xf32, #tpu.memory_space<hbm>>) dst(%arg7 : memref<128x128xf32, #tpu.memory_space<vmem>>)
      %lt3A_55 = arith.constant 19 : i32
      %lt3A_56 = arith.cmpi slt, %scan3A_34, %lt3A_55 : i32
      %convert_element_type3A_57 = arith.extui %lt3A_56 : i1 to i32
      %cond3A_58 = arith.constant 0 : i32
      %cond3A_59 = arith.cmpi ne, %convert_element_type3A_57, %cond3A_58 : i32
      scf.if %cond3A_59 {
        %add3A_63 = arith.constant 2 : i32
        %add3A_64 = arith.addi %mul3A_37, %add3A_63 : i32
        %mul3A_65 = arith.constant 128 : i32
        %mul3A_66 = arith.muli %add3A_64, %mul3A_65 : i32
        %add3A_67 = arith.addi %mul3A_13, %mul3A_66 : i32
        %dma_start3A_68 = tpu.memref_slice %arg3[%add3A_67, %mul3A_15] : memref<81920x256xf32, #tpu.memory_space<hbm>> -> memref<128x128xf32, #tpu.memory_space<hbm>>
        %dma_start3A_69 = tpu.memref_slice %arg3[%add3A_67, %mul3A_15] : memref<81920x256xf32, #tpu.memory_space<hbm>> -> memref<128x128xf32, #tpu.memory_space<hbm>>
        tpu.enqueue_dma source(%dma_start3A_69 : memref<128x128xf32, #tpu.memory_space<hbm>>) target(%arg6 : memref<128x128xf32, #tpu.memory_space<vmem>>) target_semaphore(%arg9 : memref<!tpu.dma_semaphore, #tpu.memory_space<semaphore_mem>>)
      } else {
      }
      %add3A_60 = arith.constant 1 : i32
      %add3A_61 = arith.addi %mul3A_37, %add3A_60 : i32
      "tpu.region"() ({
        %run_scoped3A = tpu.sem_alloc : memref<!tpu.dma_semaphore, #tpu.memory_space<semaphore_mem>>
        %dma_start3A_63 = arith.constant 0 : i32
        %dma_start3A_64 = tpu.memref_slice %arg5[%add3A_61, %dma_start3A_63] : memref<40x128xi32, #tpu.memory_space<vmem>> -> memref<1x128xi32, #tpu.memory_space<vmem>>
        %dma_start3A_65 = tpu.memref_squeeze %dma_start3A_64 : memref<1x128xi32, #tpu.memory_space<vmem>> -> memref<128xi32, #tpu.memory_space<vmem>>
        %dma_start3A_66 = arith.constant 0 : i32
        %dma_start3A_67 = arith.constant 0 : i32
        %dma_start3A_68 = tpu.memref_slice %arg8[%dma_start3A_66, %dma_start3A_67] : memref<10008x128xf32, #tpu.memory_space<vmem_shared>> -> memref<10008x128xf32, #tpu.memory_space<vmem_shared>>
        tpu.enqueue_indirect_dma source(%arg7 : memref<128x128xf32, #tpu.memory_space<vmem>>) target(%dma_start3A_68 : memref<10008x128xf32, #tpu.memory_space<vmem_shared>>) offsets(%dma_start3A_65 : memref<128xi32, #tpu.memory_space<vmem>>) semaphore(%run_scoped3A : memref<!tpu.dma_semaphore, #tpu.memory_space<semaphore_mem>>) {add = true}
        %dma_wait3A_69 = arith.constant 0 : i32
        %dma_wait3A_70 = tpu.memref_slice %arg5[%add3A_61, %dma_wait3A_69] : memref<40x128xi32, #tpu.memory_space<vmem>> -> memref<1x128xi32, #tpu.memory_space<vmem>>
        %dma_wait3A_71 = tpu.memref_squeeze %dma_wait3A_70 : memref<1x128xi32, #tpu.memory_space<vmem>> -> memref<128xi32, #tpu.memory_space<vmem>>
        %dma_wait3A_72 = arith.constant 0 : i32
        %dma_wait3A_73 = arith.constant 0 : i32
        %dma_wait3A_74 = tpu.memref_slice %arg8[%dma_wait3A_72, %dma_wait3A_73] : memref<10008x128xf32, #tpu.memory_space<vmem_shared>> -> memref<10008x128xf32, #tpu.memory_space<vmem_shared>>
        tpu.wait_indirect_dma semaphore(%run_scoped3A : memref<!tpu.dma_semaphore, #tpu.memory_space<semaphore_mem>>) src(%arg7 : memref<128x128xf32, #tpu.memory_space<vmem>>) dst(%dma_wait3A_74 : memref<10008x128xf32, #tpu.memory_space<vmem_shared>>)
        tpu.yield
      }) : () -> ()
      %scan3A_62 = arith.constant 0 : i32
      scf.yield %scan3A_62 : i32
    }
    %scan3A_23 = arith.constant 20 : i32
    %barrier3A_24 = arith.constant 0 : index
    tpu.barrier barrier_id(%barrier3A_24)
    %mul3A_25 = arith.constant 624 : i32
    %mul3A_26 = arith.muli %arg1, %mul3A_25 : i32
    %mul3A_27 = arith.constant 624 : i32
    %mul3A_28 = arith.muli %arg1, %mul3A_27 : i32
    "tpu.region"() ({
      %run_scoped3A = tpu.sem_alloc : memref<!tpu.dma_semaphore, #tpu.memory_space<semaphore_mem>>
      %dma_start3A_34 = tpu.memref_slice %arg4[%mul3A_28, %mul3A_15] : memref<10000x256xf32, #tpu.memory_space<hbm>> -> memref<624x128xf32, #tpu.memory_space<hbm>>
      %dma_start3A_35 = arith.constant 0 : i32
      %dma_start3A_36 = tpu.memref_slice %arg8[%mul3A_26, %dma_start3A_35] : memref<10008x128xf32, #tpu.memory_space<vmem_shared>> -> memref<624x128xf32, #tpu.memory_space<vmem_shared>>
      tpu.enqueue_dma source(%dma_start3A_36 : memref<624x128xf32, #tpu.memory_space<vmem_shared>>) target(%dma_start3A_34 : memref<624x128xf32, #tpu.memory_space<hbm>>) target_semaphore(%run_scoped3A : memref<!tpu.dma_semaphore, #tpu.memory_space<semaphore_mem>>)
      %dma_wait3A = tpu.memref_slice %arg4[%mul3A_28, %mul3A_15] : memref<10000x256xf32, #tpu.memory_space<hbm>> -> memref<624x128xf32, #tpu.memory_space<hbm>>
      %dma_wait3A_37 = arith.constant 0 : i32
      %dma_wait3A_38 = tpu.memref_slice %arg8[%mul3A_26, %dma_wait3A_37] : memref<10008x128xf32, #tpu.memory_space<vmem_shared>> -> memref<624x128xf32, #tpu.memory_space<vmem_shared>>
      tpu.wait_dma2 semaphore(%run_scoped3A : memref<!tpu.dma_semaphore, #tpu.memory_space<semaphore_mem>>) src(%dma_wait3A_38 : memref<624x128xf32, #tpu.memory_space<vmem_shared>>) dst(%dma_wait3A : memref<624x128xf32, #tpu.memory_space<hbm>>)
      tpu.yield
    }) : () -> ()
    %eq3A_29 = arith.constant 15 : i32
    %eq3A_30 = arith.cmpi eq, %arg1, %eq3A_29 : i32
    %convert_element_type3A_31 = arith.extui %eq3A_30 : i1 to i32
    %cond3A_32 = arith.constant 0 : i32
    %cond3A_33 = arith.cmpi ne, %convert_element_type3A_31, %cond3A_32 : i32
    scf.if %cond3A_33 {
      "tpu.region"() ({
        %run_scoped3A = tpu.sem_alloc : memref<!tpu.dma_semaphore, #tpu.memory_space<semaphore_mem>>
        %dma_start3A_34 = arith.constant 9984 : i32
        %dma_start3A_35 = tpu.memref_slice %arg4[%dma_start3A_34, %mul3A_15] : memref<10000x256xf32, #tpu.memory_space<hbm>> -> memref<16x128xf32, #tpu.memory_space<hbm>>
        %dma_start3A_36 = arith.constant 9984 : i32
        %dma_start3A_37 = arith.constant 0 : i32
        %dma_start3A_38 = tpu.memref_slice %arg8[%dma_start3A_36, %dma_start3A_37] : memref<10008x128xf32, #tpu.memory_space<vmem_shared>> -> memref<16x128xf32, #tpu.memory_space<vmem_shared>>
        tpu.enqueue_dma source(%dma_start3A_38 : memref<16x128xf32, #tpu.memory_space<vmem_shared>>) target(%dma_start3A_35 : memref<16x128xf32, #tpu.memory_space<hbm>>) target_semaphore(%run_scoped3A : memref<!tpu.dma_semaphore, #tpu.memory_space<semaphore_mem>>)
        %dma_wait3A = arith.constant 9984 : i32
        %dma_wait3A_39 = tpu.memref_slice %arg4[%dma_wait3A, %mul3A_15] : memref<10000x256xf32, #tpu.memory_space<hbm>> -> memref<16x128xf32, #tpu.memory_space<hbm>>
        %dma_wait3A_40 = arith.constant 9984 : i32
        %dma_wait3A_41 = arith.constant 0 : i32
        %dma_wait3A_42 = tpu.memref_slice %arg8[%dma_wait3A_40, %dma_wait3A_41] : memref<10008x128xf32, #tpu.memory_space<vmem_shared>> -> memref<16x128xf32, #tpu.memory_space<vmem_shared>>
        tpu.wait_dma2 semaphore(%run_scoped3A : memref<!tpu.dma_semaphore, #tpu.memory_space<semaphore_mem>>) src(%dma_wait3A_42 : memref<16x128xf32, #tpu.memory_space<vmem_shared>>) dst(%dma_wait3A_39 : memref<16x128xf32, #tpu.memory_space<hbm>>)
        tpu.yield
      }) : () -> ()
    } else {
    }
    return
  }
}

module attributes {stable_mosaic.version = 14 : i64} {
  func.func @_edge_tc(%arg0: i32, %arg1: memref<4096x128xi32, #tpu.memory_space<vmem>>, %arg2: memref<4096x16xf32, #tpu.memory_space<vmem>>, %arg3: memref<16x256xf32, #tpu.memory_space<vmem>>, %arg4: memref<1x256xf32, #tpu.memory_space<vmem>>, %arg5: memref<4096x256xf32, #tpu.memory_space<vmem>>) attributes {dimension_semantics = [#tpu.dimension_semantics<arbitrary>], iteration_bounds = array<i64: 20>, scalar_prefetch = 0 : i64, scratch_operands = 0 : i64, tpu.core_type = #tpu.core_type<tc>, window_params = [{transform_indices = @transform_0, window_bounds = array<i64: 4096, 128>}, {transform_indices = @transform_1, window_bounds = array<i64: 4096, 16>}, {pipeline_mode = #tpu.pipeline_mode<synchronous>, transform_indices = @transform_2, window_bounds = array<i64: 16, 256>}, {pipeline_mode = #tpu.pipeline_mode<synchronous>, transform_indices = @transform_3, window_bounds = array<i64: 1, 256>}, {transform_indices = @transform_4, window_bounds = array<i64: 4096, 256>}]} {
    %get3A = arith.constant 0 : index
    %get3A_0 = arith.constant 0 : index
    %get3A_1 = vector.load %arg2[%get3A, %get3A_0] : memref<4096x16xf32, #tpu.memory_space<vmem>>, vector<4096x16xf32>
    %get3A_2 = arith.constant 0 : index
    %get3A_3 = arith.constant 0 : index
    %get3A_4 = vector.load %arg3[%get3A_2, %get3A_3] : memref<16x256xf32, #tpu.memory_space<vmem>>, vector<16x256xf32>
    %dot_general3A = arith.constant dense<0.000000e+00> : vector<4096x256xf32>
    %dot_general3A_5 = tpu.matmul %get3A_1, %get3A_4, %dot_general3A {dimension_numbers = #tpu.dot_dimension_numbers<[1], [0], [0], [1], [0, 0, 1, 1], [], []>, transpose_lhs_hint = false} : vector<4096x16xf32>, vector<16x256xf32>, vector<4096x256xf32> -> vector<4096x256xf32>
    %get3A_6 = arith.constant 0 : index
    %get3A_7 = arith.constant 0 : index
    %get3A_8 = vector.load %arg1[%get3A_6, %get3A_7] : memref<4096x128xi32, #tpu.memory_space<vmem>>, vector<4096x128xi32>
    %shift_left3A = arith.constant 16 : i32
    %shift_left3A_9 = vector.broadcast %shift_left3A : i32 to vector<4096x128xi32>
    %shift_left3A_10 = arith.shli %get3A_8, %shift_left3A_9 : vector<4096x128xi32>
    %bitcast_convert_type3A = tpu.bitcast %shift_left3A_10 : vector<4096x128xi32> -> vector<4096x128xf32>
    %and3A = arith.constant -65536 : i32
    %and3A_11 = vector.broadcast %and3A : i32 to vector<4096x128xi32>
    %and3A_12 = arith.andi %get3A_8, %and3A_11 : vector<4096x128xi32>
    %bitcast_convert_type3A_13 = tpu.bitcast %and3A_12 : vector<4096x128xi32> -> vector<4096x128xf32>
    %concatenate3A = tpu.concatenate %bitcast_convert_type3A, %bitcast_convert_type3A_13 in 1 : vector<4096x128xf32>, vector<4096x128xf32> -> vector<4096x256xf32>
    %add3A = arith.addf %concatenate3A, %dot_general3A_5 : vector<4096x256xf32>
    %get3A_14 = arith.constant 0 : index
    %get3A_15 = arith.constant 0 : index
    %get3A_16 = vector.load %arg4[%get3A_14, %get3A_15] : memref<1x256xf32, #tpu.memory_space<vmem>>, vector<1x256xf32>
    %add3A_17 = vector.broadcast %get3A_16 : vector<1x256xf32> to vector<4096x256xf32>
    %add3A_18 = arith.addf %add3A, %add3A_17 : vector<4096x256xf32>
    %min3A = arith.constant 3.000000e+01 : f32
    %min3A_19 = vector.broadcast %min3A : f32 to vector<4096x256xf32>
    %min3A_20 = arith.minimumf %add3A_18, %min3A_19 : vector<4096x256xf32>
    %exp3A = math.exp %min3A_20 : vector<4096x256xf32>
    %add3A_21 = arith.constant 2.000000e+00 : f32
    %add3A_22 = vector.broadcast %add3A_21 : f32 to vector<4096x256xf32>
    %add3A_23 = arith.addf %exp3A, %add3A_22 : vector<4096x256xf32>
    %mul3A = arith.mulf %exp3A, %add3A_23 : vector<4096x256xf32>
    %mul3A_24 = arith.mulf %add3A_18, %mul3A : vector<4096x256xf32>
    %add3A_25 = arith.constant 2.000000e+00 : f32
    %add3A_26 = vector.broadcast %add3A_25 : f32 to vector<4096x256xf32>
    %add3A_27 = arith.addf %mul3A, %add3A_26 : vector<4096x256xf32>
    %div3A = arith.divf %mul3A_24, %add3A_27 : vector<4096x256xf32>
    %swap3A = arith.constant 0 : index
    %swap3A_28 = arith.constant 0 : index
    %swap3A_29 = vector.load %arg5[%swap3A, %swap3A_28] : memref<4096x256xf32, #tpu.memory_space<vmem>>, vector<4096x256xf32>
    tpu.vector_store %arg5[%swap3A, %swap3A_28], %div3A {strides = array<i32>} : memref<4096x256xf32, #tpu.memory_space<vmem>>, vector<4096x256xf32>,
    return
  }
  func.func @transform_0(%arg0: i32) -> (i32, i32) {
    %c0_i32 = arith.constant 0 : i32
    %c0_i32_0 = arith.constant 0 : i32
    return %arg0, %c0_i32 : i32, i32
  }
  func.func @transform_1(%arg0: i32) -> (i32, i32) {
    %c0_i32 = arith.constant 0 : i32
    %c0_i32_0 = arith.constant 0 : i32
    return %arg0, %c0_i32 : i32, i32
  }
  func.func @transform_2(%arg0: i32) -> (i32, i32) {
    %c0_i32 = arith.constant 0 : i32
    %c0_i32_0 = arith.constant 0 : i32
    %c0_i32_1 = arith.constant 0 : i32
    return %c0_i32, %c0_i32_0 : i32, i32
  }
  func.func @transform_3(%arg0: i32) -> (i32, i32) {
    %c0_i32 = arith.constant 0 : i32
    %c0_i32_0 = arith.constant 0 : i32
    %c0_i32_1 = arith.constant 0 : i32
    return %c0_i32, %c0_i32_0 : i32, i32
  }
  func.func @transform_4(%arg0: i32) -> (i32, i32) {
    %c0_i32 = arith.constant 0 : i32
    %c0_i32_0 = arith.constant 0 : i32
    return %arg0, %c0_i32 : i32, i32
  }
}

module attributes {stable_mosaic.version = 14 : i64} {
  func.func @_edge_tc(%arg0: i32, %arg1: memref<4880x128xi32, #tpu.memory_space<vmem>>, %arg2: memref<4880x16xf32, #tpu.memory_space<vmem>>, %arg3: memref<16x256xf32, #tpu.memory_space<vmem>>, %arg4: memref<1x256xf32, #tpu.memory_space<vmem>>, %arg5: memref<4880x256xf32, #tpu.memory_space<vmem>>) attributes {dimension_semantics = [#tpu.dimension_semantics<arbitrary>], iteration_bounds = array<i64: 16>, scalar_prefetch = 0 : i64, scratch_operands = 0 : i64, tpu.core_type = #tpu.core_type<tc>, window_params = [{transform_indices = @transform_0, window_bounds = array<i64: 4880, 128>}, {transform_indices = @transform_1, window_bounds = array<i64: 4880, 16>}, {pipeline_mode = #tpu.pipeline_mode<synchronous>, transform_indices = @transform_2, window_bounds = array<i64: 16, 256>}, {pipeline_mode = #tpu.pipeline_mode<synchronous>, transform_indices = @transform_3, window_bounds = array<i64: 1, 256>}, {transform_indices = @transform_4, window_bounds = array<i64: 4880, 256>}]} {
    %get3A = arith.constant 0 : index
    %get3A_0 = arith.constant 0 : index
    %get3A_1 = vector.load %arg2[%get3A, %get3A_0] : memref<4880x16xf32, #tpu.memory_space<vmem>>, vector<4880x16xf32>
    %get3A_2 = arith.constant 0 : index
    %get3A_3 = arith.constant 0 : index
    %get3A_4 = vector.load %arg3[%get3A_2, %get3A_3] : memref<16x256xf32, #tpu.memory_space<vmem>>, vector<16x256xf32>
    %dot_general3A = arith.constant dense<0.000000e+00> : vector<4880x256xf32>
    %dot_general3A_5 = tpu.matmul %get3A_1, %get3A_4, %dot_general3A {dimension_numbers = #tpu.dot_dimension_numbers<[1], [0], [0], [1], [0, 0, 1, 1], [], []>, transpose_lhs_hint = false} : vector<4880x16xf32>, vector<16x256xf32>, vector<4880x256xf32> -> vector<4880x256xf32>
    %get3A_6 = arith.constant 0 : index
    %get3A_7 = arith.constant 0 : index
    %get3A_8 = vector.load %arg1[%get3A_6, %get3A_7] : memref<4880x128xi32, #tpu.memory_space<vmem>>, vector<4880x128xi32>
    %shift_left3A = arith.constant 16 : i32
    %shift_left3A_9 = vector.broadcast %shift_left3A : i32 to vector<4880x128xi32>
    %shift_left3A_10 = arith.shli %get3A_8, %shift_left3A_9 : vector<4880x128xi32>
    %bitcast_convert_type3A = tpu.bitcast %shift_left3A_10 : vector<4880x128xi32> -> vector<4880x128xf32>
    %and3A = arith.constant -65536 : i32
    %and3A_11 = vector.broadcast %and3A : i32 to vector<4880x128xi32>
    %and3A_12 = arith.andi %get3A_8, %and3A_11 : vector<4880x128xi32>
    %bitcast_convert_type3A_13 = tpu.bitcast %and3A_12 : vector<4880x128xi32> -> vector<4880x128xf32>
    %concatenate3A = tpu.concatenate %bitcast_convert_type3A, %bitcast_convert_type3A_13 in 1 : vector<4880x128xf32>, vector<4880x128xf32> -> vector<4880x256xf32>
    %add3A = arith.addf %concatenate3A, %dot_general3A_5 : vector<4880x256xf32>
    %get3A_14 = arith.constant 0 : index
    %get3A_15 = arith.constant 0 : index
    %get3A_16 = vector.load %arg4[%get3A_14, %get3A_15] : memref<1x256xf32, #tpu.memory_space<vmem>>, vector<1x256xf32>
    %add3A_17 = vector.broadcast %get3A_16 : vector<1x256xf32> to vector<4880x256xf32>
    %add3A_18 = arith.addf %add3A, %add3A_17 : vector<4880x256xf32>
    %min3A = arith.constant 3.000000e+01 : f32
    %min3A_19 = vector.broadcast %min3A : f32 to vector<4880x256xf32>
    %min3A_20 = arith.minimumf %add3A_18, %min3A_19 : vector<4880x256xf32>
    %exp3A = math.exp %min3A_20 : vector<4880x256xf32>
    %add3A_21 = arith.constant 2.000000e+00 : f32
    %add3A_22 = vector.broadcast %add3A_21 : f32 to vector<4880x256xf32>
    %add3A_23 = arith.addf %exp3A, %add3A_22 : vector<4880x256xf32>
    %mul3A = arith.mulf %exp3A, %add3A_23 : vector<4880x256xf32>
    %mul3A_24 = arith.mulf %add3A_18, %mul3A : vector<4880x256xf32>
    %add3A_25 = arith.constant 2.000000e+00 : f32
    %add3A_26 = vector.broadcast %add3A_25 : f32 to vector<4880x256xf32>
    %add3A_27 = arith.addf %mul3A, %add3A_26 : vector<4880x256xf32>
    %div3A = arith.divf %mul3A_24, %add3A_27 : vector<4880x256xf32>
    %swap3A = arith.constant 0 : index
    %swap3A_28 = arith.constant 0 : index
    %swap3A_29 = vector.load %arg5[%swap3A, %swap3A_28] : memref<4880x256xf32, #tpu.memory_space<vmem>>, vector<4880x256xf32>
    tpu.vector_store %arg5[%swap3A, %swap3A_28], %div3A {strides = array<i32>} : memref<4880x256xf32, #tpu.memory_space<vmem>>, vector<4880x256xf32>,
    return
  }
  func.func @transform_0(%arg0: i32) -> (i32, i32) {
    %c0_i32 = arith.constant 0 : i32
    %c0_i32_0 = arith.constant 0 : i32
    return %arg0, %c0_i32 : i32, i32
  }
  func.func @transform_1(%arg0: i32) -> (i32, i32) {
    %c0_i32 = arith.constant 0 : i32
    %c0_i32_0 = arith.constant 0 : i32
    return %arg0, %c0_i32 : i32, i32
  }
  func.func @transform_2(%arg0: i32) -> (i32, i32) {
    %c0_i32 = arith.constant 0 : i32
    %c0_i32_0 = arith.constant 0 : i32
    %c0_i32_1 = arith.constant 0 : i32
    return %c0_i32, %c0_i32_0 : i32, i32
  }
  func.func @transform_3(%arg0: i32) -> (i32, i32) {
    %c0_i32 = arith.constant 0 : i32
    %c0_i32_0 = arith.constant 0 : i32
    %c0_i32_1 = arith.constant 0 : i32
    return %c0_i32, %c0_i32_0 : i32, i32
  }
  func.func @transform_4(%arg0: i32) -> (i32, i32) {
    %c0_i32 = arith.constant 0 : i32
    %c0_i32_0 = arith.constant 0 : i32
    return %arg0, %c0_i32 : i32, i32
  }
}

module attributes {stable_mosaic.version = 14 : i64} {
  func.func @_mlp_tc(%arg0: i32, %arg1: memref<2000x256xf32, #tpu.memory_space<vmem>>, %arg2: memref<2000x256xf32, #tpu.memory_space<vmem>>, %arg3: memref<2000x256xf32, #tpu.memory_space<vmem>>, %arg4: memref<1x128xf32, #tpu.memory_space<vmem>>, %arg5: memref<1x1xf32, #tpu.memory_space<vmem>>, %arg6: memref<256x512xf32, #tpu.memory_space<vmem>>, %arg7: memref<128x512xf32, #tpu.memory_space<vmem>>, %arg8: memref<1x512xf32, #tpu.memory_space<vmem>>, %arg9: memref<512x256xf32, #tpu.memory_space<vmem>>, %arg10: memref<1x256xf32, #tpu.memory_space<vmem>>, %arg11: memref<2000x256xf32, #tpu.memory_space<vmem>>) attributes {dimension_semantics = [#tpu.dimension_semantics<arbitrary>], iteration_bounds = array<i64: 5>, scalar_prefetch = 0 : i64, scratch_operands = 0 : i64, tpu.core_type = #tpu.core_type<tc>, window_params = [{transform_indices = @transform_0, window_bounds = array<i64: 2000, 256>}, {transform_indices = @transform_1, window_bounds = array<i64: 2000, 256>}, {transform_indices = @transform_2, window_bounds = array<i64: 2000, 256>}, {pipeline_mode = #tpu.pipeline_mode<synchronous>, transform_indices = @transform_3, window_bounds = array<i64: 1, 128>}, {pipeline_mode = #tpu.pipeline_mode<synchronous>, transform_indices = @transform_4, window_bounds = array<i64: 1, 1>}, {pipeline_mode = #tpu.pipeline_mode<synchronous>, transform_indices = @transform_5, window_bounds = array<i64: 256, 512>}, {pipeline_mode = #tpu.pipeline_mode<synchronous>, transform_indices = @transform_6, window_bounds = array<i64: 128, 512>}, {pipeline_mode = #tpu.pipeline_mode<synchronous>, transform_indices = @transform_7, window_bounds = array<i64: 1, 512>}, {pipeline_mode = #tpu.pipeline_mode<synchronous>, transform_indices = @transform_8, window_bounds = array<i64: 512, 256>}, {pipeline_mode = #tpu.pipeline_mode<synchronous>, transform_indices = @transform_9, window_bounds = array<i64: 1, 256>}, {transform_indices = @transform_10, window_bounds = array<i64: 2000, 256>}]} {
    %get3A = arith.constant 0 : index
    %get3A_0 = arith.constant 0 : index
    %get3A_1 = vector.load %arg5[%get3A, %get3A_0] : memref<1x1xf32, #tpu.memory_space<vmem>>, vector<1x1xf32>
    %add3A = arith.constant 1.000000e+00 : f32
    %add3A_2 = vector.broadcast %add3A : f32 to vector<1x1xf32>
    %add3A_3 = arith.addf %add3A_2, %get3A_1 : vector<1x1xf32>
    %get3A_4 = arith.constant 0 : index
    %get3A_5 = arith.constant 0 : index
    %get3A_6 = vector.load %arg1[%get3A_4, %get3A_5] : memref<2000x256xf32, #tpu.memory_space<vmem>>, vector<2000x256xf32>
    %mul3A = vector.broadcast %add3A_3 : vector<1x1xf32> to vector<2000x256xf32>
    %mul3A_7 = arith.mulf %mul3A, %get3A_6 : vector<2000x256xf32>
    %get3A_8 = arith.constant 0 : index
    %get3A_9 = arith.constant 0 : index
    %get3A_10 = vector.load %arg2[%get3A_8, %get3A_9] : memref<2000x256xf32, #tpu.memory_space<vmem>>, vector<2000x256xf32>
    %add3A_11 = arith.addf %mul3A_7, %get3A_10 : vector<2000x256xf32>
    %get3A_12 = arith.constant 0 : index
    %get3A_13 = arith.constant 0 : index
    %get3A_14 = vector.load %arg3[%get3A_12, %get3A_13] : memref<2000x256xf32, #tpu.memory_space<vmem>>, vector<2000x256xf32>
    %add3A_15 = arith.addf %add3A_11, %get3A_14 : vector<2000x256xf32>
    %get3A_16 = arith.constant 0 : index
    %get3A_17 = arith.constant 0 : index
    %get3A_18 = vector.load %arg4[%get3A_16, %get3A_17] : memref<1x128xf32, #tpu.memory_space<vmem>>, vector<1x128xf32>
    %get3A_19 = arith.constant 0 : index
    %get3A_20 = arith.constant 0 : index
    %get3A_21 = vector.load %arg7[%get3A_19, %get3A_20] : memref<128x512xf32, #tpu.memory_space<vmem>>, vector<128x512xf32>
    %dot_general3A = arith.constant dense<0.000000e+00> : vector<1x512xf32>
    %dot_general3A_22 = tpu.matmul %get3A_18, %get3A_21, %dot_general3A {dimension_numbers = #tpu.dot_dimension_numbers<[1], [0], [0], [1], [0, 0, 1, 1], [], []>, transpose_lhs_hint = false} : vector<1x128xf32>, vector<128x512xf32>, vector<1x512xf32> -> vector<1x512xf32>
    %get3A_23 = arith.constant 0 : index
    %get3A_24 = arith.constant 0 : index
    %get3A_25 = vector.load %arg8[%get3A_23, %get3A_24] : memref<1x512xf32, #tpu.memory_space<vmem>>, vector<1x512xf32>
    %add3A_26 = arith.addf %dot_general3A_22, %get3A_25 : vector<1x512xf32>
    %get3A_27 = arith.constant 0 : index
    %get3A_28 = arith.constant 0 : index
    %get3A_29 = vector.load %arg6[%get3A_27, %get3A_28] : memref<256x512xf32, #tpu.memory_space<vmem>>, vector<256x512xf32>
    %dot_general3A_30 = arith.constant dense<0.000000e+00> : vector<2000x512xf32>
    %dot_general3A_31 = tpu.matmul %add3A_15, %get3A_29, %dot_general3A_30 {dimension_numbers = #tpu.dot_dimension_numbers<[1], [0], [0], [1], [0, 0, 1, 1], [], []>, transpose_lhs_hint = false} : vector<2000x256xf32>, vector<256x512xf32>, vector<2000x512xf32> -> vector<2000x512xf32>
    %add3A_32 = vector.broadcast %add3A_26 : vector<1x512xf32> to vector<2000x512xf32>
    %add3A_33 = arith.addf %dot_general3A_31, %add3A_32 : vector<2000x512xf32>
    %max3A = arith.constant 0.000000e+00 : f32
    %max3A_34 = vector.broadcast %max3A : f32 to vector<2000x512xf32>
    %max3A_35 = arith.maximumf %add3A_33, %max3A_34 : vector<2000x512xf32>
    %get3A_36 = arith.constant 0 : index
    %get3A_37 = arith.constant 0 : index
    %get3A_38 = vector.load %arg9[%get3A_36, %get3A_37] : memref<512x256xf32, #tpu.memory_space<vmem>>, vector<512x256xf32>
    %dot_general3A_39 = arith.constant dense<0.000000e+00> : vector<2000x256xf32>
    %dot_general3A_40 = tpu.matmul %max3A_35, %get3A_38, %dot_general3A_39 {dimension_numbers = #tpu.dot_dimension_numbers<[1], [0], [0], [1], [0, 0, 1, 1], [], []>, transpose_lhs_hint = false} : vector<2000x512xf32>, vector<512x256xf32>, vector<2000x256xf32> -> vector<2000x256xf32>
    %get3A_41 = arith.constant 0 : index
    %get3A_42 = arith.constant 0 : index
    %get3A_43 = vector.load %arg10[%get3A_41, %get3A_42] : memref<1x256xf32, #tpu.memory_space<vmem>>, vector<1x256xf32>
    %add3A_44 = vector.broadcast %get3A_43 : vector<1x256xf32> to vector<2000x256xf32>
    %add3A_45 = arith.addf %dot_general3A_40, %add3A_44 : vector<2000x256xf32>
    %swap3A = arith.constant 0 : index
    %swap3A_46 = arith.constant 0 : index
    %swap3A_47 = vector.load %arg11[%swap3A, %swap3A_46] : memref<2000x256xf32, #tpu.memory_space<vmem>>, vector<2000x256xf32>
    tpu.vector_store %arg11[%swap3A, %swap3A_46], %add3A_45 {strides = array<i32>} : memref<2000x256xf32, #tpu.memory_space<vmem>>, vector<2000x256xf32>,
    return
  }
  func.func @transform_0(%arg0: i32) -> (i32, i32) {
    %c0_i32 = arith.constant 0 : i32
    %c0_i32_0 = arith.constant 0 : i32
    return %arg0, %c0_i32 : i32, i32
  }
  func.func @transform_1(%arg0: i32) -> (i32, i32) {
    %c0_i32 = arith.constant 0 : i32
    %c0_i32_0 = arith.constant 0 : i32
    return %arg0, %c0_i32 : i32, i32
  }
  func.func @transform_2(%arg0: i32) -> (i32, i32) {
    %c0_i32 = arith.constant 0 : i32
    %c0_i32_0 = arith.constant 0 : i32
    return %arg0, %c0_i32 : i32, i32
  }
  func.func @transform_3(%arg0: i32) -> (i32, i32) {
    %c0_i32 = arith.constant 0 : i32
    %c0_i32_0 = arith.constant 0 : i32
    %c0_i32_1 = arith.constant 0 : i32
    return %c0_i32, %c0_i32_0 : i32, i32
  }
  func.func @transform_4(%arg0: i32) -> (i32, i32) {
    %c0_i32 = arith.constant 0 : i32
    %c0_i32_0 = arith.constant 0 : i32
    %c0_i32_1 = arith.constant 0 : i32
    return %c0_i32, %c0_i32_0 : i32, i32
  }
  func.func @transform_5(%arg0: i32) -> (i32, i32) {
    %c0_i32 = arith.constant 0 : i32
    %c0_i32_0 = arith.constant 0 : i32
    %c0_i32_1 = arith.constant 0 : i32
    return %c0_i32, %c0_i32_0 : i32, i32
  }
  func.func @transform_6(%arg0: i32) -> (i32, i32) {
    %c0_i32 = arith.constant 0 : i32
    %c0_i32_0 = arith.constant 0 : i32
    %c0_i32_1 = arith.constant 0 : i32
    return %c0_i32, %c0_i32_0 : i32, i32
  }
  func.func @transform_7(%arg0: i32) -> (i32, i32) {
    %c0_i32 = arith.constant 0 : i32
    %c0_i32_0 = arith.constant 0 : i32
    %c0_i32_1 = arith.constant 0 : i32
    return %c0_i32, %c0_i32_0 : i32, i32
  }
  func.func @transform_8(%arg0: i32) -> (i32, i32) {
    %c0_i32 = arith.constant 0 : i32
    %c0_i32_0 = arith.constant 0 : i32
    %c0_i32_1 = arith.constant 0 : i32
    return %c0_i32, %c0_i32_0 : i32, i32
  }
  func.func @transform_9(%arg0: i32) -> (i32, i32) {
    %c0_i32 = arith.constant 0 : i32
    %c0_i32_0 = arith.constant 0 : i32
    %c0_i32_1 = arith.constant 0 : i32
    return %c0_i32, %c0_i32_0 : i32, i32
  }
  func.func @transform_10(%arg0: i32) -> (i32, i32) {
    %c0_i32 = arith.constant 0 : i32
    %c0_i32_0 = arith.constant 0 : i32
    return %arg0, %c0_i32 : i32, i32
  }
}

</mosaic_0001>

<sc_bundles>
// kernel: kernel.12.cloned.1.call-start
scs
__scs_entry_jumppad:
0x0: {  	(pc) =	sbr.rel $0x88, $3  }
0x1: {  	(tag) =	ssettag $0x0;
	lr =	simm.s32 $0x1  }
0x2: {  	[smem:$0x3F95] =	sst lr;
	_ =	strace $0xD0000000  }
0x3: {  	_ = 	snop  }
0x4: {  	_ = 	snop  }
0x5: {  	_ = 	snop  }
0x6: {  	_ = 	snop  }
0x7: {  	_ = 	snop  }
__scs_overlays_trampoline_lowered:
0x8: {  	[smem:$0x3FA4] =	sst s0  }
0x9: {  	[smem:$0x3FA5] =	sst s1  }
0xa: {  	[smem:$0x3FA6] =	sst s2  }
0xb: {  	[smem:$0x3FA7] =	sst s3  }
0xc: {  	[smem:$0x3FA8] =	sst s4  }
0xd: {  	[smem:$0x3FA9] =	sst s5  }
0xe: {  	[smem:$0x3FAA] =	sst s6  }
0xf: {  	[smem:$0x3FAB] =	sst s7  }
0x10: {  	[smem:$0x3FAC] =	sst s8  }
0x11: {  	[smem:$0x3FAD] =	sst s9;
	s0 =	simm.s32 @!p0 $0x0  }
0x12: {  	s1 =	sld [smem:$0x3F93];
	s0 =	simm.s32 @p0 $0x1  }
0x13: {  	[smem:$0x3FAE] =	sst s0;
	s0 =	simm.s32 @!p1 $0x0  }
0x14: {  	s2 =	sld [smem:$0x3F92];
	s0 =	simm.s32 @p1 $0x1  }
0x15: {  	[smem:$0x3FAF] =	sst s0;
	s0 =	simm.s32 @!p2 $0x0  }
0x16: {  	s3 =	sld [smem:$0x3FDB];
	s0 =	simm.s32 @p2 $0x1  }
0x17: {  	s4 =	simm.s32 $0x1BF5;
	[smem:$0x3FB1] =	sst s0  }
0x18: {  	s0 =	sld [smem:$0x3F94];
	_ =	swait.ge [sflag:s4], $0x0  }
0x19: {  	s7 =	sld [smem:$0x3F95]  }
0x1a: {  	s8 =	sadd.s32 $0xFFFFE003, lr  }
0x1b: {  	s9 =	sadd.s32 $0xFFFFFEF7, lr;
	s5 =	simm.s32 $0xFFFFFFFF;
	p2 =	slt.u32 s8, $0xFFFFF086  }
0x1c: {  	p1 =	slt.u32 s9, $0xF7A;
	s5 =	simm.s32 @!p2 $0x0  }
0x1d: {  	s5 =	simm.s32 @p1 $0x1;
	p0 =	seq.s32 s7, s2  }
0x1e: {  	s7 =	smul.u32 @!p0 $0xF7A, s2;
	p2 =	seq.s32 @!p0 s5, $0x0  }
0x1f: {  	s9 =	smul.u32 $0xF7A, s1;
	s8 =	simm.s32 @!p0 $0x1BF5;
	p2 =	por !p2, p0  }
0x20: {  	[sflag:s8] =	ssyncset.s32 @!p0 $0xFFFFF086;
	s6 =	sadd.s32 @!p0 s3, s7;
	s7 =	simm.s32 @!p0 $0x108  }
0x21: {  	s3 =	sadd.s32 s3, s9;
	s6 =	sadd.s32 @!p0 $0x88, s6;
	s7 =	simm.s32 @p2 $0x1082  }
0x22: {  	[simem:s7], [sflag:s8] =	dma.local @!p0 [hbm:s6], $0xF7A  }
0x23: {  	s9 =	sor.u32 $0xD0000000, s2;
	s6 =	simm.s32 $0x108;
	_ =	swait.ge @!p0 [sflag:s8], $0x0  }
0x24: {  	s3 =	sadd.s32 $0x88, s3;
	s6 =	simm.s32 @!p1 $0x1082;
	[sflag:s4] =	ssyncset.s32 $0xFFFFF086  }
0x25: {  	[simem:s6], [sflag:s4] =	dma.local [hbm:s3], $0xF7A  }
0x26: {  	[smem:$0x3F95] =	sst s1;
	(tag) =	ssettag s2;
	_ =	strace s9  }
0x27: {  	s1 =	sld [smem:$0x3FA5]  }
0x28: {  	s2 =	sld [smem:$0x3FA6]  }
0x29: {  	s4 =	sld [smem:$0x3FA8]  }
0x2a: {  	p0 =	seq.s32 s5, $0x0;
	s5 =	sld [smem:$0x3FA9]  }
0x2b: {  	s6 =	sld [smem:$0x3FAA]  }
0x2c: {  	s7 =	sld [smem:$0x3FAB]  }
0x2d: {  	s3 =	simm.s32 $0x108;
	s8 =	sld [smem:$0x3FAC]  }
0x2e: {  	s3 =	simm.s32 @!p0 $0x1082;
	s9 =	sld [smem:$0x3FAD]  }
0x2f: {  	lr =	sadd.s32 s0, s3;
	s0 =	sld [smem:$0x3FA4]  }
0x30: {  	s3 =	sld [smem:$0x3FA7]  }
0x31: {  	[smem:$0x3FB0] =	sst s10  }
0x32: {  	s10 =	sld [smem:$0x3FAE];
	_ =	sdelay $0x3  }
0x33: {  	p0 =	seq.s32 s10, $0x1;
	s10 =	sld [smem:$0x3FB0];
	_ =	sdelay $0x3  }
0x34: {  	[smem:$0x3FB0] =	sst s10  }
0x35: {  	s10 =	sld [smem:$0x3FAF];
	_ =	sdelay $0x3  }
0x36: {  	p1 =	seq.s32 s10, $0x1;
	s10 =	sld [smem:$0x3FB0];
	_ =	sdelay $0x3  }
0x37: {  	[smem:$0x3FB0] =	sst s10  }
0x38: {  	s10 =	sld [smem:$0x3FB1]  }
0x39: {  	_ = 	snop;
	(pc) =	sbr.ind lr, $3  }
0x3a: {  	_ = 	snop  }
0x3b: {  	_ = 	snop  }
0x3c: {  	p2 =	seq.s32 s10, $0x1;
	s10 =	sld [smem:$0x3FB0]  }
0x3d: {  	_ =	shalt  }
0x3e: {  	_ =	shalt  }
0x3f: {  	_ =	shalt  }
0x40: {  	_ =	shalt  }
0x41: {  	_ =	shalt  }
0x42: {  	_ =	shalt  }
0x43: {  	_ =	shalt  }
0x44: {  	_ =	shalt  }
0x45: {  	_ =	shalt  }
0x46: {  	_ =	shalt  }
0x47: {  	_ =	shalt  }
0x48: {  	_ =	shalt  }
0x49: {  	_ =	shalt  }
0x4a: {  	_ =	shalt  }
0x4b: {  	_ =	shalt  }
0x4c: {  	_ =	shalt  }
0x4d: {  	_ =	shalt  }
0x4e: {  	_ =	shalt  }
0x4f: {  	_ =	shalt  }
0x50: {  	_ =	shalt  }
0x51: {  	_ =	shalt  }
0x52: {  	_ =	shalt  }
0x53: {  	_ =	shalt  }
0x54: {  	_ =	shalt  }
0x55: {  	_ =	shalt  }
0x56: {  	_ =	shalt  }
0x57: {  	_ =	shalt  }
0x58: {  	_ =	shalt  }
0x59: {  	_ =	shalt  }
0x5a: {  	_ =	shalt  }
0x5b: {  	_ =	shalt  }
0x5c: {  	_ =	shalt  }
0x5d: {  	_ =	shalt  }
0x5e: {  	_ =	shalt  }
0x5f: {  	_ =	shalt  }
0x60: {  	_ =	shalt  }
0x61: {  	_ =	shalt  }
0x62: {  	_ =	shalt  }
0x63: {  	_ =	shalt  }
0x64: {  	_ =	shalt  }
0x65: {  	_ =	shalt  }
0x66: {  	_ =	shalt  }
0x67: {  	_ =	shalt  }
0x68: {  	_ =	shalt  }
0x69: {  	_ =	shalt  }
0x6a: {  	_ =	shalt  }
0x6b: {  	_ =	shalt  }
0x6c: {  	_ =	shalt  }
0x6d: {  	_ =	shalt  }
0x6e: {  	_ =	shalt  }
0x6f: {  	_ =	shalt  }
0x70: {  	_ =	shalt  }
0x71: {  	_ =	shalt  }
0x72: {  	_ =	shalt  }
0x73: {  	_ =	shalt  }
0x74: {  	_ =	shalt  }
0x75: {  	_ =	shalt  }
0x76: {  	_ =	shalt  }
0x77: {  	_ =	shalt  }
0x78: {  	_ =	shalt  }
0x79: {  	_ =	shalt  }
0x7a: {  	_ =	shalt  }
0x7b: {  	_ =	shalt  }
0x7c: {  	_ =	shalt  }
0x7d: {  	_ =	shalt  }
0x7e: {  	_ =	shalt  }
0x7f: {  	_ =	shalt  }
0x80: {  	_ =	shalt  }
0x81: {  	_ =	shalt  }
0x82: {  	_ =	shalt  }
0x83: {  	_ =	shalt  }
0x84: {  	_ =	shalt  }
0x85: {  	_ =	shalt  }
0x86: {  	_ =	shalt  }
0x87: {  	_ =	shalt  }
.Lfunc_end0:
.L_simem_size_0:
called_computation.1_lowered:
.L_overlay_start_0:
0x88: {  	s2 =	sld [smem:$0x3FD9]  }
0x89: {  	s3 =	sld [smem:$0x3FFE];
	_ =	sdelay $0x1  }
0x8a: {  	s1 =	srdreg.scid  }
0x8b: {  	s0 =	sand.u32 $0x1, s1  }
0x8c: {  	s17 =	sshll.u32 s0, $0xA;
	s2 =	sadd.s32 s3, s2  }
0x8d: {  	s2 =	sadd.s32 s2, s17  }
0x8e: {  	[smem:$0x3FBC] =	sst s2  }
0x8f: {  	_ = 	snop  }
0x90: {  	(tm) =	ssettm $0x1  }
0x91: {  	s18 =	sld [smem:$0x3FFB];
	_ =	sdelay $0x3  }
0x92: {  	_ =	strace s18  }
0x93: {  	s2 =	sld [smem:$0x3FFC];
	_ =	sdelay $0x3  }
0x94: {  	_ =	strace s2  }
0x95: {  	s2 =	sld [smem:$0x3FFD];
	_ =	sdelay $0x3  }
0x96: {  	_ =	strace s2  }
0x97: {  	_ =	strace $0x8FFFFFFF  }
0x98: {  	s19 =	sld [smem:$0x3FDB];
	_ =	sdelay $0x1  }
0x99: {  	s20 =	simm.s32 $_scs_section_size  }
0x9a: {  	s4 =	simm.s32 $_size__tile_overlayer_lowered;
	s5 =	simm.s32 $_tile_overlayer_lowered  }
0x9b: {  	s6 =	simm.s32 $0x1BFF;
	s21 =	sshll.u32 s5, $0x1;
	s3 =	sadd.s32 s20, s19  }
0x9c: {  	s22 =	simm.s32 $0x0;
	s4 =	sshll.u32 s4, $0x1;
	s5 =	sadd.s32 s21, s3  }
0x9d: {  	[timem:s22], [sflag:s6] =	dma.local [hbm:s5], s4  }
0x9e: {  	_ =	swait.ge [sflag:s6], s4  }
0x9f: {  	s4 =	ssub.s32 $0x0, s4;
	[sflag:s6] =	ssyncset.done $0x0  }
0xa0: {  	[sflag:s6] =	ssyncadd.s32 s4;
	_ =	sdelay $0x1  }
0xa1: {  	s23 =	simm.s32 $0x1B8B  }
0xa2: {  	_ =	swait.ge [sflag:s23], $0x1  }
0xa3: {  	[sflag:s23] =	ssyncset.done $0x0  }
0xa4: {  	[sflag:s23] =	ssyncadd.s32 $0xFFFFFFFF  }
0xa5: {  	s4 =	sld [smem:$0x0]  }
0xa6: {  	s5 =	sand.u32 $0xFFFFFFFE, s1  }
0xa7: {  	p0 =	sne.s32 s1, s5  }
0xa8: {  	s5 =	sshll.u32 @p0 s5, $0xE  }
0xa9: {  	s5 =	sadd.s32 @p0 $0x11B8D, s5;
	s6 =	sshll.u32 @p0 s4, $0x11  }
0xaa: {  	s5 =	sor.u32 @p0 s6, s5  }
0xab: {  	[sflag:s5] =	ssyncadd.remote.s32 @p0 $0x1;
	_ =	sdelay $0x1  }
0xac: {  	s5 =	simm.s32 @p0 $0x1B8D  }
0xad: {  	_ =	swait.eq @p0 [sflag:s5], $0x1  }
0xae: {  	[sflag:s5] =	ssyncadd.s32 @p0 $0xFFFFFFFF  }
0xaf: {  	s6 =	sshll.u32 @!p0 s1, $0xE  }
0xb0: {  	s6 =	sor.u32 @!p0 $0x4000, s6;
	s5 =	simm.s32 @!p0 $0x1B8D  }
0xb1: {  	s4 =	sshll.u32 @!p0 s4, $0x11;
	s6 =	sadd.s32 @!p0 $0x11B8D, s6;
	_ =	swait.eq @!p0 [sflag:s5], $0x1  }
0xb2: {  	s4 =	sor.u32 @!p0 s4, s6;
	[sflag:s5] =	ssyncadd.s32 @!p0 $0xFFFFFFFF  }
0xb3: {  	s25 =	simm.s32 $0x1B8E;
	s24 =	sld [smem:$0x3FFE];
	[sflag:s4] =	ssyncadd.remote.s32 @!p0 $0x1  }
0xb4: {  	s26 =	simm.s32 $execute0_lowered;
	[smem:$0x3FD2] =	sst s25  }
0xb5: {  	s5 =	sshll.u32 s26, $0x1;
	_ =	strace $0x80000049;
	[dreg:$0x1] =	wrdreg $0xFFFFFFFF  }
0xb6: {  	s28 =	simm.s32 $_size_execute0_lowered;
	s3 =	sadd.s32 s3, s5;
	[dreg:$0x0] =	wrdreg $0x0  }
0xb7: {  	s5 =	sshll.u32 s28, $0x1;
	[dreg:$0x2] =	wrdreg s3  }
0xb8: {  	[dreg:$0x3] =	wrdreg s5  }
0xb9: {  	[dreg:$0x4] =	wrdreg $0xC0  }
0xba: {  	_ =	task [dreg:s22], $0x5FFFF  }
0xbb: {  	[dreg:$0x1] =	wrdreg $0xFFFFFFFF  }
0xbc: {  	[dreg:$0x0] =	wrdreg $0x60  }
0xbd: {  	[dreg:$0x2] =	wrdreg s24  }
0xbe: {  	[dreg:$0x3] =	wrdreg $0x8C000  }
0xbf: {  	[dreg:$0x4] =	wrdreg $0x9  }
0xc0: {  	_ =	task.clear_ibuf [dreg:s22], $0x5FFFF;
	_ =	strace $0x90000049  }
0xc1: {  	s29 =	simm.s32 $0x9;
	_ =	strace $0x8000004B  }
0xc2: {  	_ =	swait.ge [sflag:s29], $0x1  }
0xc3: {  	[sflag:s29] =	ssyncadd.s32 $0xFFFFFFFF  }
0xc4: {  	_ =	strace $0x9000004B  }
0xc5: {  	_ =	sfence  }
0xc6: {  	s30 =	sld [smem:$0x0];
	_ =	sdelay $0x2  }
0xc7: {  	s31 =	sshll.u32 s1, $0xD;
	s1 =	sshrl.u32 s1, $0x2  }
0xc8: {  	s4 =	sand.u32 $0x4000, s31;
	s1 =	sadd.s32 s1, s30  }
0xc9: {  	s0 =	sor.u32 s4, s0;
	s1 =	sshll.u32 s1, $0x11  }
0xca: {  	s0 =	sor.u32 s1, s0  }
0xcb: {  	s0 =	sadd.s32 $0x8F2B, s0  }
0xcc: {  	[sflag:s0] =	ssyncadd.remote.s32 $0x1  }
0xcd: {  	_ =	sfence.sel $0xFFFF  }
0xce: {  	[dreg:$0x0] =	wrdreg $0xFFFFFFFF;
	(pc) =	sbr.abs _section_cstart, $3  }
0xcf: {  	[dreg:$0x1] =	wrdreg $0xFFFFFFFF  }
0xd0: {  	_ =	task.clear_ibuf [dreg:s22], $0x2FFFF;
	_ =	strace $0x9FFFFFFF  }
0xd1: {  	(tm) =	ssettm $0x7FFFFFFF  }
tec
execute0_lowered:
.L_overlay_start_1:
0x0: {  	(tag) =	ssettag $0x1  }
0x1: {  	s1 =	srdreg.scid;
	s5 =	rddreg [dreg:$0x0]  }
0x2: {  	s0 =	stileid.u32;
	s2 =	rddreg [dreg:$0x1];
	s3 =	simm.s32 $0x0  }
0x3: {  	s17 =	simm.s32 $0x1;
	s18 =	simm.s32 $0x80;
	s7 =	smul.u32 $0x2700, s0  }
0x4: {  	s19 =	simm.s32 $0x4C00;
	s20 =	simm.s32 $0x980;
	s8 =	smul.u32 $0x4E000, s0  }
0x5: {  	s21 =	simm.s32 $0x0;
	s9 =	sand.u32 $0x1, s1;
	s15 =	smul.u32 $0xA0000, s0  }
0x6: {  	s23 =	sshll.u32 s0, $0x1;
	s1 =	rddreg [dreg:$0x2];
	s16 =	smul.u32 $0x14000, s0  }
0x7: {  	[smem:$0x7FF] =	sst s3;
	s11 =	sadd.s32 $0x16E400, s5;
	s28 =	smul.u32 $0x50000, s9  }
0x8: {  	p0 =	seq.s32 s0, $0xF;
	s6 =	sor.u32 s9, s23;
	s29 =	smul.u32 $0xA000, s9  }
0x9: {  	_ =	strace $0x8000004A;
	s25 =	ssub.s32 $0x2, s9;
	s4 =	smul.u32 $0x180, s6  }
0xa: {  	s24 =	sadd.s32 s7, s5;
	s12 =	sshrl.u32 s25, $0x1;
	s26 =	smul.u32 $0x50000, s6  }
0xb: {  	s8 =	sshrl.u32 s8, $0x2;
	s13 =	smul.u32 $0xA000, s6;
	s30 =	sadd.s32 s16, s11  }
0xc: {  	s16 =	simm.s32 $0xC00;
	s7 =	ssub.s32 s25, s12;
	s14 =	sadd.s32 s8, s2  }
0xd: {  	s12 =	sadd.s32 $0x124800, s2;
	s31 =	sadd.s32 s29, s30;
	s10 =	sadd.s32 s4, s5  }
0xe: {  	s4 =	sadd.s32 $0x4200, s24;
	s5 =	sadd.s32 $0x28B00, s5;
	s8 =	sshrl.u32 s26, $0x3  }
0xf: {  	s7 =	smax.u32 s7, $0x1;
	s13 =	sadd.s32 s11, s13;
	s12 =	sshrl.u32 @p0 s12, $0x3  }
0x10: {  	s14 =	sshrl.u32 @!p0 s14, $0x3;
	s6 =	sadd.s32 $0x16B400, s10;
	s8 =	sadd.s32 s11, s8  }
0x11: {  	s10 =	sadd.s32 s28, s15;
	s9 =	sadd.s32 $0x9800, s13;
	s13 =	sshll.u32 @!p0 s0, $0x6  }
0x12: {  	s15 =	simm.s32 $0x2;
	s8 =	sadd.s32 $0x9000, s8;
	s10 =	sshrl.u32 s10, $0x3  }
0x13: {  	s13 =	sor.u32 @!p0 $0x1C02, s13;
	s10 =	sadd.s32 s10, s11;
	s11 =	sadd.s32 $0x800, s31  }
.LBB2_1:
0x14: {  	s22 =	simm.s32 @p0 $0x1FC2  }
0x15: {  	[spmem:s12], [sflag:s22] =	dma.local @p0 [hbm:s5], $0x2800  }
0x16: {  	s22 =	simm.s32 @p0 $0x2  }
0x17: {  	_ =	swait.ge @p0 [sflag:s22], $0x2800  }
0x18: {  	[sflag:s22] =	ssyncset.done @p0 $0x0  }
0x19: {  	[sflag:s22] =	ssyncadd.s32 @p0 $0xFFFFD800;
	s22 =	simm.s32 @!p0 $0x2  }
0x1a: {  	[spmem:s14], [sflag:s13] =	dma.local @!p0 [hbm:s4], $0x2700  }
0x1b: {  	_ =	swait.ge @!p0 [sflag:s22], $0x2700  }
0x1c: {  	[sflag:s22] =	ssyncset.done @!p0 $0x0  }
0x1d: {  	[sflag:s22] =	ssyncadd.s32 @!p0 $0xFFFFD900  }
0x1e: {  	[tilespmem:s3], [sflag:$0x2] =	stream.linear.gather [hbm4b:s6+s3], $0xA00, $0x38;
	[tilespmem:$0x1C480] =	vst v63  }
0x1f: {  	_ =	swait.ge [sflag:s15], $0xA00  }
0x20: {  	[sflag:s15] =	ssyncset.done $0x0  }
0x21: {  	[sflag:s15] =	ssyncadd.s32 $0xFFFFF600  }
0x22: {  	[bflag:$0x0] =	sbarrier.arrive $0xFFFF  }
0x23: {  	[tilespmem:s16], [sflag:$0x1] =	stream.indirect.gather [spmem:s2], $0x80, s3, s18, $0xb8;
	[tilespmem:$0x1C480] =	vst v63  }
0x24: {  	_ =	swait.ge [sflag:s17], $0x4000  }
0x25: {  	[sflag:s17] =	ssyncset.done $0x0  }
0x26: {  	[sflag:s17] =	ssyncadd.s32 $0xFFFFC000  }
0x27: {  	[tilespmem:s19], [sflag:$0x1] =	stream.indirect.gather [spmem:s2], $0x80, s18, s18, $0xb8;
	[tilespmem:$0x1C480] =	vst v63  }
0x28: {  	s29 =	sadd.s32 $0x0, s10  }
0x29: {  	[hbm4b:s29+s3] =	stream.linear.scatter [tilespmem:s16], [sflag:$0x2], $0x4000, $0x38;
	[tilespmem:$0x1C480] =	vst v63  }
0x2a: {  	_ =	swait.ge [sflag:s15], $0x4000  }
0x2b: {  	[sflag:s15] =	ssyncset.done $0x0  }
0x2c: {  	[sflag:s15] =	ssyncadd.s32 $0xFFFFC000  }
0x2d: {  	_ =	swait.ge [sflag:s17], $0x4000  }
0x2e: {  	[sflag:s17] =	ssyncset.done $0x0  }
0x2f: {  	s30 =	simm.s32 $0x100;
	[sflag:s17] =	ssyncadd.s32 $0xFFFFC000  }
0x30: {  	[tilespmem:s16], [sflag:$0x1] =	stream.indirect.gather [spmem:s2], $0x80, s30, s18, $0xb8;
	[tilespmem:$0x1C480] =	vst v63  }
0x31: {  	s31 =	sadd.s32 $0x0, s11  }
0x32: {  	[hbm4b:s31+s3] =	stream.linear.scatter [tilespmem:s19], [sflag:$0x2], $0x4000, $0x38;
	[tilespmem:$0x1C480] =	vst v63  }
0x33: {  	_ =	swait.ge [sflag:s15], $0x4000  }
0x34: {  	s23 =	simm.s32 $0x80;
	s22 =	simm.s32 $0x1000;
	[sflag:s15] =	ssyncset.done $0x0  }
.LBB2_2:
0x35: {  	p1 =	sne.s32 s22, $0x8000;
	[sflag:s15] =	ssyncadd.s32 $0xFFFFC000;
	s23 =	sadd.s32 $0x100, s23  }
0x36: {  	s24 =	smov.u32 s22;
	s22 =	sadd.s32 $0x1000, s22  }
0x37: {  	_ =	swait.ge [sflag:s17], $0x4000  }
0x38: {  	[sflag:s17] =	ssyncset.done $0x0  }
0x39: {  	[sflag:s17] =	ssyncadd.s32 $0xFFFFC000  }
0x3a: {  	[tilespmem:s19], [sflag:$0x1] =	stream.indirect.gather [spmem:s2], $0x80, s23, s18, $0xb8;
	[tilespmem:$0x1C480] =	vst v63  }
0x3b: {  	s25 =	sadd.s32 s24, s10  }
0x3c: {  	[hbm4b:s25+s3] =	stream.linear.scatter [tilespmem:s16], [sflag:$0x2], $0x4000, $0x38;
	[tilespmem:$0x1C480] =	vst v63  }
0x3d: {  	_ =	swait.ge [sflag:s15], $0x4000  }
0x3e: {  	[sflag:s15] =	ssyncset.done $0x0  }
0x3f: {  	[sflag:s15] =	ssyncadd.s32 $0xFFFFC000  }
0x40: {  	_ =	swait.ge [sflag:s17], $0x4000  }
0x41: {  	[sflag:s17] =	ssyncset.done $0x0  }
0x42: {  	s25 =	sadd.s32 $0x80, s23;
	[sflag:s17] =	ssyncadd.s32 $0xFFFFC000  }
0x43: {  	[tilespmem:s16], [sflag:$0x1] =	stream.indirect.gather [spmem:s2], $0x80, s25, s18, $0xb8;
	[tilespmem:$0x1C480] =	vst v63  }
.Ltmp0:
0x44: {  	_ = 	snop;
	(pc) =	sbr.rel @p1 .LBB2_2-.Ltmp0, $4  }
0x45: {  	s24 =	sadd.s32 s24, s11  }
0x46: {  	[hbm4b:s24+s3] =	stream.linear.scatter [tilespmem:s19], [sflag:$0x2], $0x4000, $0x38;
	[tilespmem:$0x1C480] =	vst v63  }
0x47: {  	_ =	swait.ge [sflag:s15], $0x4000  }
0x48: {  	[sflag:s15] =	ssyncset.done $0x0  }
0x49: {  	[sflag:s15] =	ssyncadd.s32 $0xFFFFC000  }
0x4a: {  	_ =	swait.ge [sflag:s17], $0x4000  }
0x4b: {  	[sflag:s17] =	ssyncset.done $0x0  }
0x4c: {  	[sflag:s17] =	ssyncadd.s32 $0xFFFFC000  }
0x4d: {  	[tilespmem:s19], [sflag:$0x1] =	stream.indirect.gather [spmem:s2], $0x80, s20, s18, $0xb8;
	[tilespmem:$0x1C480] =	vst v63  }
0x4e: {  	_ = 	snop  }
0x4f: {  	[hbm4b:s8+s3] =	stream.linear.scatter [tilespmem:s16], [sflag:$0x2], $0x4000, $0x38;
	[tilespmem:$0x1C480] =	vst v63  }
0x50: {  	_ =	swait.ge [sflag:s15], $0x4000  }
0x51: {  	[sflag:s15] =	ssyncset.done $0x0  }
0x52: {  	[sflag:s15] =	ssyncadd.s32 $0xFFFFC000  }
0x53: {  	s21 =	sadd.s32 $0x1, s21;
	_ =	swait.ge [sflag:s17], $0x4000  }
0x54: {  	p1 =	sne.s32 s21, s7;
	[sflag:s17] =	ssyncset.done $0x0  }
.Ltmp1:
0x55: {  	[sflag:s17] =	ssyncadd.s32 $0xFFFFC000;
	(pc) =	sbr.rel @p1 .LBB2_1-.Ltmp1, $4  }
0x56: {  	[hbm4b:s9+s3] =	stream.linear.scatter [tilespmem:s19], [sflag:$0x2], $0x4000, $0x38;
	[tilespmem:$0x1C480] =	vst v63  }
0x57: {  	_ =	swait.ge [sflag:s15], $0x4000  }
0x58: {  	[sflag:s15] =	ssyncset.done $0x0  }
0x59: {  	[sflag:s15] =	ssyncadd.s32 $0xFFFFC000  }
0x5a: {  	_ =	sfence.sel $0x180000  }
0x5b: {  	[bflag:$0x0] =	sbarrier.arrive $0xFFFF  }
0x5c: {  	p0 =	sne.s32 s0, $0x0;
	_ =	strace $0x9000004A  }
0x5d: {  	s0 =	sadd.s32 @!p0 $0x100000, s1;
	[bflag:$0x2] =	sbarrier.arrive $0xFFFF  }
0x5e: {  	[sflag:s0] =	ssyncadd.tile.s32 @!p0 $0x1;
	_ =	shalt  }
.Lfunc_end2:
_tile_overlayer_lowered:
.L_overlay_start_2:
0x5f: {  	(tag) =	ssettag $0x2  }
0x60: {  	s0 =	rddreg [dreg:$0x0];
	s2 =	stileid.u32  }
0x61: {  	s1 =	rddreg [dreg:$0x1];
	p0 =	sne.s32 s2, $0x0  }
0x62: {  	s3 =	rddreg [dreg:$0x2];
	[bflag:$0x3] =	sbarrier.arrive $0xFFFF;
	s2 =	simm.s32 @!p0 $0x1C02  }
0x63: {  	[timem:s3], [sflag:s2] =	dma.local @!p0 [hbm:s0], s1  }
0x64: {  	s0 =	simm.s32 @!p0 $0x2  }
0x65: {  	_ =	swait.ge @!p0 [sflag:s0], s1  }
0x66: {  	s1 =	ssub.s32 @!p0 $0x0, s1;
	[sflag:s0] =	ssyncset.done @!p0 $0x0  }
0x67: {  	[sflag:s0] =	ssyncadd.s32 @!p0 s1  }
0x68: {  	[bflag:$0x3] =	sbarrier.arrive $0xFFFF  }
0x69: {  	_ =	shalt  }

// kernel: kernel.15.cloned.1.call-start
scs
__scs_entry_jumppad:
0x0: {  	(pc) =	sbr.rel $0x88, $3  }
0x1: {  	(tag) =	ssettag $0x0;
	lr =	simm.s32 $0x1  }
0x2: {  	[smem:$0x3F95] =	sst lr;
	_ =	strace $0xD0000000  }
0x3: {  	_ = 	snop  }
0x4: {  	_ = 	snop  }
0x5: {  	_ = 	snop  }
0x6: {  	_ = 	snop  }
0x7: {  	_ = 	snop  }
__scs_overlays_trampoline_lowered:
0x8: {  	[smem:$0x3FA4] =	sst s0  }
0x9: {  	[smem:$0x3FA5] =	sst s1  }
0xa: {  	[smem:$0x3FA6] =	sst s2  }
0xb: {  	[smem:$0x3FA7] =	sst s3  }
0xc: {  	[smem:$0x3FA8] =	sst s4  }
0xd: {  	[smem:$0x3FA9] =	sst s5  }
0xe: {  	[smem:$0x3FAA] =	sst s6  }
0xf: {  	[smem:$0x3FAB] =	sst s7  }
0x10: {  	[smem:$0x3FAC] =	sst s8  }
0x11: {  	[smem:$0x3FAD] =	sst s9;
	s0 =	simm.s32 @!p0 $0x0  }
0x12: {  	s1 =	sld [smem:$0x3F93];
	s0 =	simm.s32 @p0 $0x1  }
0x13: {  	[smem:$0x3FAE] =	sst s0;
	s0 =	simm.s32 @!p1 $0x0  }
0x14: {  	s2 =	sld [smem:$0x3F92];
	s0 =	simm.s32 @p1 $0x1  }
0x15: {  	[smem:$0x3FAF] =	sst s0;
	s0 =	simm.s32 @!p2 $0x0  }
0x16: {  	s3 =	sld [smem:$0x3FDB];
	s0 =	simm.s32 @p2 $0x1  }
0x17: {  	s4 =	simm.s32 $0x1BF5;
	[smem:$0x3FB1] =	sst s0  }
0x18: {  	s0 =	sld [smem:$0x3F94];
	_ =	swait.ge [sflag:s4], $0x0  }
0x19: {  	s7 =	sld [smem:$0x3F95]  }
0x1a: {  	s8 =	sadd.s32 $0xFFFFE003, lr  }
0x1b: {  	s9 =	sadd.s32 $0xFFFFFEF7, lr;
	s5 =	simm.s32 $0xFFFFFFFF;
	p2 =	slt.u32 s8, $0xFFFFF086  }
0x1c: {  	p1 =	slt.u32 s9, $0xF7A;
	s5 =	simm.s32 @!p2 $0x0  }
0x1d: {  	s5 =	simm.s32 @p1 $0x1;
	p0 =	seq.s32 s7, s2  }
0x1e: {  	s7 =	smul.u32 @!p0 $0xF7A, s2;
	p2 =	seq.s32 @!p0 s5, $0x0  }
0x1f: {  	s9 =	smul.u32 $0xF7A, s1;
	s8 =	simm.s32 @!p0 $0x1BF5;
	p2 =	por !p2, p0  }
0x20: {  	[sflag:s8] =	ssyncset.s32 @!p0 $0xFFFFF086;
	s6 =	sadd.s32 @!p0 s3, s7;
	s7 =	simm.s32 @!p0 $0x108  }
0x21: {  	s3 =	sadd.s32 s3, s9;
	s6 =	sadd.s32 @!p0 $0x88, s6;
	s7 =	simm.s32 @p2 $0x1082  }
0x22: {  	[simem:s7], [sflag:s8] =	dma.local @!p0 [hbm:s6], $0xF7A  }
0x23: {  	s9 =	sor.u32 $0xD0000000, s2;
	s6 =	simm.s32 $0x108;
	_ =	swait.ge @!p0 [sflag:s8], $0x0  }
0x24: {  	s3 =	sadd.s32 $0x88, s3;
	s6 =	simm.s32 @!p1 $0x1082;
	[sflag:s4] =	ssyncset.s32 $0xFFFFF086  }
0x25: {  	[simem:s6], [sflag:s4] =	dma.local [hbm:s3], $0xF7A  }
0x26: {  	[smem:$0x3F95] =	sst s1;
	(tag) =	ssettag s2;
	_ =	strace s9  }
0x27: {  	s1 =	sld [smem:$0x3FA5]  }
0x28: {  	s2 =	sld [smem:$0x3FA6]  }
0x29: {  	s4 =	sld [smem:$0x3FA8]  }
0x2a: {  	p0 =	seq.s32 s5, $0x0;
	s5 =	sld [smem:$0x3FA9]  }
0x2b: {  	s6 =	sld [smem:$0x3FAA]  }
0x2c: {  	s7 =	sld [smem:$0x3FAB]  }
0x2d: {  	s3 =	simm.s32 $0x108;
	s8 =	sld [smem:$0x3FAC]  }
0x2e: {  	s3 =	simm.s32 @!p0 $0x1082;
	s9 =	sld [smem:$0x3FAD]  }
0x2f: {  	lr =	sadd.s32 s0, s3;
	s0 =	sld [smem:$0x3FA4]  }
0x30: {  	s3 =	sld [smem:$0x3FA7]  }
0x31: {  	[smem:$0x3FB0] =	sst s10  }
0x32: {  	s10 =	sld [smem:$0x3FAE];
	_ =	sdelay $0x3  }
0x33: {  	p0 =	seq.s32 s10, $0x1;
	s10 =	sld [smem:$0x3FB0];
	_ =	sdelay $0x3  }
0x34: {  	[smem:$0x3FB0] =	sst s10  }
0x35: {  	s10 =	sld [smem:$0x3FAF];
	_ =	sdelay $0x3  }
0x36: {  	p1 =	seq.s32 s10, $0x1;
	s10 =	sld [smem:$0x3FB0];
	_ =	sdelay $0x3  }
0x37: {  	[smem:$0x3FB0] =	sst s10  }
0x38: {  	s10 =	sld [smem:$0x3FB1]  }
0x39: {  	_ = 	snop;
	(pc) =	sbr.ind lr, $3  }
0x3a: {  	_ = 	snop  }
0x3b: {  	_ = 	snop  }
0x3c: {  	p2 =	seq.s32 s10, $0x1;
	s10 =	sld [smem:$0x3FB0]  }
0x3d: {  	_ =	shalt  }
0x3e: {  	_ =	shalt  }
0x3f: {  	_ =	shalt  }
0x40: {  	_ =	shalt  }
0x41: {  	_ =	shalt  }
0x42: {  	_ =	shalt  }
0x43: {  	_ =	shalt  }
0x44: {  	_ =	shalt  }
0x45: {  	_ =	shalt  }
0x46: {  	_ =	shalt  }
0x47: {  	_ =	shalt  }
0x48: {  	_ =	shalt  }
0x49: {  	_ =	shalt  }
0x4a: {  	_ =	shalt  }
0x4b: {  	_ =	shalt  }
0x4c: {  	_ =	shalt  }
0x4d: {  	_ =	shalt  }
0x4e: {  	_ =	shalt  }
0x4f: {  	_ =	shalt  }
0x50: {  	_ =	shalt  }
0x51: {  	_ =	shalt  }
0x52: {  	_ =	shalt  }
0x53: {  	_ =	shalt  }
0x54: {  	_ =	shalt  }
0x55: {  	_ =	shalt  }
0x56: {  	_ =	shalt  }
0x57: {  	_ =	shalt  }
0x58: {  	_ =	shalt  }
0x59: {  	_ =	shalt  }
0x5a: {  	_ =	shalt  }
0x5b: {  	_ =	shalt  }
0x5c: {  	_ =	shalt  }
0x5d: {  	_ =	shalt  }
0x5e: {  	_ =	shalt  }
0x5f: {  	_ =	shalt  }
0x60: {  	_ =	shalt  }
0x61: {  	_ =	shalt  }
0x62: {  	_ =	shalt  }
0x63: {  	_ =	shalt  }
0x64: {  	_ =	shalt  }
0x65: {  	_ =	shalt  }
0x66: {  	_ =	shalt  }
0x67: {  	_ =	shalt  }
0x68: {  	_ =	shalt  }
0x69: {  	_ =	shalt  }
0x6a: {  	_ =	shalt  }
0x6b: {  	_ =	shalt  }
0x6c: {  	_ =	shalt  }
0x6d: {  	_ =	shalt  }
0x6e: {  	_ =	shalt  }
0x6f: {  	_ =	shalt  }
0x70: {  	_ =	shalt  }
0x71: {  	_ =	shalt  }
0x72: {  	_ =	shalt  }
0x73: {  	_ =	shalt  }
0x74: {  	_ =	shalt  }
0x75: {  	_ =	shalt  }
0x76: {  	_ =	shalt  }
0x77: {  	_ =	shalt  }
0x78: {  	_ =	shalt  }
0x79: {  	_ =	shalt  }
0x7a: {  	_ =	shalt  }
0x7b: {  	_ =	shalt  }
0x7c: {  	_ =	shalt  }
0x7d: {  	_ =	shalt  }
0x7e: {  	_ =	shalt  }
0x7f: {  	_ =	shalt  }
0x80: {  	_ =	shalt  }
0x81: {  	_ =	shalt  }
0x82: {  	_ =	shalt  }
0x83: {  	_ =	shalt  }
0x84: {  	_ =	shalt  }
0x85: {  	_ =	shalt  }
0x86: {  	_ =	shalt  }
0x87: {  	_ =	shalt  }
.Lfunc_end0:
.L_simem_size_0:
called_computation.2_lowered:
.L_overlay_start_0:
0x88: {  	s2 =	sld [smem:$0x3FD9]  }
0x89: {  	s3 =	sld [smem:$0x3FFE];
	_ =	sdelay $0x1  }
0x8a: {  	s1 =	srdreg.scid  }
0x8b: {  	s0 =	sand.u32 $0x1, s1  }
0x8c: {  	s17 =	sshll.u32 s0, $0xA;
	s2 =	sadd.s32 s3, s2  }
0x8d: {  	s2 =	sadd.s32 s2, s17  }
0x8e: {  	[smem:$0x3FBC] =	sst s2  }
0x8f: {  	_ = 	snop  }
0x90: {  	s18 =	sld [smem:$0x3FD0];
	(tm) =	ssettm $0x1  }
0x91: {  	s19 =	sld [smem:$0x3FFB];
	_ =	sdelay $0x3  }
0x92: {  	_ =	strace s19  }
0x93: {  	s2 =	sld [smem:$0x3FFC];
	_ =	sdelay $0x3  }
0x94: {  	_ =	strace s2  }
0x95: {  	s2 =	sld [smem:$0x3FFD];
	_ =	sdelay $0x3  }
0x96: {  	_ =	strace s2  }
0x97: {  	_ =	strace $0x8FFFFFFF  }
0x98: {  	s20 =	sld [smem:$0x3FDB];
	_ =	sdelay $0x1  }
0x99: {  	s4 =	simm.s32 $_scs_section_size  }
0x9a: {  	s5 =	simm.s32 $_size__tile_overlayer_lowered;
	s6 =	simm.s32 $_tile_overlayer_lowered  }
0x9b: {  	s7 =	simm.s32 $0x1BFF;
	s21 =	sshll.u32 s6, $0x1;
	s4 =	sadd.s32 s4, s20  }
0x9c: {  	s22 =	simm.s32 $0x0;
	s5 =	sshll.u32 s5, $0x1;
	s6 =	sadd.s32 s21, s4  }
0x9d: {  	[timem:s22], [sflag:s7] =	dma.local [hbm:s6], s5  }
0x9e: {  	_ =	swait.ge [sflag:s7], s5  }
0x9f: {  	s5 =	ssub.s32 $0x0, s5;
	[sflag:s7] =	ssyncset.done $0x0  }
0xa0: {  	[sflag:s7] =	ssyncadd.s32 s5;
	_ =	sdelay $0x1  }
0xa1: {  	s23 =	simm.s32 $0x1B8B  }
0xa2: {  	_ =	swait.ge [sflag:s23], $0x1  }
0xa3: {  	[sflag:s23] =	ssyncset.done $0x0  }
0xa4: {  	[sflag:s23] =	ssyncadd.s32 $0xFFFFFFFF  }
0xa5: {  	s5 =	sld [smem:$0x0]  }
0xa6: {  	s6 =	sand.u32 $0xFFFFFFFE, s1  }
0xa7: {  	p0 =	sne.s32 s1, s6  }
0xa8: {  	s6 =	sshll.u32 @p0 s6, $0xE  }
0xa9: {  	s6 =	sadd.s32 @p0 $0x11B8D, s6;
	s7 =	sshll.u32 @p0 s5, $0x11  }
0xaa: {  	s6 =	sor.u32 @p0 s7, s6  }
0xab: {  	[sflag:s6] =	ssyncadd.remote.s32 @p0 $0x1;
	_ =	sdelay $0x1  }
0xac: {  	s6 =	simm.s32 @p0 $0x1B8D  }
0xad: {  	_ =	swait.eq @p0 [sflag:s6], $0x1  }
0xae: {  	[sflag:s6] =	ssyncadd.s32 @p0 $0xFFFFFFFF  }
0xaf: {  	s7 =	sshll.u32 @!p0 s1, $0xE  }
0xb0: {  	s7 =	sor.u32 @!p0 $0x4000, s7;
	s6 =	simm.s32 @!p0 $0x1B8D  }
0xb1: {  	s5 =	sshll.u32 @!p0 s5, $0x11;
	s7 =	sadd.s32 @!p0 $0x11B8D, s7;
	_ =	swait.eq @!p0 [sflag:s6], $0x1  }
0xb2: {  	s5 =	sor.u32 @!p0 s5, s7;
	[sflag:s6] =	ssyncadd.s32 @!p0 $0xFFFFFFFF  }
0xb3: {  	s25 =	simm.s32 $0x1B8E;
	s24 =	sld [smem:$0x3FFE];
	[sflag:s5] =	ssyncadd.remote.s32 @!p0 $0x1  }
0xb4: {  	s26 =	simm.s32 $execute0_lowered;
	[smem:$0x3FD2] =	sst s25  }
0xb5: {  	s6 =	sshll.u32 s26, $0x1;
	_ =	strace $0x8000004C;
	[dreg:$0x1] =	wrdreg $0xFFFFFFFF  }
0xb6: {  	s28 =	simm.s32 $_size_execute0_lowered;
	s4 =	sadd.s32 s4, s6;
	[dreg:$0x0] =	wrdreg $0x0  }
0xb7: {  	s6 =	sshll.u32 s28, $0x1;
	[dreg:$0x2] =	wrdreg s4  }
0xb8: {  	[dreg:$0x3] =	wrdreg s6  }
0xb9: {  	[dreg:$0x4] =	wrdreg $0xC0  }
0xba: {  	_ =	task [dreg:s22], $0x5FFFF  }
0xbb: {  	[dreg:$0x1] =	wrdreg $0xFFFFFFFF  }
0xbc: {  	[dreg:$0x0] =	wrdreg $0x60  }
0xbd: {  	[dreg:$0x2] =	wrdreg s24  }
0xbe: {  	[dreg:$0x3] =	wrdreg s18  }
0xbf: {  	[dreg:$0x4] =	wrdreg $0x94000  }
0xc0: {  	[dreg:$0x5] =	wrdreg $0xA  }
0xc1: {  	_ =	task.clear_ibuf [dreg:s22], $0x6FFFF;
	_ =	strace $0x9000004C  }
0xc2: {  	s29 =	simm.s32 $0xA;
	_ =	strace $0x8000004E  }
0xc3: {  	_ =	swait.ge [sflag:s29], $0x1  }
0xc4: {  	[sflag:s29] =	ssyncadd.s32 $0xFFFFFFFF  }
0xc5: {  	_ =	strace $0x9000004E  }
0xc6: {  	_ =	sfence  }
0xc7: {  	s30 =	sld [smem:$0x0];
	_ =	sdelay $0x2  }
0xc8: {  	s31 =	sshll.u32 s1, $0xD;
	s1 =	sshrl.u32 s1, $0x2  }
0xc9: {  	s4 =	sand.u32 $0x4000, s31;
	s1 =	sadd.s32 s1, s30  }
0xca: {  	s0 =	sor.u32 s4, s0;
	s1 =	sshll.u32 s1, $0x11  }
0xcb: {  	s0 =	sor.u32 s1, s0  }
0xcc: {  	s0 =	sadd.s32 $0x8F2B, s0  }
0xcd: {  	[sflag:s0] =	ssyncadd.remote.s32 $0x1  }
0xce: {  	_ =	sfence.sel $0xFFFF  }
0xcf: {  	[dreg:$0x0] =	wrdreg $0xFFFFFFFF;
	(pc) =	sbr.abs _section_cstart, $3  }
0xd0: {  	[dreg:$0x1] =	wrdreg $0xFFFFFFFF  }
0xd1: {  	_ =	task.clear_ibuf [dreg:s22], $0x2FFFF;
	_ =	strace $0x9FFFFFFF  }
0xd2: {  	(tm) =	ssettm $0x7FFFFFFF  }
0xd3: {  	_ =	shalt  }
tec
execute0_lowered:
.L_overlay_start_1:
0x0: {  	(tag) =	ssettag $0x1  }
0x1: {  	s0 =	rddreg [dreg:$0x0]  }
0x2: {  	s1 =	rddreg [dreg:$0x1]  }
0x3: {  	s2 =	rddreg [dreg:$0x2];
	s3 =	simm.s32 $0x0  }
0x4: {  	s24 =	stileid.u32;
	s5 =	srdreg.scid;
	s28 =	simm.s32 $0x800  }
0x5: {  	s29 =	simm.s32 $0x1400;
	s30 =	simm.s32 $0x1;
	s4 =	smul.u32 $0x1400, s24  }
0x6: {  	s6 =	smul.u32 $0x4F000, s24;
	s7 =	sand.u32 $0x1, s5;
	s5 =	sadd.s32 $0x3F0C00, s0  }
0x7: {  	s31 =	simm.s32 $0x5400;
	s11 =	sadd.s32 $0x12C400, s2;
	s18 =	smul.u32 $0x4E000, s24  }
0x8: {  	[smem:$0x7FF] =	sst s3;
	s12 =	sadd.s32 $0x130400, s2;
	s19 =	smul.u32 $0x27000, s24  }
0x9: {  	p0 =	seq.s32 s24, $0xF;
	p1 =	sne.s32 s24, $0xF;
	_ =	strace $0x8000004D  }
0xa: {  	s8 =	ssub.s32 $0x2, s7;
	s17 =	sshll.u32 s7, $0xA;
	s7 =	sshll.u32 s7, $0x7  }
0xb: {  	s4 =	sshrl.u32 s4, $0x3;
	s23 =	sshrl.u32 s6, $0x2;
	s9 =	sshrl.u32 s8, $0x1  }
0xc: {  	s18 =	sshrl.u32 s18, $0x2;
	s25 =	sadd.s32 s4, s0;
	s4 =	sadd.s32 s23, s2  }
0xd: {  	s26 =	ssub.s32 s8, s9;
	s9 =	sadd.s32 $0x128400, s2;
	s6 =	sadd.s32 s18, s2  }
0xe: {  	s0 =	simm.s32 $0x80;
	s13 =	sadd.s32 $0x4000, s4;
	s14 =	sadd.s32 $0x8000, s4  }
0xf: {  	s15 =	sadd.s32 $0xC000, s4;
	s10 =	sadd.s32 $0x10000, s4;
	[dreg:$0x4] =	wrdreg s13  }
0x10: {  	[dreg:$0x5] =	wrdreg s14;
	s14 =	smul.u32 $0x140000, s24;
	s13 =	sadd.s32 $0x134400, s2  }
0x11: {  	[dreg:$0x6] =	wrdreg s15;
	s15 =	sadd.s32 $0x3EE400, s25;
	s25 =	sadd.s32 $0x138000, s2  }
0x12: {  	s24 =	sshrl.u32 s6, $0x3;
	s25 =	sshrl.u32 @!p1 s25, $0x3;
	s21 =	sor.u32 s17, s14  }
0x13: {  	s14 =	sadd.s32 $0x138400, s2;
	s17 =	sor.u32 s17, s19;
	s19 =	smax.u32 s26, $0x1  }
0x14: {  	s16 =	sshrl.u32 s21, $0x3;
	s17 =	sshrl.u32 s17, $0x3;
	s20 =	sadd.s32 $0x138000, s21  }
0x15: {  	s22 =	sor.u32 $0x8000, s21;
	s16 =	sadd.s32 s5, s16;
	s17 =	sadd.s32 s1, s17  }
0x16: {  	s1 =	sadd.s32 s7, s1;
	s23 =	sshrl.u32 s20, $0x3;
	s26 =	sshrl.u32 s22, $0x3  }
0x17: {  	s7 =	sor.u32 $0x10000, s21;
	s18 =	sadd.s32 $0x4E000, s1;
	s20 =	sadd.s32 s5, s23  }
0x18: {  	v0 =	vimm.f32 $0.0e+00;
	s22 =	sadd.s32 s26, s5;
	s23 =	simm.s32 $0x2;
	s26 =	simm.s32 $0x400  }
.LBB2_1:
0x19: {  	s1 =	simm.s32 $0x0;
	s6 =	simm.s32 $0x200  }
.LBB2_2:
0x1a: {  	p2 =	sne.s32 s6, $0xFE00;
	[tilespmem:s1+$0x1470] =	vst v0  }
0x1b: {  	[tilespmem:s1+$0x1400] =	vst v0  }
0x1c: {  	[tilespmem:s1+$0x1410] =	vst v0  }
.Ltmp0:
0x1d: {  	[tilespmem:s1+$0x1420] =	vst v0;
	(pc) =	sbr.rel @p2 .LBB2_2-.Ltmp0, $4  }
0x1e: {  	[tilespmem:s1+$0x1430] =	vst v0  }
0x1f: {  	[tilespmem:s1+$0x1440] =	vst v0  }
0x20: {  	[tilespmem:s1+$0x1450] =	vst v0  }
0x21: {  	[tilespmem:s1+$0x1460] =	vst v0;
	s1 =	sshra.s32 s6, $0x2;
	s6 =	sadd.s32 $0x200, s6  }
0x22: {  	[tilespmem:s1+$0x1470] =	vst v0  }
0x23: {  	[tilespmem:s1+$0x1400] =	vst v0  }
0x24: {  	[tilespmem:s1+$0x1410] =	vst v0  }
0x25: {  	[tilespmem:s1+$0x1420] =	vst v0  }
0x26: {  	[tilespmem:s1+$0x1430] =	vst v0  }
0x27: {  	[tilespmem:s1+$0x1440] =	vst v0  }
0x28: {  	[tilespmem:s1+$0x1450] =	vst v0  }
0x29: {  	[tilespmem:s1+$0x1460] =	vst v0;
	s1 =	simm.s32 @p0 $0x1400;
	s6 =	simm.s32 @p0 $0x2  }
0x2a: {  	[spmem:s9] =	stream.linear.scatter @p0 [tilespmem:s1], [sflag:$0x2], $0x4000, $0x38;
	[tilespmem:$0x1CCC0] =	vst v63  }
0x2b: {  	_ =	swait.ge @p0 [sflag:s6], $0x4000  }
0x2c: {  	[sflag:s6] =	ssyncset.done @p0 $0x0  }
0x2d: {  	[sflag:s6] =	ssyncadd.s32 @p0 $0xFFFFC000  }
0x2e: {  	[spmem:s11] =	stream.linear.scatter @p0 [tilespmem:s1], [sflag:$0x2], $0x4000, $0x38;
	[tilespmem:$0x1CCC0] =	vst v63  }
0x2f: {  	_ =	swait.ge @p0 [sflag:s6], $0x4000  }
0x30: {  	[sflag:s6] =	ssyncset.done @p0 $0x0  }
0x31: {  	[sflag:s6] =	ssyncadd.s32 @p0 $0xFFFFC000  }
0x32: {  	[spmem:s12] =	stream.linear.scatter @p0 [tilespmem:s1], [sflag:$0x2], $0x4000, $0x38;
	[tilespmem:$0x1CCC0] =	vst v63  }
0x33: {  	_ =	swait.ge @p0 [sflag:s6], $0x4000  }
0x34: {  	[sflag:s6] =	ssyncset.done @p0 $0x0  }
0x35: {  	[sflag:s6] =	ssyncadd.s32 @p0 $0xFFFFC000  }
0x36: {  	[spmem:s13] =	stream.linear.scatter @p0 [tilespmem:s1], [sflag:$0x2], $0x4000, $0x38;
	[tilespmem:$0x1CCC0] =	vst v63  }
0x37: {  	_ =	swait.ge @p0 [sflag:s6], $0x4000  }
0x38: {  	[sflag:s6] =	ssyncset.done @p0 $0x0  }
0x39: {  	[sflag:s6] =	ssyncadd.s32 @p0 $0xFFFFC000  }
0x3a: {  	[spmem:s14] =	stream.linear.scatter @p0 [tilespmem:s1], [sflag:$0x2], $0x800, $0x38;
	[tilespmem:$0x1CCC0] =	vst v63  }
0x3b: {  	_ =	swait.ge @p0 [sflag:s6], $0x800  }
0x3c: {  	[sflag:s6] =	ssyncset.done @p0 $0x0  }
0x3d: {  	s1 =	simm.s32 @!p0 $0x1400;
	[sflag:s6] =	ssyncadd.s32 @p0 $0xFFFFF800;
	s6 =	simm.s32 @!p0 $0x2  }
0x3e: {  	[spmem:s4] =	stream.linear.scatter @!p0 [tilespmem:s1], [sflag:$0x2], $0x4000, $0x38;
	[tilespmem:$0x1CCC0] =	vst v63  }
0x3f: {  	_ =	swait.ge @!p0 [sflag:s6], $0x4000  }
0x40: {  	[sflag:s6] =	ssyncset.done @!p0 $0x0  }
0x41: {  	s8 =	rddreg [dreg:$0x4];
	[sflag:s6] =	ssyncadd.s32 @!p0 $0xFFFFC000  }
0x42: {  	[spmem:s8] =	stream.linear.scatter @!p0 [tilespmem:s1], [sflag:$0x2], $0x4000, $0x38;
	[tilespmem:$0x1CCC0] =	vst v63  }
0x43: {  	_ =	swait.ge @!p0 [sflag:s6], $0x4000  }
0x44: {  	[sflag:s6] =	ssyncset.done @!p0 $0x0  }
0x45: {  	s8 =	rddreg [dreg:$0x5];
	[sflag:s6] =	ssyncadd.s32 @!p0 $0xFFFFC000  }
0x46: {  	[spmem:s8] =	stream.linear.scatter @!p0 [tilespmem:s1], [sflag:$0x2], $0x4000, $0x38;
	[tilespmem:$0x1CCC0] =	vst v63  }
0x47: {  	_ =	swait.ge @!p0 [sflag:s6], $0x4000  }
0x48: {  	[sflag:s6] =	ssyncset.done @!p0 $0x0  }
0x49: {  	s8 =	rddreg [dreg:$0x6];
	[sflag:s6] =	ssyncadd.s32 @!p0 $0xFFFFC000  }
0x4a: {  	[spmem:s8] =	stream.linear.scatter @!p0 [tilespmem:s1], [sflag:$0x2], $0x4000, $0x38;
	[tilespmem:$0x1CCC0] =	vst v63  }
0x4b: {  	_ =	swait.ge @!p0 [sflag:s6], $0x4000  }
0x4c: {  	[sflag:s6] =	ssyncset.done @!p0 $0x0  }
0x4d: {  	[sflag:s6] =	ssyncadd.s32 @!p0 $0xFFFFC000  }
0x4e: {  	[spmem:s10] =	stream.linear.scatter @!p0 [tilespmem:s1], [sflag:$0x2], $0x3C00, $0x38;
	[tilespmem:$0x1CCC0] =	vst v63  }
0x4f: {  	_ =	swait.ge @!p0 [sflag:s6], $0x3C00  }
0x50: {  	[sflag:s6] =	ssyncset.done @!p0 $0x0  }
0x51: {  	s1 =	simm.s32 $0x0;
	[sflag:s6] =	ssyncadd.s32 @!p0 $0xFFFFC400  }
0x52: {  	[tilespmem:s1], [sflag:$0x2] =	stream.linear.gather [hbm4b:s15+s1], $0x1400, $0x38;
	[tilespmem:$0x1CCC0] =	vst v63  }
0x53: {  	_ =	swait.ge [sflag:s23], $0x1400  }
0x54: {  	[sflag:s23] =	ssyncset.done $0x0  }
0x55: {  	[sflag:s23] =	ssyncadd.s32 $0xFFFFEC00  }
0x56: {  	[bflag:$0x0] =	sbarrier.arrive $0xFFFF  }
0x57: {  	[tilespmem:s29], [sflag:$0x1] =	stream.strided.gather [hbm4b:s16+s26], $0x4000, s28, s26, $0x38;
	[tilespmem:$0x1CCC0] =	vst v63  }
0x58: {  	_ =	swait.ge [sflag:s30], $0x4000  }
0x59: {  	[sflag:s30] =	ssyncset.done $0x0  }
0x5a: {  	s21 =	sadd.s32 $0x0, s22;
	[sflag:s30] =	ssyncadd.s32 $0xFFFFC000  }
0x5b: {  	[tilespmem:s31], [sflag:$0x1] =	stream.strided.gather [hbm4b:s21+s26], $0x4000, s28, s26, $0x38;
	[tilespmem:$0x1CCC0] =	vst v63  }
0x5c: {  	_ = 	snop  }
0x5d: {  	[spmem:s2] =	stream.indirect.scatter.add.f32 [tilespmem:s29], [sflag:$0x2], $0x80, s1, s0, $0xb8;
	[tilespmem:$0x1CCC0] =	vst v63  }
0x5e: {  	_ =	swait.ge [sflag:s23], $0x4000  }
0x5f: {  	[sflag:s23] =	ssyncset.done $0x0  }
0x60: {  	[sflag:s23] =	ssyncadd.s32 $0xFFFFC000  }
0x61: {  	_ =	swait.ge [sflag:s30], $0x4000  }
0x62: {  	s8 =	sshrl.u32 s7, $0x3;
	[sflag:s30] =	ssyncset.done $0x0  }
0x63: {  	s6 =	sadd.s32 s5, s8;
	[sflag:s30] =	ssyncadd.s32 $0xFFFFC000  }
0x64: {  	[tilespmem:s29], [sflag:$0x1] =	stream.strided.gather [hbm4b:s6+s26], $0x4000, s28, s26, $0x38;
	[tilespmem:$0x1CCC0] =	vst v63  }
0x65: {  	s21 =	simm.s32 $0x80  }
0x66: {  	[spmem:s2] =	stream.indirect.scatter.add.f32 [tilespmem:s31], [sflag:$0x2], $0x80, s21, s0, $0xb8;
	[tilespmem:$0x1CCC0] =	vst v63  }
0x67: {  	_ =	swait.ge [sflag:s23], $0x4000  }
0x68: {  	s6 =	simm.s32 $0x2000;
	s21 =	smov.u32 s7;
	[sflag:s23] =	ssyncset.done $0x0  }
.LBB2_4:
0x69: {  	[sflag:s23] =	ssyncadd.s32 $0xFFFFC000;
	s1 =	sadd.s32 $0x100, s1;
	s21 =	sadd.s32 $0x10000, s21  }
0x6a: {  	p2 =	sne.s32 s6, $0x24000;
	s8 =	smov.u32 s6;
	s6 =	sadd.s32 $0x2000, s6  }
0x6b: {  	_ =	swait.ge [sflag:s30], $0x4000  }
0x6c: {  	[sflag:s30] =	ssyncset.done $0x0  }
0x6d: {  	s8 =	sadd.s32 s8, s22;
	[sflag:s30] =	ssyncadd.s32 $0xFFFFC000  }
0x6e: {  	[tilespmem:s31], [sflag:$0x1] =	stream.strided.gather [hbm4b:s8+s26], $0x4000, s28, s26, $0x38;
	[tilespmem:$0x1CCC0] =	vst v63  }
0x6f: {  	_ = 	snop  }
0x70: {  	[spmem:s2] =	stream.indirect.scatter.add.f32 [tilespmem:s29], [sflag:$0x2], $0x80, s1, s0, $0xb8;
	[tilespmem:$0x1CCC0] =	vst v63  }
0x71: {  	_ =	swait.ge [sflag:s23], $0x4000  }
0x72: {  	[sflag:s23] =	ssyncset.done $0x0  }
0x73: {  	[sflag:s23] =	ssyncadd.s32 $0xFFFFC000  }
0x74: {  	_ =	swait.ge [sflag:s30], $0x4000  }
0x75: {  	s8 =	sshrl.u32 s21, $0x3;
	[sflag:s30] =	ssyncset.done $0x0  }
0x76: {  	s8 =	sadd.s32 s5, s8;
	[sflag:s30] =	ssyncadd.s32 $0xFFFFC000  }
0x77: {  	[tilespmem:s29], [sflag:$0x1] =	stream.strided.gather [hbm4b:s8+s26], $0x4000, s28, s26, $0x38;
	[tilespmem:$0x1CCC0] =	vst v63  }
.Ltmp1:
0x78: {  	_ = 	snop;
	(pc) =	sbr.rel @p2 .LBB2_4-.Ltmp1, $4  }
0x79: {  	s8 =	sadd.s32 $0x80, s1  }
0x7a: {  	[spmem:s2] =	stream.indirect.scatter.add.f32 [tilespmem:s31], [sflag:$0x2], $0x80, s8, s0, $0xb8;
	[tilespmem:$0x1CCC0] =	vst v63  }
0x7b: {  	_ =	swait.ge [sflag:s23], $0x4000  }
0x7c: {  	[sflag:s23] =	ssyncset.done $0x0  }
0x7d: {  	[sflag:s23] =	ssyncadd.s32 $0xFFFFC000  }
0x7e: {  	_ =	swait.ge [sflag:s30], $0x4000  }
0x7f: {  	[sflag:s30] =	ssyncset.done $0x0  }
0x80: {  	[sflag:s30] =	ssyncadd.s32 $0xFFFFC000  }
0x81: {  	[tilespmem:s31], [sflag:$0x1] =	stream.strided.gather [hbm4b:s20+s26], $0x4000, s28, s26, $0x38;
	[tilespmem:$0x1CCC0] =	vst v63  }
0x82: {  	s1 =	simm.s32 $0x1300  }
0x83: {  	[spmem:s2] =	stream.indirect.scatter.add.f32 [tilespmem:s29], [sflag:$0x2], $0x80, s1, s0, $0xb8;
	[tilespmem:$0x1CCC0] =	vst v63  }
0x84: {  	_ =	swait.ge [sflag:s23], $0x4000  }
0x85: {  	[sflag:s23] =	ssyncset.done $0x0  }
0x86: {  	[sflag:s23] =	ssyncadd.s32 $0xFFFFC000  }
0x87: {  	_ =	swait.ge [sflag:s30], $0x4000  }
0x88: {  	[sflag:s30] =	ssyncset.done $0x0  }
0x89: {  	s8 =	simm.s32 $0x1380;
	[sflag:s30] =	ssyncadd.s32 $0xFFFFC000  }
0x8a: {  	[spmem:s2] =	stream.indirect.scatter.add.f32 [tilespmem:s31], [sflag:$0x2], $0x80, s8, s0, $0xb8;
	[tilespmem:$0x1CCC0] =	vst v63  }
0x8b: {  	_ =	swait.ge [sflag:s23], $0x4000  }
0x8c: {  	s21 =	stileid.u32;
	[sflag:s23] =	ssyncset.done $0x0  }
0x8d: {  	s6 =	simm.s32 $0x8;
	s1 =	sshll.u32 s21, $0x6;
	[sflag:s23] =	ssyncadd.s32 $0xFFFFC000  }
0x8e: {  	s1 =	sor.u32 $0x1C02, s1;
	s8 =	simm.s32 $0x100;
	[bflag:$0x0] =	sbarrier.arrive $0xFFFF  }
0x8f: {  	[hbm:s17@s8], [sflag:s1] =	dma.strided [spmem:s24@s0], $0x2700, s6, $0x10   }
0x90: {  	s3 =	sadd.s32 $0x1, s3;
	_ =	swait.ge [sflag:s23], $0x2700  }
0x91: {  	p2 =	sne.s32 s3, s19;
	s21 =	simm.s32 @!p1 $0x80;
	[sflag:s23] =	ssyncset.done $0x0  }
0x92: {  	s6 =	simm.s32 @!p1 $0x8;
	s8 =	simm.s32 @!p1 $0x100;
	[sflag:s23] =	ssyncadd.s32 $0xFFFFD900  }
0x93: {  	[hbm:s18@s8], [sflag:s1] =	dma.strided @!p1 [spmem:s25@s21], $0x100, s6, $0x10   }
.Ltmp2:
0x94: {  	_ = 	snop;
	(pc) =	sbr.rel @p2 .LBB2_1-.Ltmp2, $4  }
0x95: {  	s1 =	simm.s32 @!p1 $0x2  }
0x96: {  	_ =	swait.ge @!p1 [sflag:s1], $0x100  }
0x97: {  	[sflag:s1] =	ssyncset.done @!p1 $0x0  }
0x98: {  	[sflag:s1] =	ssyncadd.s32 @!p1 $0xFFFFFF00  }
0x99: {  	_ =	sfence.sel $0x180000  }
0x9a: {  	[bflag:$0x0] =	sbarrier.arrive $0xFFFF  }
0x9b: {  	_ =	strace $0x9000004D  }
0x9c: {  	s0 =	stileid.u32;
	[bflag:$0x2] =	sbarrier.arrive $0xFFFF  }
0x9d: {  	p0 =	sne.s32 s0, $0x0;
	s0 =	rddreg [dreg:$0x3]  }
0x9e: {  	s0 =	sadd.s32 @!p0 $0x100000, s0  }
0x9f: {  	[sflag:s0] =	ssyncadd.tile.s32 @!p0 $0x1;
	_ =	shalt  }
.Lfunc_end2:
_tile_overlayer_lowered:
.L_overlay_start_2:
0xa0: {  	(tag) =	ssettag $0x2  }
0xa1: {  	s0 =	rddreg [dreg:$0x0];
	s2 =	stileid.u32  }
0xa2: {  	s1 =	rddreg [dreg:$0x1];
	p0 =	sne.s32 s2, $0x0  }
0xa3: {  	s3 =	rddreg [dreg:$0x2];
	[bflag:$0x3] =	sbarrier.arrive $0xFFFF;
	s2 =	simm.s32 @!p0 $0x1C02  }
0xa4: {  	[timem:s3], [sflag:s2] =	dma.local @!p0 [hbm:s0], s1  }
0xa5: {  	s0 =	simm.s32 @!p0 $0x2  }
0xa6: {  	_ =	swait.ge @!p0 [sflag:s0], s1  }
0xa7: {  	s1 =	ssub.s32 @!p0 $0x0, s1;
	[sflag:s0] =	ssyncset.done @!p0 $0x0  }
0xa8: {  	[sflag:s0] =	ssyncadd.s32 @!p0 s1  }
0xa9: {  	[bflag:$0x3] =	sbarrier.arrive $0xFFFF  }
0xaa: {  	_ =	shalt  }

// kernel: kernel.18.cloned.1.call-start
scs
__scs_entry_jumppad:
0x0: {  	(pc) =	sbr.rel $0x88, $3  }
0x1: {  	(tag) =	ssettag $0x0;
	lr =	simm.s32 $0x1  }
0x2: {  	[smem:$0x3F95] =	sst lr;
	_ =	strace $0xD0000000  }
0x3: {  	_ = 	snop  }
0x4: {  	_ = 	snop  }
0x5: {  	_ = 	snop  }
0x6: {  	_ = 	snop  }
0x7: {  	_ = 	snop  }
__scs_overlays_trampoline_lowered:
0x8: {  	[smem:$0x3FA4] =	sst s0  }
0x9: {  	[smem:$0x3FA5] =	sst s1  }
0xa: {  	[smem:$0x3FA6] =	sst s2  }
0xb: {  	[smem:$0x3FA7] =	sst s3  }
0xc: {  	[smem:$0x3FA8] =	sst s4  }
0xd: {  	[smem:$0x3FA9] =	sst s5  }
0xe: {  	[smem:$0x3FAA] =	sst s6  }
0xf: {  	[smem:$0x3FAB] =	sst s7  }
0x10: {  	[smem:$0x3FAC] =	sst s8  }
0x11: {  	[smem:$0x3FAD] =	sst s9;
	s0 =	simm.s32 @!p0 $0x0  }
0x12: {  	s1 =	sld [smem:$0x3F93];
	s0 =	simm.s32 @p0 $0x1  }
0x13: {  	[smem:$0x3FAE] =	sst s0;
	s0 =	simm.s32 @!p1 $0x0  }
0x14: {  	s2 =	sld [smem:$0x3F92];
	s0 =	simm.s32 @p1 $0x1  }
0x15: {  	[smem:$0x3FAF] =	sst s0;
	s0 =	simm.s32 @!p2 $0x0  }
0x16: {  	s3 =	sld [smem:$0x3FDB];
	s0 =	simm.s32 @p2 $0x1  }
0x17: {  	s4 =	simm.s32 $0x1BF5;
	[smem:$0x3FB1] =	sst s0  }
0x18: {  	s0 =	sld [smem:$0x3F94];
	_ =	swait.ge [sflag:s4], $0x0  }
0x19: {  	s7 =	sld [smem:$0x3F95]  }
0x1a: {  	s8 =	sadd.s32 $0xFFFFE003, lr  }
0x1b: {  	s9 =	sadd.s32 $0xFFFFFEF7, lr;
	s5 =	simm.s32 $0xFFFFFFFF;
	p2 =	slt.u32 s8, $0xFFFFF086  }
0x1c: {  	p1 =	slt.u32 s9, $0xF7A;
	s5 =	simm.s32 @!p2 $0x0  }
0x1d: {  	s5 =	simm.s32 @p1 $0x1;
	p0 =	seq.s32 s7, s2  }
0x1e: {  	s7 =	smul.u32 @!p0 $0xF7A, s2;
	p2 =	seq.s32 @!p0 s5, $0x0  }
0x1f: {  	s9 =	smul.u32 $0xF7A, s1;
	s8 =	simm.s32 @!p0 $0x1BF5;
	p2 =	por !p2, p0  }
0x20: {  	[sflag:s8] =	ssyncset.s32 @!p0 $0xFFFFF086;
	s6 =	sadd.s32 @!p0 s3, s7;
	s7 =	simm.s32 @!p0 $0x108  }
0x21: {  	s3 =	sadd.s32 s3, s9;
	s6 =	sadd.s32 @!p0 $0x88, s6;
	s7 =	simm.s32 @p2 $0x1082  }
0x22: {  	[simem:s7], [sflag:s8] =	dma.local @!p0 [hbm:s6], $0xF7A  }
0x23: {  	s9 =	sor.u32 $0xD0000000, s2;
	s6 =	simm.s32 $0x108;
	_ =	swait.ge @!p0 [sflag:s8], $0x0  }
0x24: {  	s3 =	sadd.s32 $0x88, s3;
	s6 =	simm.s32 @!p1 $0x1082;
	[sflag:s4] =	ssyncset.s32 $0xFFFFF086  }
0x25: {  	[simem:s6], [sflag:s4] =	dma.local [hbm:s3], $0xF7A  }
0x26: {  	[smem:$0x3F95] =	sst s1;
	(tag) =	ssettag s2;
	_ =	strace s9  }
0x27: {  	s1 =	sld [smem:$0x3FA5]  }
0x28: {  	s2 =	sld [smem:$0x3FA6]  }
0x29: {  	s4 =	sld [smem:$0x3FA8]  }
0x2a: {  	p0 =	seq.s32 s5, $0x0;
	s5 =	sld [smem:$0x3FA9]  }
0x2b: {  	s6 =	sld [smem:$0x3FAA]  }
0x2c: {  	s7 =	sld [smem:$0x3FAB]  }
0x2d: {  	s3 =	simm.s32 $0x108;
	s8 =	sld [smem:$0x3FAC]  }
0x2e: {  	s3 =	simm.s32 @!p0 $0x1082;
	s9 =	sld [smem:$0x3FAD]  }
0x2f: {  	lr =	sadd.s32 s0, s3;
	s0 =	sld [smem:$0x3FA4]  }
0x30: {  	s3 =	sld [smem:$0x3FA7]  }
0x31: {  	[smem:$0x3FB0] =	sst s10  }
0x32: {  	s10 =	sld [smem:$0x3FAE];
	_ =	sdelay $0x3  }
0x33: {  	p0 =	seq.s32 s10, $0x1;
	s10 =	sld [smem:$0x3FB0];
	_ =	sdelay $0x3  }
0x34: {  	[smem:$0x3FB0] =	sst s10  }
0x35: {  	s10 =	sld [smem:$0x3FAF];
	_ =	sdelay $0x3  }
0x36: {  	p1 =	seq.s32 s10, $0x1;
	s10 =	sld [smem:$0x3FB0];
	_ =	sdelay $0x3  }
0x37: {  	[smem:$0x3FB0] =	sst s10  }
0x38: {  	s10 =	sld [smem:$0x3FB1]  }
0x39: {  	_ = 	snop;
	(pc) =	sbr.ind lr, $3  }
0x3a: {  	_ = 	snop  }
0x3b: {  	_ = 	snop  }
0x3c: {  	p2 =	seq.s32 s10, $0x1;
	s10 =	sld [smem:$0x3FB0]  }
0x3d: {  	_ =	shalt  }
0x3e: {  	_ =	shalt  }
0x3f: {  	_ =	shalt  }
0x40: {  	_ =	shalt  }
0x41: {  	_ =	shalt  }
0x42: {  	_ =	shalt  }
0x43: {  	_ =	shalt  }
0x44: {  	_ =	shalt  }
0x45: {  	_ =	shalt  }
0x46: {  	_ =	shalt  }
0x47: {  	_ =	shalt  }
0x48: {  	_ =	shalt  }
0x49: {  	_ =	shalt  }
0x4a: {  	_ =	shalt  }
0x4b: {  	_ =	shalt  }
0x4c: {  	_ =	shalt  }
0x4d: {  	_ =	shalt  }
0x4e: {  	_ =	shalt  }
0x4f: {  	_ =	shalt  }
0x50: {  	_ =	shalt  }
0x51: {  	_ =	shalt  }
0x52: {  	_ =	shalt  }
0x53: {  	_ =	shalt  }
0x54: {  	_ =	shalt  }
0x55: {  	_ =	shalt  }
0x56: {  	_ =	shalt  }
0x57: {  	_ =	shalt  }
0x58: {  	_ =	shalt  }
0x59: {  	_ =	shalt  }
0x5a: {  	_ =	shalt  }
0x5b: {  	_ =	shalt  }
0x5c: {  	_ =	shalt  }
0x5d: {  	_ =	shalt  }
0x5e: {  	_ =	shalt  }
0x5f: {  	_ =	shalt  }
0x60: {  	_ =	shalt  }
0x61: {  	_ =	shalt  }
0x62: {  	_ =	shalt  }
0x63: {  	_ =	shalt  }
0x64: {  	_ =	shalt  }
0x65: {  	_ =	shalt  }
0x66: {  	_ =	shalt  }
0x67: {  	_ =	shalt  }
0x68: {  	_ =	shalt  }
0x69: {  	_ =	shalt  }
0x6a: {  	_ =	shalt  }
0x6b: {  	_ =	shalt  }
0x6c: {  	_ =	shalt  }
0x6d: {  	_ =	shalt  }
0x6e: {  	_ =	shalt  }
0x6f: {  	_ =	shalt  }
0x70: {  	_ =	shalt  }
0x71: {  	_ =	shalt  }
0x72: {  	_ =	shalt  }
0x73: {  	_ =	shalt  }
0x74: {  	_ =	shalt  }
0x75: {  	_ =	shalt  }
0x76: {  	_ =	shalt  }
0x77: {  	_ =	shalt  }
0x78: {  	_ =	shalt  }
0x79: {  	_ =	shalt  }
0x7a: {  	_ =	shalt  }
0x7b: {  	_ =	shalt  }
0x7c: {  	_ =	shalt  }
0x7d: {  	_ =	shalt  }
0x7e: {  	_ =	shalt  }
0x7f: {  	_ =	shalt  }
0x80: {  	_ =	shalt  }
0x81: {  	_ =	shalt  }
0x82: {  	_ =	shalt  }
0x83: {  	_ =	shalt  }
0x84: {  	_ =	shalt  }
0x85: {  	_ =	shalt  }
0x86: {  	_ =	shalt  }
0x87: {  	_ =	shalt  }
.Lfunc_end0:
.L_simem_size_0:
called_computation.3_lowered:
.L_overlay_start_0:
0x88: {  	s2 =	sld [smem:$0x3FD9]  }
0x89: {  	s3 =	sld [smem:$0x3FFE];
	_ =	sdelay $0x1  }
0x8a: {  	s1 =	srdreg.scid  }
0x8b: {  	s0 =	sand.u32 $0x1, s1  }
0x8c: {  	s17 =	sshll.u32 s0, $0xA;
	s2 =	sadd.s32 s3, s2  }
0x8d: {  	s2 =	sadd.s32 s2, s17  }
0x8e: {  	[smem:$0x3FBC] =	sst s2  }
0x8f: {  	_ = 	snop  }
0x90: {  	(tm) =	ssettm $0x1  }
0x91: {  	s18 =	sld [smem:$0x3FFB];
	_ =	sdelay $0x3  }
0x92: {  	_ =	strace s18  }
0x93: {  	s2 =	sld [smem:$0x3FFC];
	_ =	sdelay $0x3  }
0x94: {  	_ =	strace s2  }
0x95: {  	s2 =	sld [smem:$0x3FFD];
	_ =	sdelay $0x3  }
0x96: {  	_ =	strace s2  }
0x97: {  	_ =	strace $0x8FFFFFFF  }
0x98: {  	s19 =	sld [smem:$0x3FDB];
	_ =	sdelay $0x1  }
0x99: {  	s20 =	simm.s32 $_scs_section_size  }
0x9a: {  	s4 =	simm.s32 $_size__tile_overlayer_lowered;
	s5 =	simm.s32 $_tile_overlayer_lowered  }
0x9b: {  	s6 =	simm.s32 $0x1BFF;
	s21 =	sshll.u32 s5, $0x1;
	s3 =	sadd.s32 s20, s19  }
0x9c: {  	s22 =	simm.s32 $0x0;
	s4 =	sshll.u32 s4, $0x1;
	s5 =	sadd.s32 s21, s3  }
0x9d: {  	[timem:s22], [sflag:s6] =	dma.local [hbm:s5], s4  }
0x9e: {  	_ =	swait.ge [sflag:s6], s4  }
0x9f: {  	s4 =	ssub.s32 $0x0, s4;
	[sflag:s6] =	ssyncset.done $0x0  }
0xa0: {  	[sflag:s6] =	ssyncadd.s32 s4;
	_ =	sdelay $0x1  }
0xa1: {  	s23 =	simm.s32 $0x1B8B  }
0xa2: {  	_ =	swait.ge [sflag:s23], $0x1  }
0xa3: {  	[sflag:s23] =	ssyncset.done $0x0  }
0xa4: {  	[sflag:s23] =	ssyncadd.s32 $0xFFFFFFFF  }
0xa5: {  	s4 =	sld [smem:$0x0]  }
0xa6: {  	s5 =	sand.u32 $0xFFFFFFFE, s1  }
0xa7: {  	p0 =	sne.s32 s1, s5  }
0xa8: {  	s5 =	sshll.u32 @p0 s5, $0xE  }
0xa9: {  	s5 =	sadd.s32 @p0 $0x11B8D, s5;
	s6 =	sshll.u32 @p0 s4, $0x11  }
0xaa: {  	s5 =	sor.u32 @p0 s6, s5  }
0xab: {  	[sflag:s5] =	ssyncadd.remote.s32 @p0 $0x1;
	_ =	sdelay $0x1  }
0xac: {  	s5 =	simm.s32 @p0 $0x1B8D  }
0xad: {  	_ =	swait.eq @p0 [sflag:s5], $0x1  }
0xae: {  	[sflag:s5] =	ssyncadd.s32 @p0 $0xFFFFFFFF  }
0xaf: {  	s6 =	sshll.u32 @!p0 s1, $0xE  }
0xb0: {  	s6 =	sor.u32 @!p0 $0x4000, s6;
	s5 =	simm.s32 @!p0 $0x1B8D  }
0xb1: {  	s4 =	sshll.u32 @!p0 s4, $0x11;
	s6 =	sadd.s32 @!p0 $0x11B8D, s6;
	_ =	swait.eq @!p0 [sflag:s5], $0x1  }
0xb2: {  	s4 =	sor.u32 @!p0 s4, s6;
	[sflag:s5] =	ssyncadd.s32 @!p0 $0xFFFFFFFF  }
0xb3: {  	s25 =	simm.s32 $0x1B8E;
	s24 =	sld [smem:$0x3FFE];
	[sflag:s4] =	ssyncadd.remote.s32 @!p0 $0x1  }
0xb4: {  	s26 =	simm.s32 $execute0_lowered;
	[smem:$0x3FD2] =	sst s25  }
0xb5: {  	s5 =	sshll.u32 s26, $0x1;
	_ =	strace $0x8000004F;
	[dreg:$0x1] =	wrdreg $0xFFFFFFFF  }
0xb6: {  	s28 =	simm.s32 $_size_execute0_lowered;
	s3 =	sadd.s32 s3, s5;
	[dreg:$0x0] =	wrdreg $0x0  }
0xb7: {  	s5 =	sshll.u32 s28, $0x1;
	[dreg:$0x2] =	wrdreg s3  }
0xb8: {  	[dreg:$0x3] =	wrdreg s5  }
0xb9: {  	[dreg:$0x4] =	wrdreg $0xC0  }
0xba: {  	_ =	task [dreg:s22], $0x5FFFF  }
0xbb: {  	[dreg:$0x1] =	wrdreg $0xFFFFFFFF  }
0xbc: {  	[dreg:$0x0] =	wrdreg $0x60  }
0xbd: {  	[dreg:$0x2] =	wrdreg s24  }
0xbe: {  	[dreg:$0x3] =	wrdreg $0x94000  }
0xbf: {  	[dreg:$0x4] =	wrdreg $0x9  }
0xc0: {  	_ =	task.clear_ibuf [dreg:s22], $0x5FFFF;
	_ =	strace $0x9000004F  }
0xc1: {  	s29 =	simm.s32 $0x9;
	_ =	strace $0x80000051  }
0xc2: {  	_ =	swait.ge [sflag:s29], $0x1  }
0xc3: {  	[sflag:s29] =	ssyncadd.s32 $0xFFFFFFFF  }
0xc4: {  	_ =	strace $0x90000051  }
0xc5: {  	_ =	sfence  }
0xc6: {  	s30 =	sld [smem:$0x0];
	_ =	sdelay $0x2  }
0xc7: {  	s31 =	sshll.u32 s1, $0xD;
	s1 =	sshrl.u32 s1, $0x2  }
0xc8: {  	s4 =	sand.u32 $0x4000, s31;
	s1 =	sadd.s32 s1, s30  }
0xc9: {  	s0 =	sor.u32 s4, s0;
	s1 =	sshll.u32 s1, $0x11  }
0xca: {  	s0 =	sor.u32 s1, s0  }
0xcb: {  	s0 =	sadd.s32 $0x8F2B, s0  }
0xcc: {  	[sflag:s0] =	ssyncadd.remote.s32 $0x1  }
0xcd: {  	_ =	sfence.sel $0xFFFF  }
0xce: {  	[dreg:$0x0] =	wrdreg $0xFFFFFFFF;
	(pc) =	sbr.abs _section_cstart, $3  }
0xcf: {  	[dreg:$0x1] =	wrdreg $0xFFFFFFFF  }
0xd0: {  	_ =	task.clear_ibuf [dreg:s22], $0x2FFFF;
	_ =	strace $0x9FFFFFFF  }
0xd1: {  	(tm) =	ssettm $0x7FFFFFFF  }
tec
execute0_lowered:
.L_overlay_start_1:
0x0: {  	(tag) =	ssettag $0x1  }
0x1: {  	s0 =	rddreg [dreg:$0x0]  }
0x2: {  	s2 =	rddreg [dreg:$0x1];
	s3 =	simm.s32 $0x0;
	s24 =	stileid.u32  }
0x3: {  	s4 =	srdreg.scid;
	s28 =	simm.s32 $0x800;
	s1 =	smul.u32 $0x1400, s24  }
0x4: {  	s29 =	simm.s32 $0x1400;
	s31 =	simm.s32 $0x5400;
	s5 =	smul.u32 $0x4F000, s24  }
0x5: {  	s6 =	sand.u32 $0x1, s4;
	s4 =	sadd.s32 $0x670C00, s0;
	s9 =	sadd.s32 $0x128400, s2  }
0x6: {  	[smem:$0x7FF] =	sst s3;
	s11 =	sadd.s32 $0x12C400, s2;
	s14 =	smul.u32 $0x140000, s24  }
0x7: {  	s30 =	simm.s32 $0x1;
	s12 =	sadd.s32 $0x130400, s2;
	s13 =	sadd.s32 $0x134400, s2  }
0x8: {  	s25 =	sadd.s32 $0x138000, s2;
	p0 =	seq.s32 s24, $0xF;
	p1 =	sne.s32 s24, $0xF  }
0x9: {  	_ =	strace $0x80000050;
	s7 =	ssub.s32 $0x2, s6;
	s25 =	sshrl.u32 @!p1 s25, $0x3  }
0xa: {  	s1 =	sshrl.u32 s1, $0x3;
	s5 =	sshrl.u32 s5, $0x2;
	s8 =	sshrl.u32 s7, $0x1  }
0xb: {  	s1 =	sadd.s32 s1, s0;
	s5 =	sadd.s32 s5, s2;
	s0 =	sadd.s32 $0x4200, s0  }
0xc: {  	s7 =	ssub.s32 s7, s8;
	s17 =	sadd.s32 $0x4000, s5;
	s18 =	sadd.s32 $0x8000, s5  }
0xd: {  	s19 =	sadd.s32 $0xC000, s5;
	s10 =	sadd.s32 $0x10000, s5;
	[dreg:$0x3] =	wrdreg s17  }
0xe: {  	s15 =	sadd.s32 $0x15C400, s1;
	[dreg:$0x4] =	wrdreg s18;
	s18 =	smul.u32 $0x4E000, s24  }
0xf: {  	[dreg:$0x5] =	wrdreg s19;
	s17 =	sshll.u32 s6, $0xA;
	s19 =	smul.u32 $0x27000, s24  }
0x10: {  	s6 =	sshll.u32 s6, $0x7;
	s21 =	sor.u32 s17, s14;
	s14 =	sadd.s32 $0x138400, s2  }
0x11: {  	s20 =	sshrl.u32 s21, $0x3;
	s22 =	sshrl.u32 s18, $0x2;
	s17 =	sor.u32 s17, s19  }
0x12: {  	s23 =	sadd.s32 $0x138000, s21;
	s26 =	sor.u32 $0x8000, s21;
	s19 =	smax.u32 s7, $0x1  }
0x13: {  	s7 =	sor.u32 $0x10000, s21;
	s16 =	sadd.s32 s4, s20;
	s17 =	sshrl.u32 s17, $0x3  }
0x14: {  	s1 =	sadd.s32 s22, s2;
	s17 =	sadd.s32 s0, s17;
	s0 =	sadd.s32 s6, s0  }
0x15: {  	s6 =	sshrl.u32 s26, $0x3;
	s24 =	sshrl.u32 s1, $0x3;
	s26 =	simm.s32 $0x400  }
0x16: {  	s18 =	sadd.s32 $0x4E000, s0;
	s0 =	sshrl.u32 s23, $0x3;
	s22 =	sadd.s32 s6, s4  }
0x17: {  	v0 =	vimm.f32 $0.0e+00;
	s23 =	simm.s32 $0x2;
	s20 =	sadd.s32 s4, s0;
	s0 =	simm.s32 $0x80  }
.LBB2_1:
0x18: {  	s1 =	simm.s32 $0x0;
	s6 =	simm.s32 $0x200  }
.LBB2_2:
0x19: {  	p2 =	sne.s32 s6, $0xFE00;
	[tilespmem:s1+$0x1470] =	vst v0  }
0x1a: {  	[tilespmem:s1+$0x1400] =	vst v0  }
0x1b: {  	[tilespmem:s1+$0x1410] =	vst v0  }
.Ltmp0:
0x1c: {  	[tilespmem:s1+$0x1420] =	vst v0;
	(pc) =	sbr.rel @p2 .LBB2_2-.Ltmp0, $4  }
0x1d: {  	[tilespmem:s1+$0x1430] =	vst v0  }
0x1e: {  	[tilespmem:s1+$0x1440] =	vst v0  }
0x1f: {  	[tilespmem:s1+$0x1450] =	vst v0  }
0x20: {  	[tilespmem:s1+$0x1460] =	vst v0;
	s1 =	sshra.s32 s6, $0x2;
	s6 =	sadd.s32 $0x200, s6  }
0x21: {  	[tilespmem:s1+$0x1470] =	vst v0  }
0x22: {  	[tilespmem:s1+$0x1400] =	vst v0  }
0x23: {  	[tilespmem:s1+$0x1410] =	vst v0  }
0x24: {  	[tilespmem:s1+$0x1420] =	vst v0  }
0x25: {  	[tilespmem:s1+$0x1430] =	vst v0  }
0x26: {  	[tilespmem:s1+$0x1440] =	vst v0  }
0x27: {  	[tilespmem:s1+$0x1450] =	vst v0  }
0x28: {  	[tilespmem:s1+$0x1460] =	vst v0;
	s1 =	simm.s32 @p0 $0x1400;
	s6 =	simm.s32 @p0 $0x2  }
0x29: {  	[spmem:s9] =	stream.linear.scatter @p0 [tilespmem:s1], [sflag:$0x2], $0x4000, $0x38;
	[tilespmem:$0x1CCC0] =	vst v63  }
0x2a: {  	_ =	swait.ge @p0 [sflag:s6], $0x4000  }
0x2b: {  	[sflag:s6] =	ssyncset.done @p0 $0x0  }
0x2c: {  	[sflag:s6] =	ssyncadd.s32 @p0 $0xFFFFC000  }
0x2d: {  	[spmem:s11] =	stream.linear.scatter @p0 [tilespmem:s1], [sflag:$0x2], $0x4000, $0x38;
	[tilespmem:$0x1CCC0] =	vst v63  }
0x2e: {  	_ =	swait.ge @p0 [sflag:s6], $0x4000  }
0x2f: {  	[sflag:s6] =	ssyncset.done @p0 $0x0  }
0x30: {  	[sflag:s6] =	ssyncadd.s32 @p0 $0xFFFFC000  }
0x31: {  	[spmem:s12] =	stream.linear.scatter @p0 [tilespmem:s1], [sflag:$0x2], $0x4000, $0x38;
	[tilespmem:$0x1CCC0] =	vst v63  }
0x32: {  	_ =	swait.ge @p0 [sflag:s6], $0x4000  }
0x33: {  	[sflag:s6] =	ssyncset.done @p0 $0x0  }
0x34: {  	[sflag:s6] =	ssyncadd.s32 @p0 $0xFFFFC000  }
0x35: {  	[spmem:s13] =	stream.linear.scatter @p0 [tilespmem:s1], [sflag:$0x2], $0x4000, $0x38;
	[tilespmem:$0x1CCC0] =	vst v63  }
0x36: {  	_ =	swait.ge @p0 [sflag:s6], $0x4000  }
0x37: {  	[sflag:s6] =	ssyncset.done @p0 $0x0  }
0x38: {  	[sflag:s6] =	ssyncadd.s32 @p0 $0xFFFFC000  }
0x39: {  	[spmem:s14] =	stream.linear.scatter @p0 [tilespmem:s1], [sflag:$0x2], $0x800, $0x38;
	[tilespmem:$0x1CCC0] =	vst v63  }
0x3a: {  	_ =	swait.ge @p0 [sflag:s6], $0x800  }
0x3b: {  	[sflag:s6] =	ssyncset.done @p0 $0x0  }
0x3c: {  	s1 =	simm.s32 @!p0 $0x1400;
	[sflag:s6] =	ssyncadd.s32 @p0 $0xFFFFF800;
	s6 =	simm.s32 @!p0 $0x2  }
0x3d: {  	[spmem:s5] =	stream.linear.scatter @!p0 [tilespmem:s1], [sflag:$0x2], $0x4000, $0x38;
	[tilespmem:$0x1CCC0] =	vst v63  }
0x3e: {  	_ =	swait.ge @!p0 [sflag:s6], $0x4000  }
0x3f: {  	[sflag:s6] =	ssyncset.done @!p0 $0x0  }
0x40: {  	s8 =	rddreg [dreg:$0x3];
	[sflag:s6] =	ssyncadd.s32 @!p0 $0xFFFFC000  }
0x41: {  	[spmem:s8] =	stream.linear.scatter @!p0 [tilespmem:s1], [sflag:$0x2], $0x4000, $0x38;
	[tilespmem:$0x1CCC0] =	vst v63  }
0x42: {  	_ =	swait.ge @!p0 [sflag:s6], $0x4000  }
0x43: {  	[sflag:s6] =	ssyncset.done @!p0 $0x0  }
0x44: {  	s8 =	rddreg [dreg:$0x4];
	[sflag:s6] =	ssyncadd.s32 @!p0 $0xFFFFC000  }
0x45: {  	[spmem:s8] =	stream.linear.scatter @!p0 [tilespmem:s1], [sflag:$0x2], $0x4000, $0x38;
	[tilespmem:$0x1CCC0] =	vst v63  }
0x46: {  	_ =	swait.ge @!p0 [sflag:s6], $0x4000  }
0x47: {  	[sflag:s6] =	ssyncset.done @!p0 $0x0  }
0x48: {  	s8 =	rddreg [dreg:$0x5];
	[sflag:s6] =	ssyncadd.s32 @!p0 $0xFFFFC000  }
0x49: {  	[spmem:s8] =	stream.linear.scatter @!p0 [tilespmem:s1], [sflag:$0x2], $0x4000, $0x38;
	[tilespmem:$0x1CCC0] =	vst v63  }
0x4a: {  	_ =	swait.ge @!p0 [sflag:s6], $0x4000  }
0x4b: {  	[sflag:s6] =	ssyncset.done @!p0 $0x0  }
0x4c: {  	[sflag:s6] =	ssyncadd.s32 @!p0 $0xFFFFC000  }
0x4d: {  	[spmem:s10] =	stream.linear.scatter @!p0 [tilespmem:s1], [sflag:$0x2], $0x3C00, $0x38;
	[tilespmem:$0x1CCC0] =	vst v63  }
0x4e: {  	_ =	swait.ge @!p0 [sflag:s6], $0x3C00  }
0x4f: {  	[sflag:s6] =	ssyncset.done @!p0 $0x0  }
0x50: {  	s1 =	simm.s32 $0x0;
	[sflag:s6] =	ssyncadd.s32 @!p0 $0xFFFFC400  }
0x51: {  	[tilespmem:s1], [sflag:$0x2] =	stream.linear.gather [hbm4b:s15+s1], $0x1400, $0x38;
	[tilespmem:$0x1CCC0] =	vst v63  }
0x52: {  	_ =	swait.ge [sflag:s23], $0x1400  }
0x53: {  	[sflag:s23] =	ssyncset.done $0x0  }
0x54: {  	[sflag:s23] =	ssyncadd.s32 $0xFFFFEC00  }
0x55: {  	[bflag:$0x0] =	sbarrier.arrive $0xFFFF  }
0x56: {  	[tilespmem:s29], [sflag:$0x1] =	stream.strided.gather [hbm4b:s16+s26], $0x4000, s28, s26, $0x38;
	[tilespmem:$0x1CCC0] =	vst v63  }
0x57: {  	_ =	swait.ge [sflag:s30], $0x4000  }
0x58: {  	[sflag:s30] =	ssyncset.done $0x0  }
0x59: {  	s21 =	sadd.s32 $0x0, s22;
	[sflag:s30] =	ssyncadd.s32 $0xFFFFC000  }
0x5a: {  	[tilespmem:s31], [sflag:$0x1] =	stream.strided.gather [hbm4b:s21+s26], $0x4000, s28, s26, $0x38;
	[tilespmem:$0x1CCC0] =	vst v63  }
0x5b: {  	_ = 	snop  }
0x5c: {  	[spmem:s2] =	stream.indirect.scatter.add.f32 [tilespmem:s29], [sflag:$0x2], $0x80, s1, s0, $0xb8;
	[tilespmem:$0x1CCC0] =	vst v63  }
0x5d: {  	_ =	swait.ge [sflag:s23], $0x4000  }
0x5e: {  	[sflag:s23] =	ssyncset.done $0x0  }
0x5f: {  	[sflag:s23] =	ssyncadd.s32 $0xFFFFC000  }
0x60: {  	_ =	swait.ge [sflag:s30], $0x4000  }
0x61: {  	s8 =	sshrl.u32 s7, $0x3;
	[sflag:s30] =	ssyncset.done $0x0  }
0x62: {  	s6 =	sadd.s32 s4, s8;
	[sflag:s30] =	ssyncadd.s32 $0xFFFFC000  }
0x63: {  	[tilespmem:s29], [sflag:$0x1] =	stream.strided.gather [hbm4b:s6+s26], $0x4000, s28, s26, $0x38;
	[tilespmem:$0x1CCC0] =	vst v63  }
0x64: {  	s21 =	simm.s32 $0x80  }
0x65: {  	[spmem:s2] =	stream.indirect.scatter.add.f32 [tilespmem:s31], [sflag:$0x2], $0x80, s21, s0, $0xb8;
	[tilespmem:$0x1CCC0] =	vst v63  }
0x66: {  	_ =	swait.ge [sflag:s23], $0x4000  }
0x67: {  	s6 =	simm.s32 $0x2000;
	s21 =	smov.u32 s7;
	[sflag:s23] =	ssyncset.done $0x0  }
.LBB2_4:
0x68: {  	[sflag:s23] =	ssyncadd.s32 $0xFFFFC000;
	s1 =	sadd.s32 $0x100, s1;
	s21 =	sadd.s32 $0x10000, s21  }
0x69: {  	p2 =	sne.s32 s6, $0x24000;
	s8 =	smov.u32 s6;
	s6 =	sadd.s32 $0x2000, s6  }
0x6a: {  	_ =	swait.ge [sflag:s30], $0x4000  }
0x6b: {  	[sflag:s30] =	ssyncset.done $0x0  }
0x6c: {  	s8 =	sadd.s32 s8, s22;
	[sflag:s30] =	ssyncadd.s32 $0xFFFFC000  }
0x6d: {  	[tilespmem:s31], [sflag:$0x1] =	stream.strided.gather [hbm4b:s8+s26], $0x4000, s28, s26, $0x38;
	[tilespmem:$0x1CCC0] =	vst v63  }
0x6e: {  	_ = 	snop  }
0x6f: {  	[spmem:s2] =	stream.indirect.scatter.add.f32 [tilespmem:s29], [sflag:$0x2], $0x80, s1, s0, $0xb8;
	[tilespmem:$0x1CCC0] =	vst v63  }
0x70: {  	_ =	swait.ge [sflag:s23], $0x4000  }
0x71: {  	[sflag:s23] =	ssyncset.done $0x0  }
0x72: {  	[sflag:s23] =	ssyncadd.s32 $0xFFFFC000  }
0x73: {  	_ =	swait.ge [sflag:s30], $0x4000  }
0x74: {  	s8 =	sshrl.u32 s21, $0x3;
	[sflag:s30] =	ssyncset.done $0x0  }
0x75: {  	s8 =	sadd.s32 s4, s8;
	[sflag:s30] =	ssyncadd.s32 $0xFFFFC000  }
0x76: {  	[tilespmem:s29], [sflag:$0x1] =	stream.strided.gather [hbm4b:s8+s26], $0x4000, s28, s26, $0x38;
	[tilespmem:$0x1CCC0] =	vst v63  }
.Ltmp1:
0x77: {  	_ = 	snop;
	(pc) =	sbr.rel @p2 .LBB2_4-.Ltmp1, $4  }
0x78: {  	s8 =	sadd.s32 $0x80, s1  }
0x79: {  	[spmem:s2] =	stream.indirect.scatter.add.f32 [tilespmem:s31], [sflag:$0x2], $0x80, s8, s0, $0xb8;
	[tilespmem:$0x1CCC0] =	vst v63  }
0x7a: {  	_ =	swait.ge [sflag:s23], $0x4000  }
0x7b: {  	[sflag:s23] =	ssyncset.done $0x0  }
0x7c: {  	[sflag:s23] =	ssyncadd.s32 $0xFFFFC000  }
0x7d: {  	_ =	swait.ge [sflag:s30], $0x4000  }
0x7e: {  	[sflag:s30] =	ssyncset.done $0x0  }
0x7f: {  	[sflag:s30] =	ssyncadd.s32 $0xFFFFC000  }
0x80: {  	[tilespmem:s31], [sflag:$0x1] =	stream.strided.gather [hbm4b:s20+s26], $0x4000, s28, s26, $0x38;
	[tilespmem:$0x1CCC0] =	vst v63  }
0x81: {  	s1 =	simm.s32 $0x1300  }
0x82: {  	[spmem:s2] =	stream.indirect.scatter.add.f32 [tilespmem:s29], [sflag:$0x2], $0x80, s1, s0, $0xb8;
	[tilespmem:$0x1CCC0] =	vst v63  }
0x83: {  	_ =	swait.ge [sflag:s23], $0x4000  }
0x84: {  	[sflag:s23] =	ssyncset.done $0x0  }
0x85: {  	[sflag:s23] =	ssyncadd.s32 $0xFFFFC000  }
0x86: {  	_ =	swait.ge [sflag:s30], $0x4000  }
0x87: {  	[sflag:s30] =	ssyncset.done $0x0  }
0x88: {  	s8 =	simm.s32 $0x1380;
	[sflag:s30] =	ssyncadd.s32 $0xFFFFC000  }
0x89: {  	[spmem:s2] =	stream.indirect.scatter.add.f32 [tilespmem:s31], [sflag:$0x2], $0x80, s8, s0, $0xb8;
	[tilespmem:$0x1CCC0] =	vst v63  }
0x8a: {  	_ =	swait.ge [sflag:s23], $0x4000  }
0x8b: {  	s21 =	stileid.u32;
	[sflag:s23] =	ssyncset.done $0x0  }
0x8c: {  	s6 =	simm.s32 $0x8;
	s1 =	sshll.u32 s21, $0x6;
	[sflag:s23] =	ssyncadd.s32 $0xFFFFC000  }
0x8d: {  	s1 =	sor.u32 $0x1C02, s1;
	s8 =	simm.s32 $0x100;
	[bflag:$0x0] =	sbarrier.arrive $0xFFFF  }
0x8e: {  	[hbm:s17@s8], [sflag:s1] =	dma.strided [spmem:s24@s0], $0x2700, s6, $0x10   }
0x8f: {  	s3 =	sadd.s32 $0x1, s3;
	_ =	swait.ge [sflag:s23], $0x2700  }
0x90: {  	p2 =	sne.s32 s3, s19;
	s21 =	simm.s32 @!p1 $0x80;
	[sflag:s23] =	ssyncset.done $0x0  }
0x91: {  	s6 =	simm.s32 @!p1 $0x8;
	s8 =	simm.s32 @!p1 $0x100;
	[sflag:s23] =	ssyncadd.s32 $0xFFFFD900  }
0x92: {  	[hbm:s18@s8], [sflag:s1] =	dma.strided @!p1 [spmem:s25@s21], $0x100, s6, $0x10   }
.Ltmp2:
0x93: {  	_ = 	snop;
	(pc) =	sbr.rel @p2 .LBB2_1-.Ltmp2, $4  }
0x94: {  	s1 =	simm.s32 @!p1 $0x2  }
0x95: {  	_ =	swait.ge @!p1 [sflag:s1], $0x100  }
0x96: {  	[sflag:s1] =	ssyncset.done @!p1 $0x0  }
0x97: {  	[sflag:s1] =	ssyncadd.s32 @!p1 $0xFFFFFF00  }
0x98: {  	_ =	sfence.sel $0x180000  }
0x99: {  	[bflag:$0x0] =	sbarrier.arrive $0xFFFF  }
0x9a: {  	_ =	strace $0x90000050  }
0x9b: {  	s0 =	stileid.u32;
	[bflag:$0x2] =	sbarrier.arrive $0xFFFF  }
0x9c: {  	p0 =	sne.s32 s0, $0x0;
	s0 =	rddreg [dreg:$0x2]  }
0x9d: {  	s0 =	sadd.s32 @!p0 $0x100000, s0  }
0x9e: {  	[sflag:s0] =	ssyncadd.tile.s32 @!p0 $0x1;
	_ =	shalt  }
.Lfunc_end2:
_tile_overlayer_lowered:
.L_overlay_start_2:
0x9f: {  	(tag) =	ssettag $0x2  }
0xa0: {  	s0 =	rddreg [dreg:$0x0];
	s2 =	stileid.u32  }
0xa1: {  	s1 =	rddreg [dreg:$0x1];
	p0 =	sne.s32 s2, $0x0  }
0xa2: {  	s3 =	rddreg [dreg:$0x2];
	[bflag:$0x3] =	sbarrier.arrive $0xFFFF;
	s2 =	simm.s32 @!p0 $0x1C02  }
0xa3: {  	[timem:s3], [sflag:s2] =	dma.local @!p0 [hbm:s0], s1  }
0xa4: {  	s0 =	simm.s32 @!p0 $0x2  }
0xa5: {  	_ =	swait.ge @!p0 [sflag:s0], s1  }
0xa6: {  	s1 =	ssub.s32 @!p0 $0x0, s1;
	[sflag:s0] =	ssyncset.done @!p0 $0x0  }
0xa7: {  	[sflag:s0] =	ssyncadd.s32 @!p0 s1  }
0xa8: {  	[bflag:$0x3] =	sbarrier.arrive $0xFFFF  }
0xa9: {  	_ =	shalt  }

// kernel: kernel.9.cloned.1.call-start
scs
__scs_entry_jumppad:
0x0: {  	(pc) =	sbr.rel $0x88, $3  }
0x1: {  	(tag) =	ssettag $0x0;
	lr =	simm.s32 $0x1  }
0x2: {  	[smem:$0x3F95] =	sst lr;
	_ =	strace $0xD0000000  }
0x3: {  	_ = 	snop  }
0x4: {  	_ = 	snop  }
0x5: {  	_ = 	snop  }
0x6: {  	_ = 	snop  }
0x7: {  	_ = 	snop  }
__scs_overlays_trampoline_lowered:
0x8: {  	[smem:$0x3FA4] =	sst s0  }
0x9: {  	[smem:$0x3FA5] =	sst s1  }
0xa: {  	[smem:$0x3FA6] =	sst s2  }
0xb: {  	[smem:$0x3FA7] =	sst s3  }
0xc: {  	[smem:$0x3FA8] =	sst s4  }
0xd: {  	[smem:$0x3FA9] =	sst s5  }
0xe: {  	[smem:$0x3FAA] =	sst s6  }
0xf: {  	[smem:$0x3FAB] =	sst s7  }
0x10: {  	[smem:$0x3FAC] =	sst s8  }
0x11: {  	[smem:$0x3FAD] =	sst s9;
	s0 =	simm.s32 @!p0 $0x0  }
0x12: {  	s1 =	sld [smem:$0x3F93];
	s0 =	simm.s32 @p0 $0x1  }
0x13: {  	[smem:$0x3FAE] =	sst s0;
	s0 =	simm.s32 @!p1 $0x0  }
0x14: {  	s2 =	sld [smem:$0x3F92];
	s0 =	simm.s32 @p1 $0x1  }
0x15: {  	[smem:$0x3FAF] =	sst s0;
	s0 =	simm.s32 @!p2 $0x0  }
0x16: {  	s3 =	sld [smem:$0x3FDB];
	s0 =	simm.s32 @p2 $0x1  }
0x17: {  	s4 =	simm.s32 $0x1BF5;
	[smem:$0x3FB1] =	sst s0  }
0x18: {  	s0 =	sld [smem:$0x3F94];
	_ =	swait.ge [sflag:s4], $0x0  }
0x19: {  	s7 =	sld [smem:$0x3F95]  }
0x1a: {  	s8 =	sadd.s32 $0xFFFFE003, lr  }
0x1b: {  	s9 =	sadd.s32 $0xFFFFFEF7, lr;
	s5 =	simm.s32 $0xFFFFFFFF;
	p2 =	slt.u32 s8, $0xFFFFF086  }
0x1c: {  	p1 =	slt.u32 s9, $0xF7A;
	s5 =	simm.s32 @!p2 $0x0  }
0x1d: {  	s5 =	simm.s32 @p1 $0x1;
	p0 =	seq.s32 s7, s2  }
0x1e: {  	s7 =	smul.u32 @!p0 $0xF7A, s2;
	p2 =	seq.s32 @!p0 s5, $0x0  }
0x1f: {  	s9 =	smul.u32 $0xF7A, s1;
	s8 =	simm.s32 @!p0 $0x1BF5;
	p2 =	por !p2, p0  }
0x20: {  	[sflag:s8] =	ssyncset.s32 @!p0 $0xFFFFF086;
	s6 =	sadd.s32 @!p0 s3, s7;
	s7 =	simm.s32 @!p0 $0x108  }
0x21: {  	s3 =	sadd.s32 s3, s9;
	s6 =	sadd.s32 @!p0 $0x88, s6;
	s7 =	simm.s32 @p2 $0x1082  }
0x22: {  	[simem:s7], [sflag:s8] =	dma.local @!p0 [hbm:s6], $0xF7A  }
0x23: {  	s9 =	sor.u32 $0xD0000000, s2;
	s6 =	simm.s32 $0x108;
	_ =	swait.ge @!p0 [sflag:s8], $0x0  }
0x24: {  	s3 =	sadd.s32 $0x88, s3;
	s6 =	simm.s32 @!p1 $0x1082;
	[sflag:s4] =	ssyncset.s32 $0xFFFFF086  }
0x25: {  	[simem:s6], [sflag:s4] =	dma.local [hbm:s3], $0xF7A  }
0x26: {  	[smem:$0x3F95] =	sst s1;
	(tag) =	ssettag s2;
	_ =	strace s9  }
0x27: {  	s1 =	sld [smem:$0x3FA5]  }
0x28: {  	s2 =	sld [smem:$0x3FA6]  }
0x29: {  	s4 =	sld [smem:$0x3FA8]  }
0x2a: {  	p0 =	seq.s32 s5, $0x0;
	s5 =	sld [smem:$0x3FA9]  }
0x2b: {  	s6 =	sld [smem:$0x3FAA]  }
0x2c: {  	s7 =	sld [smem:$0x3FAB]  }
0x2d: {  	s3 =	simm.s32 $0x108;
	s8 =	sld [smem:$0x3FAC]  }
0x2e: {  	s3 =	simm.s32 @!p0 $0x1082;
	s9 =	sld [smem:$0x3FAD]  }
0x2f: {  	lr =	sadd.s32 s0, s3;
	s0 =	sld [smem:$0x3FA4]  }
0x30: {  	s3 =	sld [smem:$0x3FA7]  }
0x31: {  	[smem:$0x3FB0] =	sst s10  }
0x32: {  	s10 =	sld [smem:$0x3FAE];
	_ =	sdelay $0x3  }
0x33: {  	p0 =	seq.s32 s10, $0x1;
	s10 =	sld [smem:$0x3FB0];
	_ =	sdelay $0x3  }
0x34: {  	[smem:$0x3FB0] =	sst s10  }
0x35: {  	s10 =	sld [smem:$0x3FAF];
	_ =	sdelay $0x3  }
0x36: {  	p1 =	seq.s32 s10, $0x1;
	s10 =	sld [smem:$0x3FB0];
	_ =	sdelay $0x3  }
0x37: {  	[smem:$0x3FB0] =	sst s10  }
0x38: {  	s10 =	sld [smem:$0x3FB1]  }
0x39: {  	_ = 	snop;
	(pc) =	sbr.ind lr, $3  }
0x3a: {  	_ = 	snop  }
0x3b: {  	_ = 	snop  }
0x3c: {  	p2 =	seq.s32 s10, $0x1;
	s10 =	sld [smem:$0x3FB0]  }
0x3d: {  	_ =	shalt  }
0x3e: {  	_ =	shalt  }
0x3f: {  	_ =	shalt  }
0x40: {  	_ =	shalt  }
0x41: {  	_ =	shalt  }
0x42: {  	_ =	shalt  }
0x43: {  	_ =	shalt  }
0x44: {  	_ =	shalt  }
0x45: {  	_ =	shalt  }
0x46: {  	_ =	shalt  }
0x47: {  	_ =	shalt  }
0x48: {  	_ =	shalt  }
0x49: {  	_ =	shalt  }
0x4a: {  	_ =	shalt  }
0x4b: {  	_ =	shalt  }
0x4c: {  	_ =	shalt  }
0x4d: {  	_ =	shalt  }
0x4e: {  	_ =	shalt  }
0x4f: {  	_ =	shalt  }
0x50: {  	_ =	shalt  }
0x51: {  	_ =	shalt  }
0x52: {  	_ =	shalt  }
0x53: {  	_ =	shalt  }
0x54: {  	_ =	shalt  }
0x55: {  	_ =	shalt  }
0x56: {  	_ =	shalt  }
0x57: {  	_ =	shalt  }
0x58: {  	_ =	shalt  }
0x59: {  	_ =	shalt  }
0x5a: {  	_ =	shalt  }
0x5b: {  	_ =	shalt  }
0x5c: {  	_ =	shalt  }
0x5d: {  	_ =	shalt  }
0x5e: {  	_ =	shalt  }
0x5f: {  	_ =	shalt  }
0x60: {  	_ =	shalt  }
0x61: {  	_ =	shalt  }
0x62: {  	_ =	shalt  }
0x63: {  	_ =	shalt  }
0x64: {  	_ =	shalt  }
0x65: {  	_ =	shalt  }
0x66: {  	_ =	shalt  }
0x67: {  	_ =	shalt  }
0x68: {  	_ =	shalt  }
0x69: {  	_ =	shalt  }
0x6a: {  	_ =	shalt  }
0x6b: {  	_ =	shalt  }
0x6c: {  	_ =	shalt  }
0x6d: {  	_ =	shalt  }
0x6e: {  	_ =	shalt  }
0x6f: {  	_ =	shalt  }
0x70: {  	_ =	shalt  }
0x71: {  	_ =	shalt  }
0x72: {  	_ =	shalt  }
0x73: {  	_ =	shalt  }
0x74: {  	_ =	shalt  }
0x75: {  	_ =	shalt  }
0x76: {  	_ =	shalt  }
0x77: {  	_ =	shalt  }
0x78: {  	_ =	shalt  }
0x79: {  	_ =	shalt  }
0x7a: {  	_ =	shalt  }
0x7b: {  	_ =	shalt  }
0x7c: {  	_ =	shalt  }
0x7d: {  	_ =	shalt  }
0x7e: {  	_ =	shalt  }
0x7f: {  	_ =	shalt  }
0x80: {  	_ =	shalt  }
0x81: {  	_ =	shalt  }
0x82: {  	_ =	shalt  }
0x83: {  	_ =	shalt  }
0x84: {  	_ =	shalt  }
0x85: {  	_ =	shalt  }
0x86: {  	_ =	shalt  }
0x87: {  	_ =	shalt  }
.Lfunc_end0:
.L_simem_size_0:
called_computation_lowered:
.L_overlay_start_0:
0x88: {  	s2 =	sld [smem:$0x3FD9]  }
0x89: {  	s3 =	sld [smem:$0x3FFE];
	_ =	sdelay $0x1  }
0x8a: {  	s1 =	srdreg.scid  }
0x8b: {  	s0 =	sand.u32 $0x1, s1  }
0x8c: {  	s17 =	sshll.u32 s0, $0xA;
	s2 =	sadd.s32 s3, s2  }
0x8d: {  	s2 =	sadd.s32 s2, s17  }
0x8e: {  	[smem:$0x3FBC] =	sst s2  }
0x8f: {  	_ = 	snop  }
0x90: {  	s2 =	sld [smem:$0x3FD0];
	(tm) =	ssettm $0x1  }
0x91: {  	s18 =	sld [smem:$0x3FFB];
	_ =	sdelay $0x3  }
0x92: {  	_ =	strace s18  }
0x93: {  	s3 =	sld [smem:$0x3FFC];
	_ =	sdelay $0x3  }
0x94: {  	_ =	strace s3  }
0x95: {  	s3 =	sld [smem:$0x3FFD];
	_ =	sdelay $0x3  }
0x96: {  	_ =	strace s3  }
0x97: {  	_ =	strace $0x8FFFFFFF  }
0x98: {  	s19 =	sld [smem:$0x3FDB];
	_ =	sdelay $0x1  }
0x99: {  	s4 =	simm.s32 $_scs_section_size  }
0x9a: {  	s5 =	simm.s32 $_size__tile_overlayer_lowered;
	s6 =	simm.s32 $_tile_overlayer_lowered  }
0x9b: {  	s22 =	simm.s32 $0x1BFF;
	s21 =	sshll.u32 s6, $0x1;
	s3 =	sadd.s32 s4, s19  }
0x9c: {  	s7 =	simm.s32 $0x0;
	s20 =	sshll.u32 s5, $0x1;
	s5 =	sadd.s32 s21, s3  }
0x9d: {  	[timem:s7], [sflag:s22] =	dma.local [hbm:s5], s20  }
0x9e: {  	_ =	swait.ge [sflag:s22], s20  }
0x9f: {  	s4 =	ssub.s32 $0x0, s20;
	[sflag:s22] =	ssyncset.done $0x0  }
0xa0: {  	[sflag:s22] =	ssyncadd.s32 s4;
	_ =	sdelay $0x1  }
0xa1: {  	s23 =	simm.s32 $0x1B8B  }
0xa2: {  	_ =	swait.ge [sflag:s23], $0x1  }
0xa3: {  	[sflag:s23] =	ssyncset.done $0x0  }
0xa4: {  	s25 =	simm.s32 $0x1B8E;
	s24 =	sld [smem:$0x3FFE];
	[sflag:s23] =	ssyncadd.s32 $0xFFFFFFFF  }
0xa5: {  	s26 =	simm.s32 $execute0_lowered;
	[smem:$0x3FD2] =	sst s25  }
0xa6: {  	s5 =	sshll.u32 s26, $0x1;
	_ =	strace $0x80000046;
	[dreg:$0x1] =	wrdreg $0xFFFFFFFF  }
0xa7: {  	s28 =	simm.s32 $_size_execute0_lowered;
	s3 =	sadd.s32 s3, s5;
	[dreg:$0x0] =	wrdreg $0x0  }
0xa8: {  	s5 =	sshll.u32 s28, $0x1;
	[dreg:$0x2] =	wrdreg s3  }
0xa9: {  	[dreg:$0x3] =	wrdreg s5  }
0xaa: {  	[dreg:$0x4] =	wrdreg $0xC0  }
0xab: {  	_ =	task [dreg:s7], $0x5FFFF  }
0xac: {  	[dreg:$0x1] =	wrdreg $0xFFFFFFFF  }
0xad: {  	[dreg:$0x0] =	wrdreg $0x60  }
0xae: {  	[dreg:$0x2] =	wrdreg s2  }
0xaf: {  	[dreg:$0x3] =	wrdreg s24  }
0xb0: {  	[dreg:$0x4] =	wrdreg $0x8C000  }
0xb1: {  	[dreg:$0x5] =	wrdreg $0xA  }
0xb2: {  	_ =	task.clear_ibuf [dreg:s7], $0x6FFFF;
	_ =	strace $0x90000046  }
0xb3: {  	s29 =	simm.s32 $0xA;
	_ =	strace $0x80000048  }
0xb4: {  	_ =	swait.ge [sflag:s29], $0x1  }
0xb5: {  	[sflag:s29] =	ssyncadd.s32 $0xFFFFFFFF  }
0xb6: {  	_ =	strace $0x90000048  }
0xb7: {  	_ =	sfence  }
0xb8: {  	s30 =	sld [smem:$0x0];
	_ =	sdelay $0x2  }
0xb9: {  	s31 =	sshll.u32 s1, $0xD;
	s1 =	sshrl.u32 s1, $0x2  }
0xba: {  	s3 =	sand.u32 $0x4000, s31;
	s1 =	sadd.s32 s1, s30  }
0xbb: {  	s0 =	sor.u32 s3, s0;
	s1 =	sshll.u32 s1, $0x11  }
0xbc: {  	s0 =	sor.u32 s1, s0  }
0xbd: {  	s0 =	sadd.s32 $0x8F2B, s0  }
0xbe: {  	[sflag:s0] =	ssyncadd.remote.s32 $0x1  }
0xbf: {  	_ =	sfence.sel $0xFFFF  }
0xc0: {  	[dreg:$0x0] =	wrdreg $0xFFFFFFFF;
	(pc) =	sbr.abs _section_cstart, $3  }
0xc1: {  	[dreg:$0x1] =	wrdreg $0xFFFFFFFF  }
0xc2: {  	_ =	task.clear_ibuf [dreg:s7], $0x2FFFF;
	_ =	strace $0x9FFFFFFF  }
0xc3: {  	(tm) =	ssettm $0x7FFFFFFF  }
tec
execute0_lowered:
.L_overlay_start_1:
0x0: {  	(tag) =	ssettag $0x1  }
0x1: {  	s6 =	rddreg [dreg:$0x0]  }
0x2: {  	s5 =	rddreg [dreg:$0x1]  }
0x3: {  	s2 =	rddreg [dreg:$0x2]  }
0x4: {  	s1 =	stileid.u32;
	s0 =	rddreg [dreg:$0x3]  }
0x5: {  	s3 =	simm.s32 $0x0;
	s7 =	srdreg.scid;
	s4 =	smul.u32 $0x2700, s1  }
0x6: {  	s17 =	simm.s32 $0x1;
	s18 =	simm.s32 $0x80;
	s8 =	smul.u32 $0x4E000, s1  }
0x7: {  	s19 =	simm.s32 $0x4C00;
	s20 =	simm.s32 $0x980;
	s16 =	smul.u32 $0xA0000, s1  }
0x8: {  	s21 =	simm.s32 $0x0;
	s9 =	sand.u32 $0x1, s7;
	s30 =	smul.u32 $0x14000, s1  }
0x9: {  	[smem:$0x7FF] =	sst s3;
	s25 =	sshll.u32 s1, $0x1;
	s29 =	smul.u32 $0x50000, s9  }
0xa: {  	s10 =	sadd.s32 $0x2B400, s5;
	s7 =	sor.u32 s9, s25;
	s31 =	smul.u32 $0xA000, s9  }
0xb: {  	p0 =	seq.s32 s1, $0xF;
	_ =	strace $0x80000047;
	s13 =	smul.u32 $0x180, s7  }
0xc: {  	s11 =	ssub.s32 $0x2, s9;
	s4 =	sadd.s32 s4, s5;
	s26 =	smul.u32 $0x50000, s7  }
0xd: {  	s12 =	sshrl.u32 s11, $0x1;
	s8 =	sshrl.u32 s8, $0x2;
	s15 =	smul.u32 $0xA000, s7  }
0xe: {  	s5 =	sadd.s32 $0x28B00, s5;
	s11 =	ssub.s32 s11, s12;
	s14 =	sadd.s32 s8, s2  }
0xf: {  	s4 =	sadd.s32 $0x4200, s4;
	s12 =	sadd.s32 $0x124800, s2;
	s28 =	sshrl.u32 s26, $0x3  }
0x10: {  	s6 =	sadd.s32 s6, s13;
	s7 =	smax.u32 s11, $0x1;
	s15 =	sadd.s32 s10, s15  }
0x11: {  	s13 =	sadd.s32 s29, s16;
	s11 =	sadd.s32 s30, s10;
	s12 =	sshrl.u32 @p0 s12, $0x3  }
0x12: {  	s14 =	sshrl.u32 @!p0 s14, $0x3;
	s16 =	simm.s32 $0xC00;
	s8 =	sadd.s32 s10, s28  }
0x13: {  	s9 =	sadd.s32 $0x9800, s15;
	s13 =	sshrl.u32 s13, $0x3;
	s11 =	sadd.s32 s31, s11  }
0x14: {  	s15 =	simm.s32 $0x2;
	s10 =	sadd.s32 s13, s10;
	s13 =	sshll.u32 @!p0 s1, $0x6  }
0x15: {  	s8 =	sadd.s32 $0x9000, s8;
	s11 =	sadd.s32 $0x800, s11;
	s13 =	sor.u32 @!p0 $0x1C02, s13  }
.LBB2_1:
0x16: {  	s22 =	simm.s32 @p0 $0x1FC2  }
0x17: {  	[spmem:s12], [sflag:s22] =	dma.local @p0 [hbm:s5], $0x2800  }
0x18: {  	s22 =	simm.s32 @p0 $0x2  }
0x19: {  	_ =	swait.ge @p0 [sflag:s22], $0x2800  }
0x1a: {  	[sflag:s22] =	ssyncset.done @p0 $0x0  }
0x1b: {  	[sflag:s22] =	ssyncadd.s32 @p0 $0xFFFFD800;
	s22 =	simm.s32 @!p0 $0x2  }
0x1c: {  	[spmem:s14], [sflag:s13] =	dma.local @!p0 [hbm:s4], $0x2700  }
0x1d: {  	_ =	swait.ge @!p0 [sflag:s22], $0x2700  }
0x1e: {  	[sflag:s22] =	ssyncset.done @!p0 $0x0  }
0x1f: {  	[sflag:s22] =	ssyncadd.s32 @!p0 $0xFFFFD900  }
0x20: {  	[tilespmem:s3], [sflag:$0x2] =	stream.linear.gather [hbm4b:s6+s3], $0xA00, $0x38;
	[tilespmem:$0x1C480] =	vst v63  }
0x21: {  	_ =	swait.ge [sflag:s15], $0xA00  }
0x22: {  	[sflag:s15] =	ssyncset.done $0x0  }
0x23: {  	[sflag:s15] =	ssyncadd.s32 $0xFFFFF600  }
0x24: {  	[bflag:$0x0] =	sbarrier.arrive $0xFFFF  }
0x25: {  	[tilespmem:s16], [sflag:$0x1] =	stream.indirect.gather [spmem:s2], $0x80, s3, s18, $0xb8;
	[tilespmem:$0x1C480] =	vst v63  }
0x26: {  	_ =	swait.ge [sflag:s17], $0x4000  }
0x27: {  	[sflag:s17] =	ssyncset.done $0x0  }
0x28: {  	[sflag:s17] =	ssyncadd.s32 $0xFFFFC000  }
0x29: {  	[tilespmem:s19], [sflag:$0x1] =	stream.indirect.gather [spmem:s2], $0x80, s18, s18, $0xb8;
	[tilespmem:$0x1C480] =	vst v63  }
0x2a: {  	s29 =	sadd.s32 $0x0, s10  }
0x2b: {  	[hbm4b:s29+s3] =	stream.linear.scatter [tilespmem:s16], [sflag:$0x2], $0x4000, $0x38;
	[tilespmem:$0x1C480] =	vst v63  }
0x2c: {  	_ =	swait.ge [sflag:s15], $0x4000  }
0x2d: {  	[sflag:s15] =	ssyncset.done $0x0  }
0x2e: {  	[sflag:s15] =	ssyncadd.s32 $0xFFFFC000  }
0x2f: {  	_ =	swait.ge [sflag:s17], $0x4000  }
0x30: {  	[sflag:s17] =	ssyncset.done $0x0  }
0x31: {  	s30 =	simm.s32 $0x100;
	[sflag:s17] =	ssyncadd.s32 $0xFFFFC000  }
0x32: {  	[tilespmem:s16], [sflag:$0x1] =	stream.indirect.gather [spmem:s2], $0x80, s30, s18, $0xb8;
	[tilespmem:$0x1C480] =	vst v63  }
0x33: {  	s31 =	sadd.s32 $0x0, s11  }
0x34: {  	[hbm4b:s31+s3] =	stream.linear.scatter [tilespmem:s19], [sflag:$0x2], $0x4000, $0x38;
	[tilespmem:$0x1C480] =	vst v63  }
0x35: {  	_ =	swait.ge [sflag:s15], $0x4000  }
0x36: {  	s23 =	simm.s32 $0x80;
	s22 =	simm.s32 $0x1000;
	[sflag:s15] =	ssyncset.done $0x0  }
.LBB2_2:
0x37: {  	p1 =	sne.s32 s22, $0x8000;
	[sflag:s15] =	ssyncadd.s32 $0xFFFFC000;
	s23 =	sadd.s32 $0x100, s23  }
0x38: {  	s24 =	smov.u32 s22;
	s22 =	sadd.s32 $0x1000, s22  }
0x39: {  	_ =	swait.ge [sflag:s17], $0x4000  }
0x3a: {  	[sflag:s17] =	ssyncset.done $0x0  }
0x3b: {  	[sflag:s17] =	ssyncadd.s32 $0xFFFFC000  }
0x3c: {  	[tilespmem:s19], [sflag:$0x1] =	stream.indirect.gather [spmem:s2], $0x80, s23, s18, $0xb8;
	[tilespmem:$0x1C480] =	vst v63  }
0x3d: {  	s25 =	sadd.s32 s24, s10  }
0x3e: {  	[hbm4b:s25+s3] =	stream.linear.scatter [tilespmem:s16], [sflag:$0x2], $0x4000, $0x38;
	[tilespmem:$0x1C480] =	vst v63  }
0x3f: {  	_ =	swait.ge [sflag:s15], $0x4000  }
0x40: {  	[sflag:s15] =	ssyncset.done $0x0  }
0x41: {  	[sflag:s15] =	ssyncadd.s32 $0xFFFFC000  }
0x42: {  	_ =	swait.ge [sflag:s17], $0x4000  }
0x43: {  	[sflag:s17] =	ssyncset.done $0x0  }
0x44: {  	s25 =	sadd.s32 $0x80, s23;
	[sflag:s17] =	ssyncadd.s32 $0xFFFFC000  }
0x45: {  	[tilespmem:s16], [sflag:$0x1] =	stream.indirect.gather [spmem:s2], $0x80, s25, s18, $0xb8;
	[tilespmem:$0x1C480] =	vst v63  }
.Ltmp0:
0x46: {  	_ = 	snop;
	(pc) =	sbr.rel @p1 .LBB2_2-.Ltmp0, $4  }
0x47: {  	s24 =	sadd.s32 s24, s11  }
0x48: {  	[hbm4b:s24+s3] =	stream.linear.scatter [tilespmem:s19], [sflag:$0x2], $0x4000, $0x38;
	[tilespmem:$0x1C480] =	vst v63  }
0x49: {  	_ =	swait.ge [sflag:s15], $0x4000  }
0x4a: {  	[sflag:s15] =	ssyncset.done $0x0  }
0x4b: {  	[sflag:s15] =	ssyncadd.s32 $0xFFFFC000  }
0x4c: {  	_ =	swait.ge [sflag:s17], $0x4000  }
0x4d: {  	[sflag:s17] =	ssyncset.done $0x0  }
0x4e: {  	[sflag:s17] =	ssyncadd.s32 $0xFFFFC000  }
0x4f: {  	[tilespmem:s19], [sflag:$0x1] =	stream.indirect.gather [spmem:s2], $0x80, s20, s18, $0xb8;
	[tilespmem:$0x1C480] =	vst v63  }
0x50: {  	_ = 	snop  }
0x51: {  	[hbm4b:s8+s3] =	stream.linear.scatter [tilespmem:s16], [sflag:$0x2], $0x4000, $0x38;
	[tilespmem:$0x1C480] =	vst v63  }
0x52: {  	_ =	swait.ge [sflag:s15], $0x4000  }
0x53: {  	[sflag:s15] =	ssyncset.done $0x0  }
0x54: {  	[sflag:s15] =	ssyncadd.s32 $0xFFFFC000  }
0x55: {  	s21 =	sadd.s32 $0x1, s21;
	_ =	swait.ge [sflag:s17], $0x4000  }
0x56: {  	p1 =	sne.s32 s21, s7;
	[sflag:s17] =	ssyncset.done $0x0  }
.Ltmp1:
0x57: {  	[sflag:s17] =	ssyncadd.s32 $0xFFFFC000;
	(pc) =	sbr.rel @p1 .LBB2_1-.Ltmp1, $4  }
0x58: {  	[hbm4b:s9+s3] =	stream.linear.scatter [tilespmem:s19], [sflag:$0x2], $0x4000, $0x38;
	[tilespmem:$0x1C480] =	vst v63  }
0x59: {  	_ =	swait.ge [sflag:s15], $0x4000  }
0x5a: {  	[sflag:s15] =	ssyncset.done $0x0  }
0x5b: {  	[sflag:s15] =	ssyncadd.s32 $0xFFFFC000  }
0x5c: {  	_ =	sfence.sel $0x180000  }
0x5d: {  	[bflag:$0x0] =	sbarrier.arrive $0xFFFF  }
0x5e: {  	p0 =	sne.s32 s1, $0x0;
	_ =	strace $0x90000047  }
0x5f: {  	s0 =	sadd.s32 @!p0 $0x100000, s0;
	[bflag:$0x2] =	sbarrier.arrive $0xFFFF  }
0x60: {  	[sflag:s0] =	ssyncadd.tile.s32 @!p0 $0x1;
	_ =	shalt  }
.Lfunc_end2:
_tile_overlayer_lowered:
.L_overlay_start_2:
0x61: {  	(tag) =	ssettag $0x2  }
0x62: {  	s0 =	rddreg [dreg:$0x0];
	s2 =	stileid.u32  }
0x63: {  	s1 =	rddreg [dreg:$0x1];
	p0 =	sne.s32 s2, $0x0  }
0x64: {  	s3 =	rddreg [dreg:$0x2];
	[bflag:$0x3] =	sbarrier.arrive $0xFFFF;
	s2 =	simm.s32 @!p0 $0x1C02  }
0x65: {  	[timem:s3], [sflag:s2] =	dma.local @!p0 [hbm:s0], s1  }
0x66: {  	s0 =	simm.s32 @!p0 $0x2  }
0x67: {  	_ =	swait.ge @!p0 [sflag:s0], s1  }
0x68: {  	s1 =	ssub.s32 @!p0 $0x0, s1;
	[sflag:s0] =	ssyncset.done @!p0 $0x0  }
0x69: {  	[sflag:s0] =	ssyncadd.s32 @!p0 s1  }
0x6a: {  	[bflag:$0x3] =	sbarrier.arrive $0xFFFF  }
0x6b: {  	_ =	shalt  }

</sc_bundles>
